<compile_context>
chip_gen: v7x
topology: tpu7x:2x2x1
jax: 0.10.2.dev20260603
libtpu: 0.0.44.dev20260713+nightly
codegen_flags: <defaults>
</compile_context>

<pallas_src>
import functools

import jax
import jax.numpy as jnp
from jax import lax
from jax.experimental import pallas as pl
from jax.experimental.pallas import tpu as pltpu
from jax.experimental.pallas import tpu_sc as plsc

N = 10000
E = 320000
F_IN = 1433
HID = 8
HEADS = 8
NCLS = 7

NC = 2
NS = 16
NW = NC * NS
BLK = 512
Z = 10240
PAD_NODE = N
B = 128
ET = E + N
CHUNKS = -(-ET // (NW * B))
CHUNKS += CHUNKS % 2
EPW = CHUNKS * B
ET_PAD = EPW * NW

W1_COLS = HEADS * HID
ROW1 = 80
ROW2 = 16

_SC_PARAMS = pltpu.CompilerParams(
    use_tc_tiling_on_sc=False, needs_layout_passes=False)


def _tc1_body(xt_ref, w_ref, asrc_ref, adst_ref, hs_ref, ad_ref):
    h = lax.dot_general(xt_ref[...], w_ref[...], (((0,), (0,)), ((), ())),
                        preferred_element_type=jnp.float32)
    h3 = h.reshape(BLK, HEADS, HID)
    a_s = (h3 * asrc_ref[...][None, :, :]).sum(-1)
    a_d = (h3 * adst_ref[...][None, :, :]).sum(-1)
    zpad = jnp.zeros((BLK, 8), jnp.float32)
    rows = pl.program_id(0) * BLK + lax.broadcasted_iota(jnp.int32, (BLK, 1), 0)
    valid = rows < N
    hs_ref[...] = jnp.where(valid, jnp.concatenate([h, a_s, zpad], axis=1), 0.0)
    ad_ref[...] = jnp.where(valid, jnp.concatenate([a_d, zpad], axis=1), 0.0)


def _tc1(xt, W1, att_src1, att_dst1):
    return pl.pallas_call(
        _tc1_body,
        grid=(Z // BLK,),
        in_specs=[
            pl.BlockSpec((F_IN, BLK), lambda i: (0, i)),
            pl.BlockSpec((F_IN, W1_COLS), lambda i: (0, 0)),
            pl.BlockSpec((HEADS, HID), lambda i: (0, 0)),
            pl.BlockSpec((HEADS, HID), lambda i: (0, 0)),
        ],
        out_specs=[
            pl.BlockSpec((BLK, ROW1), lambda i: (i, 0)),
            pl.BlockSpec((BLK, 16), lambda i: (i, 0)),
        ],
        out_shape=[
            jax.ShapeDtypeStruct((Z, ROW1), jnp.float32),
            jax.ShapeDtypeStruct((Z, 16), jnp.float32),
        ],
    )(xt, W1, att_src1, att_dst1)


def _bcast16(v, idx):
    return lax.gather(
        v,
        idx[:, None],
        lax.GatherDimensionNumbers(
            offset_dims=(), collapsed_slice_dims=(0,), start_index_map=(0,)),
        (1,),
        mode=lax.GatherScatterMode.PROMISE_IN_BOUNDS,
    )


def _leaky_exp(s):
    return jnp.exp(jnp.where(s >= 0.0, s, 0.2 * s))


def _sc_edge_kernel(row_w, edge_fn):

    def body(hs_hbm, ad_hbm, src_hbm, dst_hbm, zero_hbm, out_hbm,
             src_all, dst_all, hs_rows, ad_rows, out_rows,
             acc, sem_a0, sem_a1, sem_b0, sem_b1, sem_s0, sem_s1):
        cid = lax.axis_index("c")
        sid = lax.axis_index("s")
        wid = sid * NC + cid
        zrows = Z // NS
        pltpu.sync_copy(zero_hbm.at[pl.ds(sid * zrows, zrows)],
                        acc.at[pl.ds(sid * zrows, zrows)])
        pltpu.sync_copy(src_hbm.at[pl.ds(wid * CHUNKS, CHUNKS)],
                        src_all.at[pl.ds(0, CHUNKS)])
        pltpu.sync_copy(dst_hbm.at[pl.ds(wid * CHUNKS, CHUNKS)],
                        dst_all.at[pl.ds(0, CHUNKS)])
        pltpu.sync_copy(src_hbm.at[pl.ds(wid * CHUNKS, 2)],
                        src_all.at[pl.ds(CHUNKS, 2)])
        pltpu.sync_copy(dst_hbm.at[pl.ds(wid * CHUNKS, 2)],
                        dst_all.at[pl.ds(CHUNKS, 2)])
        pltpu.sync_copy(zero_hbm.at[pl.ds(0, B)], out_rows.at[0])
        pltpu.sync_copy(zero_hbm.at[pl.ds(0, B)], out_rows.at[1])
        plsc.subcore_barrier()

        sems_a = (sem_a0, sem_a1)
        sems_b = (sem_b0, sem_b1)
        sems_s = (sem_s0, sem_s1)

        def gather_start(ci, p):
            pltpu.async_copy(hs_hbm.at[src_all.at[ci]],
                             hs_rows.at[p], sems_a[p])
            pltpu.async_copy(ad_hbm.at[dst_all.at[ci]],
                             ad_rows.at[p], sems_b[p])

        def gather_wait(p):
            pltpu.make_async_copy(hs_hbm.at[src_all.at[0]],
                                  hs_rows.at[p], sems_a[p]).wait()
            pltpu.make_async_copy(ad_hbm.at[dst_all.at[0]],
                                  ad_rows.at[p], sems_b[p]).wait()

        def scatter_start(ci, p):
            pltpu.async_copy(out_rows.at[p], acc.at[dst_all.at[ci]],
                             sems_s[p], add=True)

        def scatter_wait(p):
            pltpu.make_async_copy(out_rows.at[p], acc.at[dst_all.at[0]],
                                  sems_s[p]).wait()

        gather_start(0, 0)
        gather_start(1, 1)
        scatter_start(0, 0)
        scatter_start(0, 1)

        def outer(i, carry):
            ci0 = 2 * i
            for p in range(2):
                ci = ci0 + p
                gather_wait(p)
                scatter_wait(p)
                plsc.parallel_loop(0, B, 1, unroll=4)(
                    functools.partial(edge_fn, hs_rows.at[p], ad_rows.at[p],
                                      out_rows.at[p]))
                gather_start(ci + 2, p)
                scatter_start(ci, p)
            return carry

        lax.fori_loop(0, CHUNKS // 2, outer, 0)
        gather_wait(0)
        gather_wait(1)
        scatter_wait(0)
        scatter_wait(1)
        plsc.subcore_barrier()
        pltpu.sync_copy(acc.at[pl.ds(sid * zrows, zrows)],
                        out_hbm.at[cid, pl.ds(sid * zrows, zrows)])

    def make(hs, ad, src2, dst2, zero):
        mesh = plsc.VectorSubcoreMesh(core_axis_name="c", subcore_axis_name="s")
        f = pl.kernel(
            body,
            out_type=jax.ShapeDtypeStruct((NC, Z, row_w), jnp.float32),
            mesh=mesh,
            compiler_params=_SC_PARAMS,
            scratch_types=[
                pltpu.VMEM((CHUNKS + 2, B), jnp.int32),
                pltpu.VMEM((CHUNKS + 2, B), jnp.int32),
                pltpu.VMEM((2, B, row_w), jnp.float32),
                pltpu.VMEM((2, B, 16), jnp.float32),
                pltpu.VMEM((2, B, row_w), jnp.float32),
                pltpu.VMEM_SHARED((Z, row_w), jnp.float32),
                pltpu.SemaphoreType.DMA,
                pltpu.SemaphoreType.DMA,
                pltpu.SemaphoreType.DMA,
                pltpu.SemaphoreType.DMA,
                pltpu.SemaphoreType.DMA,
                pltpu.SemaphoreType.DMA,
            ],
        )
        return f(hs, ad, src2, dst2, zero)

    return make


def _edge1(hs_rows, ad_rows, out_rows, b):
    lane = lax.iota(jnp.int32, 16)
    half = (lane >= 8).astype(jnp.int32)
    va = hs_rows[b, pl.ds(64, 16)]
    vd = ad_rows[b, pl.ds(0, 16)]
    ex = _leaky_exp(va + vd)
    out_rows[b, pl.ds(64, 16)] = ex
    for j in range(4):
        m = _bcast16(ex, 2 * j + half)
        out_rows[b, pl.ds(16 * j, 16)] = hs_rows[b, pl.ds(16 * j, 16)] * m


def _edge2(hs_rows, ad_rows, out_rows, b):
    lane = lax.iota(jnp.int32, 16)
    seven = jnp.full((16,), 7, jnp.int32)
    vh = hs_rows[b, pl.ds(0, 16)]
    vad = ad_rows[b, pl.ds(0, 16)]
    asb = _bcast16(vh, seven)
    alpha = _leaky_exp(asb + vad)
    out_rows[b, pl.ds(0, 16)] = jnp.where(lane == 7, alpha, vh * alpha)


_sc1 = _sc_edge_kernel(ROW1, _edge1)
_sc2 = _sc_edge_kernel(ROW2, _edge2)


def _tc2_body(parts_ref, b1_ref, w2_ref, as2_ref, ad2_ref, hs2_ref, ad2o_ref):
    p = parts_ref[...]
    tot = p[0] + p[1]
    numer = tot[:, :W1_COLS].reshape(BLK, HEADS, HID)
    denom = tot[:, W1_COLS:W1_COLS + HEADS]
    h1 = numer / (denom[:, :, None] + 1e-16)
    h1 = h1.reshape(BLK, W1_COLS) + b1_ref[...][None, :]
    h1 = jnp.where(h1 > 0.0, h1, jnp.exp(jnp.minimum(h1, 0.0)) - 1.0)
    h2 = jnp.dot(h1, w2_ref[...], preferred_element_type=jnp.float32)
    a_s2 = (h2 * as2_ref[...]).sum(-1, keepdims=True)
    a_d2 = (h2 * ad2_ref[...]).sum(-1, keepdims=True)
    hs2_ref[...] = jnp.concatenate(
        [h2, a_s2, jnp.zeros((BLK, 8), jnp.float32)], axis=1)
    ad2o_ref[...] = jnp.broadcast_to(a_d2, (BLK, 16))


def _tc2(parts, b1, W2, att_src2, att_dst2):
    return pl.pallas_call(
        _tc2_body,
        grid=(Z // BLK,),
        in_specs=[
            pl.BlockSpec((NC, BLK, ROW1), lambda i: (0, i, 0)),
            pl.BlockSpec((W1_COLS,), lambda i: (0,)),
            pl.BlockSpec((W1_COLS, NCLS), lambda i: (0, 0)),
            pl.BlockSpec((1, NCLS), lambda i: (0, 0)),
            pl.BlockSpec((1, NCLS), lambda i: (0, 0)),
        ],
        out_specs=[
            pl.BlockSpec((BLK, ROW2), lambda i: (i, 0)),
            pl.BlockSpec((BLK, ROW2), lambda i: (i, 0)),
        ],
        out_shape=[
            jax.ShapeDtypeStruct((Z, ROW2), jnp.float32),
            jax.ShapeDtypeStruct((Z, ROW2), jnp.float32),
        ],
    )(parts, b1, W2, att_src2, att_dst2)


def _tc3_body(parts_ref, b2_ref, out_ref):
    p = parts_ref[...]
    tot = p[0] + p[1]
    numer = tot[:, :NCLS]
    denom = tot[:, NCLS:NCLS + 1]
    res = numer / (denom + 1e-16) + b2_ref[...][None, :]
    out_ref[...] = jnp.concatenate(
        [res, jnp.zeros((BLK, ROW2 - NCLS), jnp.float32)], axis=1)


def _tc3(parts2, b2):
    return pl.pallas_call(
        _tc3_body,
        grid=(Z // BLK,),
        in_specs=[
            pl.BlockSpec((NC, BLK, ROW2), lambda i: (0, i, 0)),
            pl.BlockSpec((NCLS,), lambda i: (0,)),
        ],
        out_specs=pl.BlockSpec((BLK, ROW2), lambda i: (i, 0)),
        out_shape=jax.ShapeDtypeStruct((Z, ROW2), jnp.float32),
    )(parts2, b2)


def kernel(x, edge_index, W1, att_src1, att_dst1, b1, W2, att_src2,
           att_dst2, b2):
    loop = jnp.arange(N, dtype=jnp.int32)
    padv = jnp.full((ET_PAD - ET,), PAD_NODE, jnp.int32)
    src = jnp.concatenate([edge_index[0].astype(jnp.int32), loop, padv])
    dst = jnp.concatenate([edge_index[1].astype(jnp.int32), loop, padv])
    src2 = src.reshape(NW * CHUNKS, B)
    dst2 = dst.reshape(NW * CHUNKS, B)
    zero80 = jnp.zeros((Z, ROW1), jnp.float32)
    zero16 = jnp.zeros((Z, ROW2), jnp.float32)

    hs1, ad1 = _tc1(jnp.transpose(x), W1, att_src1, att_dst1)
    parts1 = _sc1(hs1, ad1, src2, dst2, zero80)
    hs2, ad2 = _tc2(parts1, b1, W2, att_src2, att_dst2)
    parts2 = _sc2(hs2, ad2, src2, dst2, zero16)
    out = _tc3(parts2, b2)
    return out[:N, :NCLS]

# --- scband reference (transcript-rebuilt; emitter-appended) ---
"""Pipeline reference for scband-gat-14431090115158 (READ-ONLY COPY).

The authoritative reference and input builder live on the scoring server;
editing this copy changes nothing except your own understanding.
"""

import jax, jax.numpy as jnp
import numpy as np

N = 10000
E = 320000
F_IN = 1433
HID = 8
HEADS = 8
NCLS = 7


def segment_softmax(alpha, dst, num_segments):
    amax = jax.ops.segment_max(alpha, dst, num_segments=num_segments)
    amax = jnp.where(jnp.isfinite(amax), amax, 0.0)
    amax = jax.lax.stop_gradient(amax)
    ex = jnp.exp(alpha - amax[dst])
    denom = jax.ops.segment_sum(ex, dst, num_segments=num_segments)
    return ex / (denom[dst] + 1e-16)


def gat_conv(x, src, dst, W, att_src, att_dst, bias, heads, out_ch, concat):
    n = x.shape[0]
    h = (x @ W).reshape(n, heads, out_ch)
    a_s = (h * att_src[None, :, :]).sum(-1)
    a_d = (h * att_dst[None, :, :]).sum(-1)
    alpha = jax.nn.leaky_relu(a_s[src] + a_d[dst], 0.2)
    alpha = segment_softmax(alpha, dst, n)
    out = jax.ops.segment_sum(h[src] * alpha[..., None], dst, num_segments=n)
    if concat:
        out = out.reshape(n, heads * out_ch)
    else:
        out = out.mean(axis=1)
    return out + bias


def setup_inputs(seed: int = 0):
    key = jax.random.key(seed)
    ks = jax.random.split(key, 10)
    x = jax.random.normal(ks[0], (N, F_IN), dtype=jnp.float32)
    edge_index = jax.random.randint(ks[1], (2, E), 0, N, dtype=jnp.int32)
    W1 = jax.random.normal(ks[2], (F_IN, HEADS * HID), dtype=jnp.float32) * 0.05
    att_src1 = jax.random.normal(ks[3], (HEADS, HID), dtype=jnp.float32) * 0.1
    att_dst1 = jax.random.normal(ks[4], (HEADS, HID), dtype=jnp.float32) * 0.1
    b1 = jnp.zeros((HEADS * HID,), dtype=jnp.float32)
    W2 = jax.random.normal(ks[5], (HEADS * HID, NCLS), dtype=jnp.float32) * 0.05
    att_src2 = jax.random.normal(ks[6], (1, NCLS), dtype=jnp.float32) * 0.1
    att_dst2 = jax.random.normal(ks[7], (1, NCLS), dtype=jnp.float32) * 0.1
    b2 = jnp.zeros((NCLS,), dtype=jnp.float32)
    return {"x": x, "edge_index": edge_index, "W1": W1, "att_src1": att_src1, "att_dst1": att_dst1, "b1": b1, "W2": W2, "att_src2": att_src2, "att_dst2": att_dst2, "b2": b2}


def reference(x, edge_index, W1, att_src1, att_dst1, b1, W2, att_src2, att_dst2, b2):
    # PyG GATConv adds self-loops by default
    loop = jnp.arange(N, dtype=edge_index.dtype)
    src = jnp.concatenate([edge_index[0], loop])
    dst = jnp.concatenate([edge_index[1], loop])
    h = gat_conv(x, src, dst, W1, att_src1, att_dst1, b1, HEADS, HID, True)
    h = jax.nn.elu(h)
    # dropout is identity in eval mode
    out = gat_conv(h, src, dst, W2, att_src2, att_dst2, b2, 1, NCLS, False)
    return out

if __name__ == "__main__":
    import jax
    _d = setup_inputs()
    print(jax.jit(kernel)(*tuple(_d.values())))

</pallas_src>

<mosaic_0001>
#map = affine_map<(d0, d1) -> (0, 0)>
#map1 = affine_map<(d0, d1) -> (0, 0, 0)>
module attributes {stable_mosaic.version = 14 : i64} {
  func.func @body(%arg0: i32, %arg1: i32, %arg2: memref<10240x80xf32, #tpu.memory_space<hbm>>, %arg3: memref<10240x16xf32, #tpu.memory_space<hbm>>, %arg4: memref<2624x128xi32, #tpu.memory_space<hbm>>, %arg5: memref<2624x128xi32, #tpu.memory_space<hbm>>, %arg6: memref<10240x80xf32, #tpu.memory_space<hbm>>, %arg7: memref<2x10240x80xf32, #tpu.memory_space<hbm>>, %arg8: memref<84x128xi32, #tpu.memory_space<vmem>>, %arg9: memref<84x128xi32, #tpu.memory_space<vmem>>, %arg10: memref<2x128x80xf32, #tpu.memory_space<vmem>>, %arg11: memref<2x128x16xf32, #tpu.memory_space<vmem>>, %arg12: memref<2x128x80xf32, #tpu.memory_space<vmem>>, %arg13: memref<10240x80xf32, #tpu.memory_space<vmem_shared>>, %arg14: memref<!tpu.dma_semaphore, #tpu.memory_space<semaphore_mem>>, %arg15: memref<!tpu.dma_semaphore, #tpu.memory_space<semaphore_mem>>, %arg16: memref<!tpu.dma_semaphore, #tpu.memory_space<semaphore_mem>>, %arg17: memref<!tpu.dma_semaphore, #tpu.memory_space<semaphore_mem>>, %arg18: memref<!tpu.dma_semaphore, #tpu.memory_space<semaphore_mem>>, %arg19: memref<!tpu.dma_semaphore, #tpu.memory_space<semaphore_mem>>) attributes {dimension_semantics = [#tpu.dimension_semantics<core_parallel>, #tpu.dimension_semantics<subcore_parallel>], iteration_bounds = array<i64: 2, 16>, scalar_prefetch = 0 : i64, scratch_operands = 12 : i64, tpu.core_type = #tpu.core_type<sc_vector_subcore>, window_params = [{transform_indices = #map}, {transform_indices = #map}, {transform_indices = #map}, {transform_indices = #map}, {transform_indices = #map}, {transform_indices = #map1}]} {
    %mul3A = arith.constant 2 : i32
    %mul3A_0 = arith.muli %arg1, %mul3A : i32
    %add3A = arith.addi %mul3A_0, %arg0 : i32
    %mul3A_1 = arith.constant 640 : i32
    %mul3A_2 = arith.muli %arg1, %mul3A_1 : i32
    %mul3A_3 = arith.constant 640 : i32
    %mul3A_4 = arith.muli %arg1, %mul3A_3 : i32
    "tpu.region"() ({
      %run_scoped3A_166 = tpu.sem_alloc : memref<!tpu.dma_semaphore, #tpu.memory_space<semaphore_mem>>
      %dma_start3A_167 = arith.constant 0 : i32
      %dma_start3A_168 = tpu.memref_slice %arg13[%mul3A_4, %dma_start3A_167] : memref<10240x80xf32, #tpu.memory_space<vmem_shared>> -> memref<640x80xf32, #tpu.memory_space<vmem_shared>>
      %dma_start3A_169 = arith.constant 0 : i32
      %dma_start3A_170 = tpu.memref_slice %arg6[%mul3A_2, %dma_start3A_169] : memref<10240x80xf32, #tpu.memory_space<hbm>> -> memref<640x80xf32, #tpu.memory_space<hbm>>
      tpu.enqueue_dma source(%dma_start3A_170 : memref<640x80xf32, #tpu.memory_space<hbm>>) target(%dma_start3A_168 : memref<640x80xf32, #tpu.memory_space<vmem_shared>>) target_semaphore(%run_scoped3A_166 : memref<!tpu.dma_semaphore, #tpu.memory_space<semaphore_mem>>)
      %dma_wait3A_171 = arith.constant 0 : i32
      %dma_wait3A_172 = tpu.memref_slice %arg13[%mul3A_4, %dma_wait3A_171] : memref<10240x80xf32, #tpu.memory_space<vmem_shared>> -> memref<640x80xf32, #tpu.memory_space<vmem_shared>>
      %dma_wait3A_173 = arith.constant 0 : i32
      %dma_wait3A_174 = tpu.memref_slice %arg6[%mul3A_2, %dma_wait3A_173] : memref<10240x80xf32, #tpu.memory_space<hbm>> -> memref<640x80xf32, #tpu.memory_space<hbm>>
      tpu.wait_dma2 semaphore(%run_scoped3A_166 : memref<!tpu.dma_semaphore, #tpu.memory_space<semaphore_mem>>) src(%dma_wait3A_174 : memref<640x80xf32, #tpu.memory_space<hbm>>) dst(%dma_wait3A_172 : memref<640x80xf32, #tpu.memory_space<vmem_shared>>)
      tpu.yield
    }) : () -> ()
    %mul3A_5 = arith.constant 82 : i32
    %mul3A_6 = arith.muli %add3A, %mul3A_5 : i32
    "tpu.region"() ({
      %run_scoped3A_166 = tpu.sem_alloc : memref<!tpu.dma_semaphore, #tpu.memory_space<semaphore_mem>>
      %dma_start3A_167 = arith.constant 0 : i32
      %dma_start3A_168 = arith.constant 0 : i32
      %dma_start3A_169 = tpu.memref_slice %arg8[%dma_start3A_167, %dma_start3A_168] : memref<84x128xi32, #tpu.memory_space<vmem>> -> memref<82x128xi32, #tpu.memory_space<vmem>>
      %dma_start3A_170 = arith.constant 0 : i32
      %dma_start3A_171 = tpu.memref_slice %arg4[%mul3A_6, %dma_start3A_170] : memref<2624x128xi32, #tpu.memory_space<hbm>> -> memref<82x128xi32, #tpu.memory_space<hbm>>
      %dma_start3A_172 = arith.constant 0 : i32
      %dma_start3A_173 = arith.constant 0 : i32
      %dma_start3A_174 = tpu.memref_slice %arg8[%dma_start3A_172, %dma_start3A_173] : memref<84x128xi32, #tpu.memory_space<vmem>> -> memref<82x128xi32, #tpu.memory_space<vmem>>
      %dma_start3A_175 = arith.constant 0 : i32
      %dma_start3A_176 = tpu.memref_slice %arg4[%mul3A_6, %dma_start3A_175] : memref<2624x128xi32, #tpu.memory_space<hbm>> -> memref<82x128xi32, #tpu.memory_space<hbm>>
      tpu.enqueue_dma source(%dma_start3A_176 : memref<82x128xi32, #tpu.memory_space<hbm>>) target(%dma_start3A_174 : memref<82x128xi32, #tpu.memory_space<vmem>>) target_semaphore(%run_scoped3A_166 : memref<!tpu.dma_semaphore, #tpu.memory_space<semaphore_mem>>)
      %dma_wait3A_177 = arith.constant 0 : i32
      %dma_wait3A_178 = arith.constant 0 : i32
      %dma_wait3A_179 = tpu.memref_slice %arg8[%dma_wait3A_177, %dma_wait3A_178] : memref<84x128xi32, #tpu.memory_space<vmem>> -> memref<82x128xi32, #tpu.memory_space<vmem>>
      %dma_wait3A_180 = arith.constant 0 : i32
      %dma_wait3A_181 = tpu.memref_slice %arg4[%mul3A_6, %dma_wait3A_180] : memref<2624x128xi32, #tpu.memory_space<hbm>> -> memref<82x128xi32, #tpu.memory_space<hbm>>
      %dma_wait3A_182 = arith.constant 0 : i32
      %dma_wait3A_183 = arith.constant 0 : i32
      %dma_wait3A_184 = tpu.memref_slice %arg8[%dma_wait3A_182, %dma_wait3A_183] : memref<84x128xi32, #tpu.memory_space<vmem>> -> memref<82x128xi32, #tpu.memory_space<vmem>>
      %dma_wait3A_185 = arith.constant 0 : i32
      %dma_wait3A_186 = tpu.memref_slice %arg4[%mul3A_6, %dma_wait3A_185] : memref<2624x128xi32, #tpu.memory_space<hbm>> -> memref<82x128xi32, #tpu.memory_space<hbm>>
      tpu.wait_dma2 semaphore(%run_scoped3A_166 : memref<!tpu.dma_semaphore, #tpu.memory_space<semaphore_mem>>) src(%dma_wait3A_186 : memref<82x128xi32, #tpu.memory_space<hbm>>) dst(%dma_wait3A_184 : memref<82x128xi32, #tpu.memory_space<vmem>>)
      tpu.yield
    }) : () -> ()
    %mul3A_7 = arith.constant 82 : i32
    %mul3A_8 = arith.muli %add3A, %mul3A_7 : i32
    "tpu.region"() ({
      %run_scoped3A_166 = tpu.sem_alloc : memref<!tpu.dma_semaphore, #tpu.memory_space<semaphore_mem>>
      %dma_start3A_167 = arith.constant 0 : i32
      %dma_start3A_168 = arith.constant 0 : i32
      %dma_start3A_169 = tpu.memref_slice %arg9[%dma_start3A_167, %dma_start3A_168] : memref<84x128xi32, #tpu.memory_space<vmem>> -> memref<82x128xi32, #tpu.memory_space<vmem>>
      %dma_start3A_170 = arith.constant 0 : i32
      %dma_start3A_171 = tpu.memref_slice %arg5[%mul3A_8, %dma_start3A_170] : memref<2624x128xi32, #tpu.memory_space<hbm>> -> memref<82x128xi32, #tpu.memory_space<hbm>>
      %dma_start3A_172 = arith.constant 0 : i32
      %dma_start3A_173 = arith.constant 0 : i32
      %dma_start3A_174 = tpu.memref_slice %arg9[%dma_start3A_172, %dma_start3A_173] : memref<84x128xi32, #tpu.memory_space<vmem>> -> memref<82x128xi32, #tpu.memory_space<vmem>>
      %dma_start3A_175 = arith.constant 0 : i32
      %dma_start3A_176 = tpu.memref_slice %arg5[%mul3A_8, %dma_start3A_175] : memref<2624x128xi32, #tpu.memory_space<hbm>> -> memref<82x128xi32, #tpu.memory_space<hbm>>
      tpu.enqueue_dma source(%dma_start3A_176 : memref<82x128xi32, #tpu.memory_space<hbm>>) target(%dma_start3A_174 : memref<82x128xi32, #tpu.memory_space<vmem>>) target_semaphore(%run_scoped3A_166 : memref<!tpu.dma_semaphore, #tpu.memory_space<semaphore_mem>>)
      %dma_wait3A_177 = arith.constant 0 : i32
      %dma_wait3A_178 = arith.constant 0 : i32
      %dma_wait3A_179 = tpu.memref_slice %arg9[%dma_wait3A_177, %dma_wait3A_178] : memref<84x128xi32, #tpu.memory_space<vmem>> -> memref<82x128xi32, #tpu.memory_space<vmem>>
      %dma_wait3A_180 = arith.constant 0 : i32
      %dma_wait3A_181 = tpu.memref_slice %arg5[%mul3A_8, %dma_wait3A_180] : memref<2624x128xi32, #tpu.memory_space<hbm>> -> memref<82x128xi32, #tpu.memory_space<hbm>>
      %dma_wait3A_182 = arith.constant 0 : i32
      %dma_wait3A_183 = arith.constant 0 : i32
      %dma_wait3A_184 = tpu.memref_slice %arg9[%dma_wait3A_182, %dma_wait3A_183] : memref<84x128xi32, #tpu.memory_space<vmem>> -> memref<82x128xi32, #tpu.memory_space<vmem>>
      %dma_wait3A_185 = arith.constant 0 : i32
      %dma_wait3A_186 = tpu.memref_slice %arg5[%mul3A_8, %dma_wait3A_185] : memref<2624x128xi32, #tpu.memory_space<hbm>> -> memref<82x128xi32, #tpu.memory_space<hbm>>
      tpu.wait_dma2 semaphore(%run_scoped3A_166 : memref<!tpu.dma_semaphore, #tpu.memory_space<semaphore_mem>>) src(%dma_wait3A_186 : memref<82x128xi32, #tpu.memory_space<hbm>>) dst(%dma_wait3A_184 : memref<82x128xi32, #tpu.memory_space<vmem>>)
      tpu.yield
    }) : () -> ()
    %mul3A_9 = arith.constant 82 : i32
    %mul3A_10 = arith.muli %add3A, %mul3A_9 : i32
    "tpu.region"() ({
      %run_scoped3A_166 = tpu.sem_alloc : memref<!tpu.dma_semaphore, #tpu.memory_space<semaphore_mem>>
      %dma_start3A_167 = arith.constant 82 : i32
      %dma_start3A_168 = arith.constant 0 : i32
      %dma_start3A_169 = tpu.memref_slice %arg8[%dma_start3A_167, %dma_start3A_168] : memref<84x128xi32, #tpu.memory_space<vmem>> -> memref<2x128xi32, #tpu.memory_space<vmem>>
      %dma_start3A_170 = arith.constant 0 : i32
      %dma_start3A_171 = tpu.memref_slice %arg4[%mul3A_10, %dma_start3A_170] : memref<2624x128xi32, #tpu.memory_space<hbm>> -> memref<2x128xi32, #tpu.memory_space<hbm>>
      %dma_start3A_172 = arith.constant 82 : i32
      %dma_start3A_173 = arith.constant 0 : i32
      %dma_start3A_174 = tpu.memref_slice %arg8[%dma_start3A_172, %dma_start3A_173] : memref<84x128xi32, #tpu.memory_space<vmem>> -> memref<2x128xi32, #tpu.memory_space<vmem>>
      %dma_start3A_175 = arith.constant 0 : i32
      %dma_start3A_176 = tpu.memref_slice %arg4[%mul3A_10, %dma_start3A_175] : memref<2624x128xi32, #tpu.memory_space<hbm>> -> memref<2x128xi32, #tpu.memory_space<hbm>>
      tpu.enqueue_dma source(%dma_start3A_176 : memref<2x128xi32, #tpu.memory_space<hbm>>) target(%dma_start3A_174 : memref<2x128xi32, #tpu.memory_space<vmem>>) target_semaphore(%run_scoped3A_166 : memref<!tpu.dma_semaphore, #tpu.memory_space<semaphore_mem>>)
      %dma_wait3A_177 = arith.constant 82 : i32
      %dma_wait3A_178 = arith.constant 0 : i32
      %dma_wait3A_179 = tpu.memref_slice %arg8[%dma_wait3A_177, %dma_wait3A_178] : memref<84x128xi32, #tpu.memory_space<vmem>> -> memref<2x128xi32, #tpu.memory_space<vmem>>
      %dma_wait3A_180 = arith.constant 0 : i32
      %dma_wait3A_181 = tpu.memref_slice %arg4[%mul3A_10, %dma_wait3A_180] : memref<2624x128xi32, #tpu.memory_space<hbm>> -> memref<2x128xi32, #tpu.memory_space<hbm>>
      %dma_wait3A_182 = arith.constant 82 : i32
      %dma_wait3A_183 = arith.constant 0 : i32
      %dma_wait3A_184 = tpu.memref_slice %arg8[%dma_wait3A_182, %dma_wait3A_183] : memref<84x128xi32, #tpu.memory_space<vmem>> -> memref<2x128xi32, #tpu.memory_space<vmem>>
      %dma_wait3A_185 = arith.constant 0 : i32
      %dma_wait3A_186 = tpu.memref_slice %arg4[%mul3A_10, %dma_wait3A_185] : memref<2624x128xi32, #tpu.memory_space<hbm>> -> memref<2x128xi32, #tpu.memory_space<hbm>>
      tpu.wait_dma2 semaphore(%run_scoped3A_166 : memref<!tpu.dma_semaphore, #tpu.memory_space<semaphore_mem>>) src(%dma_wait3A_186 : memref<2x128xi32, #tpu.memory_space<hbm>>) dst(%dma_wait3A_184 : memref<2x128xi32, #tpu.memory_space<vmem>>)
      tpu.yield
    }) : () -> ()
    %mul3A_11 = arith.constant 82 : i32
    %mul3A_12 = arith.muli %add3A, %mul3A_11 : i32
    "tpu.region"() ({
      %run_scoped3A_166 = tpu.sem_alloc : memref<!tpu.dma_semaphore, #tpu.memory_space<semaphore_mem>>
      %dma_start3A_167 = arith.constant 82 : i32
      %dma_start3A_168 = arith.constant 0 : i32
      %dma_start3A_169 = tpu.memref_slice %arg9[%dma_start3A_167, %dma_start3A_168] : memref<84x128xi32, #tpu.memory_space<vmem>> -> memref<2x128xi32, #tpu.memory_space<vmem>>
      %dma_start3A_170 = arith.constant 0 : i32
      %dma_start3A_171 = tpu.memref_slice %arg5[%mul3A_12, %dma_start3A_170] : memref<2624x128xi32, #tpu.memory_space<hbm>> -> memref<2x128xi32, #tpu.memory_space<hbm>>
      %dma_start3A_172 = arith.constant 82 : i32
      %dma_start3A_173 = arith.constant 0 : i32
      %dma_start3A_174 = tpu.memref_slice %arg9[%dma_start3A_172, %dma_start3A_173] : memref<84x128xi32, #tpu.memory_space<vmem>> -> memref<2x128xi32, #tpu.memory_space<vmem>>
      %dma_start3A_175 = arith.constant 0 : i32
      %dma_start3A_176 = tpu.memref_slice %arg5[%mul3A_12, %dma_start3A_175] : memref<2624x128xi32, #tpu.memory_space<hbm>> -> memref<2x128xi32, #tpu.memory_space<hbm>>
      tpu.enqueue_dma source(%dma_start3A_176 : memref<2x128xi32, #tpu.memory_space<hbm>>) target(%dma_start3A_174 : memref<2x128xi32, #tpu.memory_space<vmem>>) target_semaphore(%run_scoped3A_166 : memref<!tpu.dma_semaphore, #tpu.memory_space<semaphore_mem>>)
      %dma_wait3A_177 = arith.constant 82 : i32
      %dma_wait3A_178 = arith.constant 0 : i32
      %dma_wait3A_179 = tpu.memref_slice %arg9[%dma_wait3A_177, %dma_wait3A_178] : memref<84x128xi32, #tpu.memory_space<vmem>> -> memref<2x128xi32, #tpu.memory_space<vmem>>
      %dma_wait3A_180 = arith.constant 0 : i32
      %dma_wait3A_181 = tpu.memref_slice %arg5[%mul3A_12, %dma_wait3A_180] : memref<2624x128xi32, #tpu.memory_space<hbm>> -> memref<2x128xi32, #tpu.memory_space<hbm>>
      %dma_wait3A_182 = arith.constant 82 : i32
      %dma_wait3A_183 = arith.constant 0 : i32
      %dma_wait3A_184 = tpu.memref_slice %arg9[%dma_wait3A_182, %dma_wait3A_183] : memref<84x128xi32, #tpu.memory_space<vmem>> -> memref<2x128xi32, #tpu.memory_space<vmem>>
      %dma_wait3A_185 = arith.constant 0 : i32
      %dma_wait3A_186 = tpu.memref_slice %arg5[%mul3A_12, %dma_wait3A_185] : memref<2624x128xi32, #tpu.memory_space<hbm>> -> memref<2x128xi32, #tpu.memory_space<hbm>>
      tpu.wait_dma2 semaphore(%run_scoped3A_166 : memref<!tpu.dma_semaphore, #tpu.memory_space<semaphore_mem>>) src(%dma_wait3A_186 : memref<2x128xi32, #tpu.memory_space<hbm>>) dst(%dma_wait3A_184 : memref<2x128xi32, #tpu.memory_space<vmem>>)
      tpu.yield
    }) : () -> ()
    %run_scoped3A = arith.constant 0 : i32
    "tpu.region"() ({
      %run_scoped3A_166 = tpu.sem_alloc : memref<!tpu.dma_semaphore, #tpu.memory_space<semaphore_mem>>
      %dma_start3A_167 = arith.constant 0 : i32
      %dma_start3A_168 = arith.constant 0 : i32
      %dma_start3A_169 = tpu.memref_slice %arg12[%run_scoped3A, %dma_start3A_167, %dma_start3A_168] : memref<2x128x80xf32, #tpu.memory_space<vmem>> -> memref<1x128x80xf32, #tpu.memory_space<vmem>>
      %dma_start3A_170 = tpu.memref_squeeze %dma_start3A_169 : memref<1x128x80xf32, #tpu.memory_space<vmem>> -> memref<128x80xf32, #tpu.memory_space<vmem>>
      %dma_start3A_171 = arith.constant 0 : i32
      %dma_start3A_172 = arith.constant 0 : i32
      %dma_start3A_173 = tpu.memref_slice %arg6[%dma_start3A_171, %dma_start3A_172] : memref<10240x80xf32, #tpu.memory_space<hbm>> -> memref<128x80xf32, #tpu.memory_space<hbm>>
      %dma_start3A_174 = arith.constant 0 : i32
      %dma_start3A_175 = arith.constant 0 : i32
      %dma_start3A_176 = tpu.memref_slice %arg12[%run_scoped3A, %dma_start3A_174, %dma_start3A_175] : memref<2x128x80xf32, #tpu.memory_space<vmem>> -> memref<1x128x80xf32, #tpu.memory_space<vmem>>
      %dma_start3A_177 = tpu.memref_squeeze %dma_start3A_176 : memref<1x128x80xf32, #tpu.memory_space<vmem>> -> memref<128x80xf32, #tpu.memory_space<vmem>>
      %dma_start3A_178 = arith.constant 0 : i32
      %dma_start3A_179 = arith.constant 0 : i32
      %dma_start3A_180 = tpu.memref_slice %arg6[%dma_start3A_178, %dma_start3A_179] : memref<10240x80xf32, #tpu.memory_space<hbm>> -> memref<128x80xf32, #tpu.memory_space<hbm>>
      tpu.enqueue_dma source(%dma_start3A_180 : memref<128x80xf32, #tpu.memory_space<hbm>>) target(%dma_start3A_177 : memref<128x80xf32, #tpu.memory_space<vmem>>) target_semaphore(%run_scoped3A_166 : memref<!tpu.dma_semaphore, #tpu.memory_space<semaphore_mem>>)
      %dma_wait3A_181 = arith.constant 0 : i32
      %dma_wait3A_182 = arith.constant 0 : i32
      %dma_wait3A_183 = tpu.memref_slice %arg12[%run_scoped3A, %dma_wait3A_181, %dma_wait3A_182] : memref<2x128x80xf32, #tpu.memory_space<vmem>> -> memref<1x128x80xf32, #tpu.memory_space<vmem>>
      %dma_wait3A_184 = tpu.memref_squeeze %dma_wait3A_183 : memref<1x128x80xf32, #tpu.memory_space<vmem>> -> memref<128x80xf32, #tpu.memory_space<vmem>>
      %dma_wait3A_185 = arith.constant 0 : i32
      %dma_wait3A_186 = arith.constant 0 : i32
      %dma_wait3A_187 = tpu.memref_slice %arg6[%dma_wait3A_185, %dma_wait3A_186] : memref<10240x80xf32, #tpu.memory_space<hbm>> -> memref<128x80xf32, #tpu.memory_space<hbm>>
      %dma_wait3A_188 = arith.constant 0 : i32
      %dma_wait3A_189 = arith.constant 0 : i32
      %dma_wait3A_190 = tpu.memref_slice %arg12[%run_scoped3A, %dma_wait3A_188, %dma_wait3A_189] : memref<2x128x80xf32, #tpu.memory_space<vmem>> -> memref<1x128x80xf32, #tpu.memory_space<vmem>>
      %dma_wait3A_191 = tpu.memref_squeeze %dma_wait3A_190 : memref<1x128x80xf32, #tpu.memory_space<vmem>> -> memref<128x80xf32, #tpu.memory_space<vmem>>
      %dma_wait3A_192 = arith.constant 0 : i32
      %dma_wait3A_193 = arith.constant 0 : i32
      %dma_wait3A_194 = tpu.memref_slice %arg6[%dma_wait3A_192, %dma_wait3A_193] : memref<10240x80xf32, #tpu.memory_space<hbm>> -> memref<128x80xf32, #tpu.memory_space<hbm>>
      tpu.wait_dma2 semaphore(%run_scoped3A_166 : memref<!tpu.dma_semaphore, #tpu.memory_space<semaphore_mem>>) src(%dma_wait3A_194 : memref<128x80xf32, #tpu.memory_space<hbm>>) dst(%dma_wait3A_191 : memref<128x80xf32, #tpu.memory_space<vmem>>)
      tpu.yield
    }) : () -> ()
    %run_scoped3A_13 = arith.constant 1 : i32
    "tpu.region"() ({
      %run_scoped3A_166 = tpu.sem_alloc : memref<!tpu.dma_semaphore, #tpu.memory_space<semaphore_mem>>
      %dma_start3A_167 = arith.constant 0 : i32
      %dma_start3A_168 = arith.constant 0 : i32
      %dma_start3A_169 = tpu.memref_slice %arg12[%run_scoped3A_13, %dma_start3A_167, %dma_start3A_168] : memref<2x128x80xf32, #tpu.memory_space<vmem>> -> memref<1x128x80xf32, #tpu.memory_space<vmem>>
      %dma_start3A_170 = tpu.memref_squeeze %dma_start3A_169 : memref<1x128x80xf32, #tpu.memory_space<vmem>> -> memref<128x80xf32, #tpu.memory_space<vmem>>
      %dma_start3A_171 = arith.constant 0 : i32
      %dma_start3A_172 = arith.constant 0 : i32
      %dma_start3A_173 = tpu.memref_slice %arg6[%dma_start3A_171, %dma_start3A_172] : memref<10240x80xf32, #tpu.memory_space<hbm>> -> memref<128x80xf32, #tpu.memory_space<hbm>>
      %dma_start3A_174 = arith.constant 0 : i32
      %dma_start3A_175 = arith.constant 0 : i32
      %dma_start3A_176 = tpu.memref_slice %arg12[%run_scoped3A_13, %dma_start3A_174, %dma_start3A_175] : memref<2x128x80xf32, #tpu.memory_space<vmem>> -> memref<1x128x80xf32, #tpu.memory_space<vmem>>
      %dma_start3A_177 = tpu.memref_squeeze %dma_start3A_176 : memref<1x128x80xf32, #tpu.memory_space<vmem>> -> memref<128x80xf32, #tpu.memory_space<vmem>>
      %dma_start3A_178 = arith.constant 0 : i32
      %dma_start3A_179 = arith.constant 0 : i32
      %dma_start3A_180 = tpu.memref_slice %arg6[%dma_start3A_178, %dma_start3A_179] : memref<10240x80xf32, #tpu.memory_space<hbm>> -> memref<128x80xf32, #tpu.memory_space<hbm>>
      tpu.enqueue_dma source(%dma_start3A_180 : memref<128x80xf32, #tpu.memory_space<hbm>>) target(%dma_start3A_177 : memref<128x80xf32, #tpu.memory_space<vmem>>) target_semaphore(%run_scoped3A_166 : memref<!tpu.dma_semaphore, #tpu.memory_space<semaphore_mem>>)
      %dma_wait3A_181 = arith.constant 0 : i32
      %dma_wait3A_182 = arith.constant 0 : i32
      %dma_wait3A_183 = tpu.memref_slice %arg12[%run_scoped3A_13, %dma_wait3A_181, %dma_wait3A_182] : memref<2x128x80xf32, #tpu.memory_space<vmem>> -> memref<1x128x80xf32, #tpu.memory_space<vmem>>
      %dma_wait3A_184 = tpu.memref_squeeze %dma_wait3A_183 : memref<1x128x80xf32, #tpu.memory_space<vmem>> -> memref<128x80xf32, #tpu.memory_space<vmem>>
      %dma_wait3A_185 = arith.constant 0 : i32
      %dma_wait3A_186 = arith.constant 0 : i32
      %dma_wait3A_187 = tpu.memref_slice %arg6[%dma_wait3A_185, %dma_wait3A_186] : memref<10240x80xf32, #tpu.memory_space<hbm>> -> memref<128x80xf32, #tpu.memory_space<hbm>>
      %dma_wait3A_188 = arith.constant 0 : i32
      %dma_wait3A_189 = arith.constant 0 : i32
      %dma_wait3A_190 = tpu.memref_slice %arg12[%run_scoped3A_13, %dma_wait3A_188, %dma_wait3A_189] : memref<2x128x80xf32, #tpu.memory_space<vmem>> -> memref<1x128x80xf32, #tpu.memory_space<vmem>>
      %dma_wait3A_191 = tpu.memref_squeeze %dma_wait3A_190 : memref<1x128x80xf32, #tpu.memory_space<vmem>> -> memref<128x80xf32, #tpu.memory_space<vmem>>
      %dma_wait3A_192 = arith.constant 0 : i32
      %dma_wait3A_193 = arith.constant 0 : i32
      %dma_wait3A_194 = tpu.memref_slice %arg6[%dma_wait3A_192, %dma_wait3A_193] : memref<10240x80xf32, #tpu.memory_space<hbm>> -> memref<128x80xf32, #tpu.memory_space<hbm>>
      tpu.wait_dma2 semaphore(%run_scoped3A_166 : memref<!tpu.dma_semaphore, #tpu.memory_space<semaphore_mem>>) src(%dma_wait3A_194 : memref<128x80xf32, #tpu.memory_space<hbm>>) dst(%dma_wait3A_191 : memref<128x80xf32, #tpu.memory_space<vmem>>)
      tpu.yield
    }) : () -> ()
    %barrier3A = arith.constant 0 : index
    tpu.barrier barrier_id(%barrier3A)
    %dma_start3A = arith.constant 0 : i32
    %dma_start3A_14 = arith.constant 0 : i32
    %dma_start3A_15 = arith.constant 0 : i32
    %dma_start3A_16 = arith.constant 0 : i32
    %dma_start3A_17 = tpu.memref_slice %arg10[%dma_start3A_14, %dma_start3A_15, %dma_start3A_16] : memref<2x128x80xf32, #tpu.memory_space<vmem>> -> memref<1x128x80xf32, #tpu.memory_space<vmem>>
    %dma_start3A_18 = tpu.memref_squeeze %dma_start3A_17 : memref<1x128x80xf32, #tpu.memory_space<vmem>> -> memref<128x80xf32, #tpu.memory_space<vmem>>
    %dma_start3A_19 = arith.constant 0 : i32
    %dma_start3A_20 = tpu.memref_slice %arg8[%dma_start3A, %dma_start3A_19] : memref<84x128xi32, #tpu.memory_space<vmem>> -> memref<1x128xi32, #tpu.memory_space<vmem>>
    %dma_start3A_21 = tpu.memref_squeeze %dma_start3A_20 : memref<1x128xi32, #tpu.memory_space<vmem>> -> memref<128xi32, #tpu.memory_space<vmem>>
    %dma_start3A_22 = arith.constant 0 : i32
    %dma_start3A_23 = arith.constant 0 : i32
    %dma_start3A_24 = tpu.memref_slice %arg2[%dma_start3A_22, %dma_start3A_23] : memref<10240x80xf32, #tpu.memory_space<hbm>> -> memref<10240x80xf32, #tpu.memory_space<hbm>>
    tpu.enqueue_indirect_dma source(%dma_start3A_24 : memref<10240x80xf32, #tpu.memory_space<hbm>>) target(%dma_start3A_18 : memref<128x80xf32, #tpu.memory_space<vmem>>) offsets(%dma_start3A_21 : memref<128xi32, #tpu.memory_space<vmem>>) semaphore(%arg14 : memref<!tpu.dma_semaphore, #tpu.memory_space<semaphore_mem>>)
    %dma_start3A_25 = arith.constant 0 : i32
    %dma_start3A_26 = arith.constant 0 : i32
    %dma_start3A_27 = arith.constant 0 : i32
    %dma_start3A_28 = arith.constant 0 : i32
    %dma_start3A_29 = tpu.memref_slice %arg11[%dma_start3A_26, %dma_start3A_27, %dma_start3A_28] : memref<2x128x16xf32, #tpu.memory_space<vmem>> -> memref<1x128x16xf32, #tpu.memory_space<vmem>>
    %dma_start3A_30 = tpu.memref_squeeze %dma_start3A_29 : memref<1x128x16xf32, #tpu.memory_space<vmem>> -> memref<128x16xf32, #tpu.memory_space<vmem>>
    %dma_start3A_31 = arith.constant 0 : i32
    %dma_start3A_32 = tpu.memref_slice %arg9[%dma_start3A_25, %dma_start3A_31] : memref<84x128xi32, #tpu.memory_space<vmem>> -> memref<1x128xi32, #tpu.memory_space<vmem>>
    %dma_start3A_33 = tpu.memref_squeeze %dma_start3A_32 : memref<1x128xi32, #tpu.memory_space<vmem>> -> memref<128xi32, #tpu.memory_space<vmem>>
    %dma_start3A_34 = arith.constant 0 : i32
    %dma_start3A_35 = arith.constant 0 : i32
    %dma_start3A_36 = tpu.memref_slice %arg3[%dma_start3A_34, %dma_start3A_35] : memref<10240x16xf32, #tpu.memory_space<hbm>> -> memref<10240x16xf32, #tpu.memory_space<hbm>>
    tpu.enqueue_indirect_dma source(%dma_start3A_36 : memref<10240x16xf32, #tpu.memory_space<hbm>>) target(%dma_start3A_30 : memref<128x16xf32, #tpu.memory_space<vmem>>) offsets(%dma_start3A_33 : memref<128xi32, #tpu.memory_space<vmem>>) semaphore(%arg16 : memref<!tpu.dma_semaphore, #tpu.memory_space<semaphore_mem>>)
    %dma_start3A_37 = arith.constant 1 : i32
    %dma_start3A_38 = arith.constant 1 : i32
    %dma_start3A_39 = arith.constant 0 : i32
    %dma_start3A_40 = arith.constant 0 : i32
    %dma_start3A_41 = tpu.memref_slice %arg10[%dma_start3A_38, %dma_start3A_39, %dma_start3A_40] : memref<2x128x80xf32, #tpu.memory_space<vmem>> -> memref<1x128x80xf32, #tpu.memory_space<vmem>>
    %dma_start3A_42 = tpu.memref_squeeze %dma_start3A_41 : memref<1x128x80xf32, #tpu.memory_space<vmem>> -> memref<128x80xf32, #tpu.memory_space<vmem>>
    %dma_start3A_43 = arith.constant 0 : i32
    %dma_start3A_44 = tpu.memref_slice %arg8[%dma_start3A_37, %dma_start3A_43] : memref<84x128xi32, #tpu.memory_space<vmem>> -> memref<1x128xi32, #tpu.memory_space<vmem>>
    %dma_start3A_45 = tpu.memref_squeeze %dma_start3A_44 : memref<1x128xi32, #tpu.memory_space<vmem>> -> memref<128xi32, #tpu.memory_space<vmem>>
    %dma_start3A_46 = arith.constant 0 : i32
    %dma_start3A_47 = arith.constant 0 : i32
    %dma_start3A_48 = tpu.memref_slice %arg2[%dma_start3A_46, %dma_start3A_47] : memref<10240x80xf32, #tpu.memory_space<hbm>> -> memref<10240x80xf32, #tpu.memory_space<hbm>>
    tpu.enqueue_indirect_dma source(%dma_start3A_48 : memref<10240x80xf32, #tpu.memory_space<hbm>>) target(%dma_start3A_42 : memref<128x80xf32, #tpu.memory_space<vmem>>) offsets(%dma_start3A_45 : memref<128xi32, #tpu.memory_space<vmem>>) semaphore(%arg15 : memref<!tpu.dma_semaphore, #tpu.memory_space<semaphore_mem>>)
    %dma_start3A_49 = arith.constant 1 : i32
    %dma_start3A_50 = arith.constant 1 : i32
    %dma_start3A_51 = arith.constant 0 : i32
    %dma_start3A_52 = arith.constant 0 : i32
    %dma_start3A_53 = tpu.memref_slice %arg11[%dma_start3A_50, %dma_start3A_51, %dma_start3A_52] : memref<2x128x16xf32, #tpu.memory_space<vmem>> -> memref<1x128x16xf32, #tpu.memory_space<vmem>>
    %dma_start3A_54 = tpu.memref_squeeze %dma_start3A_53 : memref<1x128x16xf32, #tpu.memory_space<vmem>> -> memref<128x16xf32, #tpu.memory_space<vmem>>
    %dma_start3A_55 = arith.constant 0 : i32
    %dma_start3A_56 = tpu.memref_slice %arg9[%dma_start3A_49, %dma_start3A_55] : memref<84x128xi32, #tpu.memory_space<vmem>> -> memref<1x128xi32, #tpu.memory_space<vmem>>
    %dma_start3A_57 = tpu.memref_squeeze %dma_start3A_56 : memref<1x128xi32, #tpu.memory_space<vmem>> -> memref<128xi32, #tpu.memory_space<vmem>>
    %dma_start3A_58 = arith.constant 0 : i32
    %dma_start3A_59 = arith.constant 0 : i32
    %dma_start3A_60 = tpu.memref_slice %arg3[%dma_start3A_58, %dma_start3A_59] : memref<10240x16xf32, #tpu.memory_space<hbm>> -> memref<10240x16xf32, #tpu.memory_space<hbm>>
    tpu.enqueue_indirect_dma source(%dma_start3A_60 : memref<10240x16xf32, #tpu.memory_space<hbm>>) target(%dma_start3A_54 : memref<128x16xf32, #tpu.memory_space<vmem>>) offsets(%dma_start3A_57 : memref<128xi32, #tpu.memory_space<vmem>>) semaphore(%arg17 : memref<!tpu.dma_semaphore, #tpu.memory_space<semaphore_mem>>)
    %dma_start3A_61 = arith.constant 0 : i32
    %dma_start3A_62 = arith.constant 0 : i32
    %dma_start3A_63 = arith.constant 0 : i32
    %dma_start3A_64 = arith.constant 0 : i32
    %dma_start3A_65 = tpu.memref_slice %arg12[%dma_start3A_61, %dma_start3A_63, %dma_start3A_64] : memref<2x128x80xf32, #tpu.memory_space<vmem>> -> memref<1x128x80xf32, #tpu.memory_space<vmem>>
    %dma_start3A_66 = tpu.memref_squeeze %dma_start3A_65 : memref<1x128x80xf32, #tpu.memory_space<vmem>> -> memref<128x80xf32, #tpu.memory_space<vmem>>
    %dma_start3A_67 = arith.constant 0 : i32
    %dma_start3A_68 = tpu.memref_slice %arg9[%dma_start3A_62, %dma_start3A_67] : memref<84x128xi32, #tpu.memory_space<vmem>> -> memref<1x128xi32, #tpu.memory_space<vmem>>
    %dma_start3A_69 = tpu.memref_squeeze %dma_start3A_68 : memref<1x128xi32, #tpu.memory_space<vmem>> -> memref<128xi32, #tpu.memory_space<vmem>>
    %dma_start3A_70 = arith.constant 0 : i32
    %dma_start3A_71 = arith.constant 0 : i32
    %dma_start3A_72 = tpu.memref_slice %arg13[%dma_start3A_70, %dma_start3A_71] : memref<10240x80xf32, #tpu.memory_space<vmem_shared>> -> memref<10240x80xf32, #tpu.memory_space<vmem_shared>>
    tpu.enqueue_indirect_dma source(%dma_start3A_66 : memref<128x80xf32, #tpu.memory_space<vmem>>) target(%dma_start3A_72 : memref<10240x80xf32, #tpu.memory_space<vmem_shared>>) offsets(%dma_start3A_69 : memref<128xi32, #tpu.memory_space<vmem>>) semaphore(%arg18 : memref<!tpu.dma_semaphore, #tpu.memory_space<semaphore_mem>>) {add = true}
    %dma_start3A_73 = arith.constant 1 : i32
    %dma_start3A_74 = arith.constant 0 : i32
    %dma_start3A_75 = arith.constant 0 : i32
    %dma_start3A_76 = arith.constant 0 : i32
    %dma_start3A_77 = tpu.memref_slice %arg12[%dma_start3A_73, %dma_start3A_75, %dma_start3A_76] : memref<2x128x80xf32, #tpu.memory_space<vmem>> -> memref<1x128x80xf32, #tpu.memory_space<vmem>>
    %dma_start3A_78 = tpu.memref_squeeze %dma_start3A_77 : memref<1x128x80xf32, #tpu.memory_space<vmem>> -> memref<128x80xf32, #tpu.memory_space<vmem>>
    %dma_start3A_79 = arith.constant 0 : i32
    %dma_start3A_80 = tpu.memref_slice %arg9[%dma_start3A_74, %dma_start3A_79] : memref<84x128xi32, #tpu.memory_space<vmem>> -> memref<1x128xi32, #tpu.memory_space<vmem>>
    %dma_start3A_81 = tpu.memref_squeeze %dma_start3A_80 : memref<1x128xi32, #tpu.memory_space<vmem>> -> memref<128xi32, #tpu.memory_space<vmem>>
    %dma_start3A_82 = arith.constant 0 : i32
    %dma_start3A_83 = arith.constant 0 : i32
    %dma_start3A_84 = tpu.memref_slice %arg13[%dma_start3A_82, %dma_start3A_83] : memref<10240x80xf32, #tpu.memory_space<vmem_shared>> -> memref<10240x80xf32, #tpu.memory_space<vmem_shared>>
    tpu.enqueue_indirect_dma source(%dma_start3A_78 : memref<128x80xf32, #tpu.memory_space<vmem>>) target(%dma_start3A_84 : memref<10240x80xf32, #tpu.memory_space<vmem_shared>>) offsets(%dma_start3A_81 : memref<128xi32, #tpu.memory_space<vmem>>) semaphore(%arg19 : memref<!tpu.dma_semaphore, #tpu.memory_space<semaphore_mem>>) {add = true}
    %scan3A = arith.constant 0 : i32
    %scan3A_85 = arith.constant 0 : i32
    %scan3A_86 = arith.constant 41 : i32
    %scan3A_87 = arith.addi %scan3A_85, %scan3A_86 : i32
    %scan3A_88 = arith.constant 1 : i32
    scf.for %scan3A_166 = %scan3A_85 to %scan3A_87 step %scan3A_88  : i32 {
      %mul3A_167 = arith.constant 2 : i32
      %mul3A_168 = arith.muli %mul3A_167, %scan3A_166 : i32
      %add3A_169 = arith.constant 0 : i32
      %add3A_170 = arith.addi %mul3A_168, %add3A_169 : i32
      %dma_wait3A_171 = arith.constant 0 : i32
      %dma_wait3A_172 = arith.constant 0 : i32
      %dma_wait3A_173 = arith.constant 0 : i32
      %dma_wait3A_174 = arith.constant 0 : i32
      %dma_wait3A_175 = tpu.memref_slice %arg10[%dma_wait3A_172, %dma_wait3A_173, %dma_wait3A_174] : memref<2x128x80xf32, #tpu.memory_space<vmem>> -> memref<1x128x80xf32, #tpu.memory_space<vmem>>
      %dma_wait3A_176 = tpu.memref_squeeze %dma_wait3A_175 : memref<1x128x80xf32, #tpu.memory_space<vmem>> -> memref<128x80xf32, #tpu.memory_space<vmem>>
      %dma_wait3A_177 = arith.constant 0 : i32
      %dma_wait3A_178 = tpu.memref_slice %arg8[%dma_wait3A_171, %dma_wait3A_177] : memref<84x128xi32, #tpu.memory_space<vmem>> -> memref<1x128xi32, #tpu.memory_space<vmem>>
      %dma_wait3A_179 = tpu.memref_squeeze %dma_wait3A_178 : memref<1x128xi32, #tpu.memory_space<vmem>> -> memref<128xi32, #tpu.memory_space<vmem>>
      %dma_wait3A_180 = arith.constant 0 : i32
      %dma_wait3A_181 = arith.constant 0 : i32
      %dma_wait3A_182 = tpu.memref_slice %arg2[%dma_wait3A_180, %dma_wait3A_181] : memref<10240x80xf32, #tpu.memory_space<hbm>> -> memref<10240x80xf32, #tpu.memory_space<hbm>>
      tpu.wait_indirect_dma semaphore(%arg14 : memref<!tpu.dma_semaphore, #tpu.memory_space<semaphore_mem>>) src(%dma_wait3A_182 : memref<10240x80xf32, #tpu.memory_space<hbm>>) dst(%dma_wait3A_176 : memref<128x80xf32, #tpu.memory_space<vmem>>)
      %dma_wait3A_183 = arith.constant 0 : i32
      %dma_wait3A_184 = arith.constant 0 : i32
      %dma_wait3A_185 = arith.constant 0 : i32
      %dma_wait3A_186 = arith.constant 0 : i32
      %dma_wait3A_187 = tpu.memref_slice %arg11[%dma_wait3A_184, %dma_wait3A_185, %dma_wait3A_186] : memref<2x128x16xf32, #tpu.memory_space<vmem>> -> memref<1x128x16xf32, #tpu.memory_space<vmem>>
      %dma_wait3A_188 = tpu.memref_squeeze %dma_wait3A_187 : memref<1x128x16xf32, #tpu.memory_space<vmem>> -> memref<128x16xf32, #tpu.memory_space<vmem>>
      %dma_wait3A_189 = arith.constant 0 : i32
      %dma_wait3A_190 = tpu.memref_slice %arg9[%dma_wait3A_183, %dma_wait3A_189] : memref<84x128xi32, #tpu.memory_space<vmem>> -> memref<1x128xi32, #tpu.memory_space<vmem>>
      %dma_wait3A_191 = tpu.memref_squeeze %dma_wait3A_190 : memref<1x128xi32, #tpu.memory_space<vmem>> -> memref<128xi32, #tpu.memory_space<vmem>>
      %dma_wait3A_192 = arith.constant 0 : i32
      %dma_wait3A_193 = arith.constant 0 : i32
      %dma_wait3A_194 = tpu.memref_slice %arg3[%dma_wait3A_192, %dma_wait3A_193] : memref<10240x16xf32, #tpu.memory_space<hbm>> -> memref<10240x16xf32, #tpu.memory_space<hbm>>
      tpu.wait_indirect_dma semaphore(%arg16 : memref<!tpu.dma_semaphore, #tpu.memory_space<semaphore_mem>>) src(%dma_wait3A_194 : memref<10240x16xf32, #tpu.memory_space<hbm>>) dst(%dma_wait3A_188 : memref<128x16xf32, #tpu.memory_space<vmem>>)
      %dma_wait3A_195 = arith.constant 0 : i32
      %dma_wait3A_196 = arith.constant 0 : i32
      %dma_wait3A_197 = arith.constant 0 : i32
      %dma_wait3A_198 = arith.constant 0 : i32
      %dma_wait3A_199 = tpu.memref_slice %arg12[%dma_wait3A_195, %dma_wait3A_197, %dma_wait3A_198] : memref<2x128x80xf32, #tpu.memory_space<vmem>> -> memref<1x128x80xf32, #tpu.memory_space<vmem>>
      %dma_wait3A_200 = tpu.memref_squeeze %dma_wait3A_199 : memref<1x128x80xf32, #tpu.memory_space<vmem>> -> memref<128x80xf32, #tpu.memory_space<vmem>>
      %dma_wait3A_201 = arith.constant 0 : i32
      %dma_wait3A_202 = tpu.memref_slice %arg9[%dma_wait3A_196, %dma_wait3A_201] : memref<84x128xi32, #tpu.memory_space<vmem>> -> memref<1x128xi32, #tpu.memory_space<vmem>>
      %dma_wait3A_203 = tpu.memref_squeeze %dma_wait3A_202 : memref<1x128xi32, #tpu.memory_space<vmem>> -> memref<128xi32, #tpu.memory_space<vmem>>
      %dma_wait3A_204 = arith.constant 0 : i32
      %dma_wait3A_205 = arith.constant 0 : i32
      %dma_wait3A_206 = tpu.memref_slice %arg13[%dma_wait3A_204, %dma_wait3A_205] : memref<10240x80xf32, #tpu.memory_space<vmem_shared>> -> memref<10240x80xf32, #tpu.memory_space<vmem_shared>>
      tpu.wait_indirect_dma semaphore(%arg18 : memref<!tpu.dma_semaphore, #tpu.memory_space<semaphore_mem>>) src(%dma_wait3A_200 : memref<128x80xf32, #tpu.memory_space<vmem>>) dst(%dma_wait3A_206 : memref<10240x80xf32, #tpu.memory_space<vmem_shared>>)
      %parallel_loop3A = arith.constant 0 : i32
      %parallel_loop3A_207 = arith.constant 128 : i32
      %parallel_loop3A_208 = arith.constant 1 : i32
      %parallel_loop3A_209 = arith.constant 0 : i32
      %parallel_loop3A_210 = arith.constant 0 : i32
      %parallel_loop3A_211 = arith.constant 0 : i32
      scf.for %parallel_loop3A_326 = %parallel_loop3A to %parallel_loop3A_207 step %parallel_loop3A_208  : i32 {
        %parallel_loop3A_327 = tpu.iota {dimensions = array<i32: 0>} : vector<16xi32>
        %parallel_loop3A_328 = arith.constant 8 : i32
        %parallel_loop3A_329 = vector.broadcast %parallel_loop3A_328 : i32 to vector<16xi32>
        %parallel_loop3A_330 = arith.cmpi sge, %parallel_loop3A_327, %parallel_loop3A_329 : vector<16xi32>
        %parallel_loop3A_331 = arith.extui %parallel_loop3A_330 : vector<16xi1> to vector<16xi32>
        %parallel_loop3A_332 = arith.constant 0 : i32
        %parallel_loop3A_333 = arith.constant 0 : i32
        %parallel_loop3A_334 = tpu.memref_slice %arg10[%parallel_loop3A_209, %parallel_loop3A_332, %parallel_loop3A_333] : memref<2x128x80xf32, #tpu.memory_space<vmem>> -> memref<1x128x80xf32, #tpu.memory_space<vmem>>
        %parallel_loop3A_335 = tpu.memref_squeeze %parallel_loop3A_334 : memref<1x128x80xf32, #tpu.memory_space<vmem>> -> memref<128x80xf32, #tpu.memory_space<vmem>>
        %parallel_loop3A_336 = arith.index_cast %parallel_loop3A_326 : i32 to index
        %parallel_loop3A_337 = arith.constant 64 : index
        %parallel_loop3A_338 = tpu.vector_load %parallel_loop3A_335[%parallel_loop3A_336, %parallel_loop3A_337] {strides = array<i32>} : memref<128x80xf32, #tpu.memory_space<vmem>>, vector<16xf32>,
        %parallel_loop3A_339 = arith.constant 0 : i32
        %parallel_loop3A_340 = arith.constant 0 : i32
        %parallel_loop3A_341 = tpu.memref_slice %arg11[%parallel_loop3A_210, %parallel_loop3A_339, %parallel_loop3A_340] : memref<2x128x16xf32, #tpu.memory_space<vmem>> -> memref<1x128x16xf32, #tpu.memory_space<vmem>>
        %parallel_loop3A_342 = tpu.memref_squeeze %parallel_loop3A_341 : memref<1x128x16xf32, #tpu.memory_space<vmem>> -> memref<128x16xf32, #tpu.memory_space<vmem>>
        %parallel_loop3A_343 = arith.index_cast %parallel_loop3A_326 : i32 to index
        %parallel_loop3A_344 = arith.constant 0 : index
        %parallel_loop3A_345 = tpu.vector_load %parallel_loop3A_342[%parallel_loop3A_343, %parallel_loop3A_344] {strides = array<i32>} : memref<128x16xf32, #tpu.memory_space<vmem>>, vector<16xf32>,
        %parallel_loop3A_346 = arith.addf %parallel_loop3A_338, %parallel_loop3A_345 : vector<16xf32>
        %parallel_loop3A_347 = arith.constant 0.000000e+00 : f32
        %parallel_loop3A_348 = vector.broadcast %parallel_loop3A_347 : f32 to vector<16xf32>
        %parallel_loop3A_349 = arith.cmpf oge, %parallel_loop3A_346, %parallel_loop3A_348 : vector<16xf32>
        %parallel_loop3A_350 = arith.constant 2.000000e-01 : f32
        %parallel_loop3A_351 = vector.broadcast %parallel_loop3A_350 : f32 to vector<16xf32>
        %parallel_loop3A_352 = arith.mulf %parallel_loop3A_351, %parallel_loop3A_346 : vector<16xf32>
        %parallel_loop3A_353 = arith.select %parallel_loop3A_349, %parallel_loop3A_346, %parallel_loop3A_352 : vector<16xi1>, vector<16xf32>
        %parallel_loop3A_354 = math.exp %parallel_loop3A_353 : vector<16xf32>
        %parallel_loop3A_355 = arith.constant 0 : i32
        %parallel_loop3A_356 = arith.constant 0 : i32
        %parallel_loop3A_357 = tpu.memref_slice %arg12[%parallel_loop3A_211, %parallel_loop3A_355, %parallel_loop3A_356] : memref<2x128x80xf32, #tpu.memory_space<vmem>> -> memref<1x128x80xf32, #tpu.memory_space<vmem>>
        %parallel_loop3A_358 = tpu.memref_squeeze %parallel_loop3A_357 : memref<1x128x80xf32, #tpu.memory_space<vmem>> -> memref<128x80xf32, #tpu.memory_space<vmem>>
        %parallel_loop3A_359 = arith.index_cast %parallel_loop3A_326 : i32 to index
        %parallel_loop3A_360 = arith.constant 64 : index
        %parallel_loop3A_361 = tpu.vector_load %parallel_loop3A_358[%parallel_loop3A_359, %parallel_loop3A_360] {strides = array<i32>} : memref<128x80xf32, #tpu.memory_space<vmem>>, vector<16xf32>,
        tpu.vector_store %parallel_loop3A_358[%parallel_loop3A_359, %parallel_loop3A_360], %parallel_loop3A_354 {strides = array<i32>} : memref<128x80xf32, #tpu.memory_space<vmem>>, vector<16xf32>,
        %parallel_loop3A_362 = arith.constant 0 : i32
        %parallel_loop3A_363 = vector.broadcast %parallel_loop3A_362 : i32 to vector<16xi32>
        %parallel_loop3A_364 = arith.addi %parallel_loop3A_363, %parallel_loop3A_331 : vector<16xi32>
        %parallel_loop3A_365 = vector.shape_cast %parallel_loop3A_364 : vector<16xi32> to vector<16x1xi32>
        %parallel_loop3A_366 = vector.shape_cast %parallel_loop3A_365 : vector<16x1xi32> to vector<16xi32>
        %parallel_loop3A_367 = tpu.dynamic_gather %parallel_loop3A_354[%parallel_loop3A_366] in [0] : vector<16xf32>, vector<16xi32> -> vector<16xf32>
        %parallel_loop3A_368 = arith.constant 0 : i32
        %parallel_loop3A_369 = arith.constant 0 : i32
        %parallel_loop3A_370 = tpu.memref_slice %arg10[%parallel_loop3A_209, %parallel_loop3A_368, %parallel_loop3A_369] : memref<2x128x80xf32, #tpu.memory_space<vmem>> -> memref<1x128x80xf32, #tpu.memory_space<vmem>>
        %parallel_loop3A_371 = tpu.memref_squeeze %parallel_loop3A_370 : memref<1x128x80xf32, #tpu.memory_space<vmem>> -> memref<128x80xf32, #tpu.memory_space<vmem>>
        %parallel_loop3A_372 = arith.index_cast %parallel_loop3A_326 : i32 to index
        %parallel_loop3A_373 = arith.constant 0 : index
        %parallel_loop3A_374 = tpu.vector_load %parallel_loop3A_371[%parallel_loop3A_372, %parallel_loop3A_373] {strides = array<i32>} : memref<128x80xf32, #tpu.memory_space<vmem>>, vector<16xf32>,
        %parallel_loop3A_375 = arith.mulf %parallel_loop3A_374, %parallel_loop3A_367 : vector<16xf32>
        %parallel_loop3A_376 = arith.constant 0 : i32
        %parallel_loop3A_377 = arith.constant 0 : i32
        %parallel_loop3A_378 = tpu.memref_slice %arg12[%parallel_loop3A_211, %parallel_loop3A_376, %parallel_loop3A_377] : memref<2x128x80xf32, #tpu.memory_space<vmem>> -> memref<1x128x80xf32, #tpu.memory_space<vmem>>
        %parallel_loop3A_379 = tpu.memref_squeeze %parallel_loop3A_378 : memref<1x128x80xf32, #tpu.memory_space<vmem>> -> memref<128x80xf32, #tpu.memory_space<vmem>>
        %parallel_loop3A_380 = arith.index_cast %parallel_loop3A_326 : i32 to index
        %parallel_loop3A_381 = arith.constant 0 : index
        %parallel_loop3A_382 = tpu.vector_load %parallel_loop3A_379[%parallel_loop3A_380, %parallel_loop3A_381] {strides = array<i32>} : memref<128x80xf32, #tpu.memory_space<vmem>>, vector<16xf32>,
        tpu.vector_store %parallel_loop3A_379[%parallel_loop3A_380, %parallel_loop3A_381], %parallel_loop3A_375 {strides = array<i32>} : memref<128x80xf32, #tpu.memory_space<vmem>>, vector<16xf32>,
        %parallel_loop3A_383 = arith.constant 2 : i32
        %parallel_loop3A_384 = vector.broadcast %parallel_loop3A_383 : i32 to vector<16xi32>
        %parallel_loop3A_385 = arith.addi %parallel_loop3A_384, %parallel_loop3A_331 : vector<16xi32>
        %parallel_loop3A_386 = vector.shape_cast %parallel_loop3A_385 : vector<16xi32> to vector<16x1xi32>
        %parallel_loop3A_387 = vector.shape_cast %parallel_loop3A_386 : vector<16x1xi32> to vector<16xi32>
        %parallel_loop3A_388 = tpu.dynamic_gather %parallel_loop3A_354[%parallel_loop3A_387] in [0] : vector<16xf32>, vector<16xi32> -> vector<16xf32>
        %parallel_loop3A_389 = arith.constant 0 : i32
        %parallel_loop3A_390 = arith.constant 0 : i32
        %parallel_loop3A_391 = tpu.memref_slice %arg10[%parallel_loop3A_209, %parallel_loop3A_389, %parallel_loop3A_390] : memref<2x128x80xf32, #tpu.memory_space<vmem>> -> memref<1x128x80xf32, #tpu.memory_space<vmem>>
        %parallel_loop3A_392 = tpu.memref_squeeze %parallel_loop3A_391 : memref<1x128x80xf32, #tpu.memory_space<vmem>> -> memref<128x80xf32, #tpu.memory_space<vmem>>
        %parallel_loop3A_393 = arith.index_cast %parallel_loop3A_326 : i32 to index
        %parallel_loop3A_394 = arith.constant 16 : index
        %parallel_loop3A_395 = tpu.vector_load %parallel_loop3A_392[%parallel_loop3A_393, %parallel_loop3A_394] {strides = array<i32>} : memref<128x80xf32, #tpu.memory_space<vmem>>, vector<16xf32>,
        %parallel_loop3A_396 = arith.mulf %parallel_loop3A_395, %parallel_loop3A_388 : vector<16xf32>
        %parallel_loop3A_397 = arith.constant 0 : i32
        %parallel_loop3A_398 = arith.constant 0 : i32
        %parallel_loop3A_399 = tpu.memref_slice %arg12[%parallel_loop3A_211, %parallel_loop3A_397, %parallel_loop3A_398] : memref<2x128x80xf32, #tpu.memory_space<vmem>> -> memref<1x128x80xf32, #tpu.memory_space<vmem>>
        %parallel_loop3A_400 = tpu.memref_squeeze %parallel_loop3A_399 : memref<1x128x80xf32, #tpu.memory_space<vmem>> -> memref<128x80xf32, #tpu.memory_space<vmem>>
        %parallel_loop3A_401 = arith.index_cast %parallel_loop3A_326 : i32 to index
        %parallel_loop3A_402 = arith.constant 16 : index
        %parallel_loop3A_403 = tpu.vector_load %parallel_loop3A_400[%parallel_loop3A_401, %parallel_loop3A_402] {strides = array<i32>} : memref<128x80xf32, #tpu.memory_space<vmem>>, vector<16xf32>,
        tpu.vector_store %parallel_loop3A_400[%parallel_loop3A_401, %parallel_loop3A_402], %parallel_loop3A_396 {strides = array<i32>} : memref<128x80xf32, #tpu.memory_space<vmem>>, vector<16xf32>,
        %parallel_loop3A_404 = arith.constant 4 : i32
        %parallel_loop3A_405 = vector.broadcast %parallel_loop3A_404 : i32 to vector<16xi32>
        %parallel_loop3A_406 = arith.addi %parallel_loop3A_405, %parallel_loop3A_331 : vector<16xi32>
        %parallel_loop3A_407 = vector.shape_cast %parallel_loop3A_406 : vector<16xi32> to vector<16x1xi32>
        %parallel_loop3A_408 = vector.shape_cast %parallel_loop3A_407 : vector<16x1xi32> to vector<16xi32>
        %parallel_loop3A_409 = tpu.dynamic_gather %parallel_loop3A_354[%parallel_loop3A_408] in [0] : vector<16xf32>, vector<16xi32> -> vector<16xf32>
        %parallel_loop3A_410 = arith.constant 0 : i32
        %parallel_loop3A_411 = arith.constant 0 : i32
        %parallel_loop3A_412 = tpu.memref_slice %arg10[%parallel_loop3A_209, %parallel_loop3A_410, %parallel_loop3A_411] : memref<2x128x80xf32, #tpu.memory_space<vmem>> -> memref<1x128x80xf32, #tpu.memory_space<vmem>>
        %parallel_loop3A_413 = tpu.memref_squeeze %parallel_loop3A_412 : memref<1x128x80xf32, #tpu.memory_space<vmem>> -> memref<128x80xf32, #tpu.memory_space<vmem>>
        %parallel_loop3A_414 = arith.index_cast %parallel_loop3A_326 : i32 to index
        %parallel_loop3A_415 = arith.constant 32 : index
        %parallel_loop3A_416 = tpu.vector_load %parallel_loop3A_413[%parallel_loop3A_414, %parallel_loop3A_415] {strides = array<i32>} : memref<128x80xf32, #tpu.memory_space<vmem>>, vector<16xf32>,
        %parallel_loop3A_417 = arith.mulf %parallel_loop3A_416, %parallel_loop3A_409 : vector<16xf32>
        %parallel_loop3A_418 = arith.constant 0 : i32
        %parallel_loop3A_419 = arith.constant 0 : i32
        %parallel_loop3A_420 = tpu.memref_slice %arg12[%parallel_loop3A_211, %parallel_loop3A_418, %parallel_loop3A_419] : memref<2x128x80xf32, #tpu.memory_space<vmem>> -> memref<1x128x80xf32, #tpu.memory_space<vmem>>
        %parallel_loop3A_421 = tpu.memref_squeeze %parallel_loop3A_420 : memref<1x128x80xf32, #tpu.memory_space<vmem>> -> memref<128x80xf32, #tpu.memory_space<vmem>>
        %parallel_loop3A_422 = arith.index_cast %parallel_loop3A_326 : i32 to index
        %parallel_loop3A_423 = arith.constant 32 : index
        %parallel_loop3A_424 = tpu.vector_load %parallel_loop3A_421[%parallel_loop3A_422, %parallel_loop3A_423] {strides = array<i32>} : memref<128x80xf32, #tpu.memory_space<vmem>>, vector<16xf32>,
        tpu.vector_store %parallel_loop3A_421[%parallel_loop3A_422, %parallel_loop3A_423], %parallel_loop3A_417 {strides = array<i32>} : memref<128x80xf32, #tpu.memory_space<vmem>>, vector<16xf32>,
        %parallel_loop3A_425 = arith.constant 6 : i32
        %parallel_loop3A_426 = vector.broadcast %parallel_loop3A_425 : i32 to vector<16xi32>
        %parallel_loop3A_427 = arith.addi %parallel_loop3A_426, %parallel_loop3A_331 : vector<16xi32>
        %parallel_loop3A_428 = vector.shape_cast %parallel_loop3A_427 : vector<16xi32> to vector<16x1xi32>
        %parallel_loop3A_429 = vector.shape_cast %parallel_loop3A_428 : vector<16x1xi32> to vector<16xi32>
        %parallel_loop3A_430 = tpu.dynamic_gather %parallel_loop3A_354[%parallel_loop3A_429] in [0] : vector<16xf32>, vector<16xi32> -> vector<16xf32>
        %parallel_loop3A_431 = arith.constant 0 : i32
        %parallel_loop3A_432 = arith.constant 0 : i32
        %parallel_loop3A_433 = tpu.memref_slice %arg10[%parallel_loop3A_209, %parallel_loop3A_431, %parallel_loop3A_432] : memref<2x128x80xf32, #tpu.memory_space<vmem>> -> memref<1x128x80xf32, #tpu.memory_space<vmem>>
        %parallel_loop3A_434 = tpu.memref_squeeze %parallel_loop3A_433 : memref<1x128x80xf32, #tpu.memory_space<vmem>> -> memref<128x80xf32, #tpu.memory_space<vmem>>
        %parallel_loop3A_435 = arith.index_cast %parallel_loop3A_326 : i32 to index
        %parallel_loop3A_436 = arith.constant 48 : index
        %parallel_loop3A_437 = tpu.vector_load %parallel_loop3A_434[%parallel_loop3A_435, %parallel_loop3A_436] {strides = array<i32>} : memref<128x80xf32, #tpu.memory_space<vmem>>, vector<16xf32>,
        %parallel_loop3A_438 = arith.mulf %parallel_loop3A_437, %parallel_loop3A_430 : vector<16xf32>
        %parallel_loop3A_439 = arith.constant 0 : i32
        %parallel_loop3A_440 = arith.constant 0 : i32
        %parallel_loop3A_441 = tpu.memref_slice %arg12[%parallel_loop3A_211, %parallel_loop3A_439, %parallel_loop3A_440] : memref<2x128x80xf32, #tpu.memory_space<vmem>> -> memref<1x128x80xf32, #tpu.memory_space<vmem>>
        %parallel_loop3A_442 = tpu.memref_squeeze %parallel_loop3A_441 : memref<1x128x80xf32, #tpu.memory_space<vmem>> -> memref<128x80xf32, #tpu.memory_space<vmem>>
        %parallel_loop3A_443 = arith.index_cast %parallel_loop3A_326 : i32 to index
        %parallel_loop3A_444 = arith.constant 48 : index
        %parallel_loop3A_445 = tpu.vector_load %parallel_loop3A_442[%parallel_loop3A_443, %parallel_loop3A_444] {strides = array<i32>} : memref<128x80xf32, #tpu.memory_space<vmem>>, vector<16xf32>,
        tpu.vector_store %parallel_loop3A_442[%parallel_loop3A_443, %parallel_loop3A_444], %parallel_loop3A_438 {strides = array<i32>} : memref<128x80xf32, #tpu.memory_space<vmem>>, vector<16xf32>,
      } {sc.loop_unroll_factor = 4 : i64, sc.parallel_access}
      %add3A_212 = arith.constant 2 : i32
      %add3A_213 = arith.addi %add3A_170, %add3A_212 : i32
      %dma_start3A_214 = arith.constant 0 : i32
      %dma_start3A_215 = arith.constant 0 : i32
      %dma_start3A_216 = arith.constant 0 : i32
      %dma_start3A_217 = tpu.memref_slice %arg10[%dma_start3A_214, %dma_start3A_215, %dma_start3A_216] : memref<2x128x80xf32, #tpu.memory_space<vmem>> -> memref<1x128x80xf32, #tpu.memory_space<vmem>>
      %dma_start3A_218 = tpu.memref_squeeze %dma_start3A_217 : memref<1x128x80xf32, #tpu.memory_space<vmem>> -> memref<128x80xf32, #tpu.memory_space<vmem>>
      %dma_start3A_219 = arith.constant 0 : i32
      %dma_start3A_220 = tpu.memref_slice %arg8[%add3A_213, %dma_start3A_219] : memref<84x128xi32, #tpu.memory_space<vmem>> -> memref<1x128xi32, #tpu.memory_space<vmem>>
      %dma_start3A_221 = tpu.memref_squeeze %dma_start3A_220 : memref<1x128xi32, #tpu.memory_space<vmem>> -> memref<128xi32, #tpu.memory_space<vmem>>
      %dma_start3A_222 = arith.constant 0 : i32
      %dma_start3A_223 = arith.constant 0 : i32
      %dma_start3A_224 = tpu.memref_slice %arg2[%dma_start3A_222, %dma_start3A_223] : memref<10240x80xf32, #tpu.memory_space<hbm>> -> memref<10240x80xf32, #tpu.memory_space<hbm>>
      tpu.enqueue_indirect_dma source(%dma_start3A_224 : memref<10240x80xf32, #tpu.memory_space<hbm>>) target(%dma_start3A_218 : memref<128x80xf32, #tpu.memory_space<vmem>>) offsets(%dma_start3A_221 : memref<128xi32, #tpu.memory_space<vmem>>) semaphore(%arg14 : memref<!tpu.dma_semaphore, #tpu.memory_space<semaphore_mem>>)
      %dma_start3A_225 = arith.constant 0 : i32
      %dma_start3A_226 = arith.constant 0 : i32
      %dma_start3A_227 = arith.constant 0 : i32
      %dma_start3A_228 = tpu.memref_slice %arg11[%dma_start3A_225, %dma_start3A_226, %dma_start3A_227] : memref<2x128x16xf32, #tpu.memory_space<vmem>> -> memref<1x128x16xf32, #tpu.memory_space<vmem>>
      %dma_start3A_229 = tpu.memref_squeeze %dma_start3A_228 : memref<1x128x16xf32, #tpu.memory_space<vmem>> -> memref<128x16xf32, #tpu.memory_space<vmem>>
      %dma_start3A_230 = arith.constant 0 : i32
      %dma_start3A_231 = tpu.memref_slice %arg9[%add3A_213, %dma_start3A_230] : memref<84x128xi32, #tpu.memory_space<vmem>> -> memref<1x128xi32, #tpu.memory_space<vmem>>
      %dma_start3A_232 = tpu.memref_squeeze %dma_start3A_231 : memref<1x128xi32, #tpu.memory_space<vmem>> -> memref<128xi32, #tpu.memory_space<vmem>>
      %dma_start3A_233 = arith.constant 0 : i32
      %dma_start3A_234 = arith.constant 0 : i32
      %dma_start3A_235 = tpu.memref_slice %arg3[%dma_start3A_233, %dma_start3A_234] : memref<10240x16xf32, #tpu.memory_space<hbm>> -> memref<10240x16xf32, #tpu.memory_space<hbm>>
      tpu.enqueue_indirect_dma source(%dma_start3A_235 : memref<10240x16xf32, #tpu.memory_space<hbm>>) target(%dma_start3A_229 : memref<128x16xf32, #tpu.memory_space<vmem>>) offsets(%dma_start3A_232 : memref<128xi32, #tpu.memory_space<vmem>>) semaphore(%arg16 : memref<!tpu.dma_semaphore, #tpu.memory_space<semaphore_mem>>)
      %dma_start3A_236 = arith.constant 0 : i32
      %dma_start3A_237 = arith.constant 0 : i32
      %dma_start3A_238 = arith.constant 0 : i32
      %dma_start3A_239 = tpu.memref_slice %arg12[%dma_start3A_236, %dma_start3A_237, %dma_start3A_238] : memref<2x128x80xf32, #tpu.memory_space<vmem>> -> memref<1x128x80xf32, #tpu.memory_space<vmem>>
      %dma_start3A_240 = tpu.memref_squeeze %dma_start3A_239 : memref<1x128x80xf32, #tpu.memory_space<vmem>> -> memref<128x80xf32, #tpu.memory_space<vmem>>
      %dma_start3A_241 = arith.constant 0 : i32
      %dma_start3A_242 = tpu.memref_slice %arg9[%add3A_170, %dma_start3A_241] : memref<84x128xi32, #tpu.memory_space<vmem>> -> memref<1x128xi32, #tpu.memory_space<vmem>>
      %dma_start3A_243 = tpu.memref_squeeze %dma_start3A_242 : memref<1x128xi32, #tpu.memory_space<vmem>> -> memref<128xi32, #tpu.memory_space<vmem>>
      %dma_start3A_244 = arith.constant 0 : i32
      %dma_start3A_245 = arith.constant 0 : i32
      %dma_start3A_246 = tpu.memref_slice %arg13[%dma_start3A_244, %dma_start3A_245] : memref<10240x80xf32, #tpu.memory_space<vmem_shared>> -> memref<10240x80xf32, #tpu.memory_space<vmem_shared>>
      tpu.enqueue_indirect_dma source(%dma_start3A_240 : memref<128x80xf32, #tpu.memory_space<vmem>>) target(%dma_start3A_246 : memref<10240x80xf32, #tpu.memory_space<vmem_shared>>) offsets(%dma_start3A_243 : memref<128xi32, #tpu.memory_space<vmem>>) semaphore(%arg18 : memref<!tpu.dma_semaphore, #tpu.memory_space<semaphore_mem>>) {add = true}
      %add3A_247 = arith.constant 1 : i32
      %add3A_248 = arith.addi %mul3A_168, %add3A_247 : i32
      %dma_wait3A_249 = arith.constant 0 : i32
      %dma_wait3A_250 = arith.constant 1 : i32
      %dma_wait3A_251 = arith.constant 0 : i32
      %dma_wait3A_252 = arith.constant 0 : i32
      %dma_wait3A_253 = tpu.memref_slice %arg10[%dma_wait3A_250, %dma_wait3A_251, %dma_wait3A_252] : memref<2x128x80xf32, #tpu.memory_space<vmem>> -> memref<1x128x80xf32, #tpu.memory_space<vmem>>
      %dma_wait3A_254 = tpu.memref_squeeze %dma_wait3A_253 : memref<1x128x80xf32, #tpu.memory_space<vmem>> -> memref<128x80xf32, #tpu.memory_space<vmem>>
      %dma_wait3A_255 = arith.constant 0 : i32
      %dma_wait3A_256 = tpu.memref_slice %arg8[%dma_wait3A_249, %dma_wait3A_255] : memref<84x128xi32, #tpu.memory_space<vmem>> -> memref<1x128xi32, #tpu.memory_space<vmem>>
      %dma_wait3A_257 = tpu.memref_squeeze %dma_wait3A_256 : memref<1x128xi32, #tpu.memory_space<vmem>> -> memref<128xi32, #tpu.memory_space<vmem>>
      %dma_wait3A_258 = arith.constant 0 : i32
      %dma_wait3A_259 = arith.constant 0 : i32
      %dma_wait3A_260 = tpu.memref_slice %arg2[%dma_wait3A_258, %dma_wait3A_259] : memref<10240x80xf32, #tpu.memory_space<hbm>> -> memref<10240x80xf32, #tpu.memory_space<hbm>>
      tpu.wait_indirect_dma semaphore(%arg15 : memref<!tpu.dma_semaphore, #tpu.memory_space<semaphore_mem>>) src(%dma_wait3A_260 : memref<10240x80xf32, #tpu.memory_space<hbm>>) dst(%dma_wait3A_254 : memref<128x80xf32, #tpu.memory_space<vmem>>)
      %dma_wait3A_261 = arith.constant 0 : i32
      %dma_wait3A_262 = arith.constant 1 : i32
      %dma_wait3A_263 = arith.constant 0 : i32
      %dma_wait3A_264 = arith.constant 0 : i32
      %dma_wait3A_265 = tpu.memref_slice %arg11[%dma_wait3A_262, %dma_wait3A_263, %dma_wait3A_264] : memref<2x128x16xf32, #tpu.memory_space<vmem>> -> memref<1x128x16xf32, #tpu.memory_space<vmem>>
      %dma_wait3A_266 = tpu.memref_squeeze %dma_wait3A_265 : memref<1x128x16xf32, #tpu.memory_space<vmem>> -> memref<128x16xf32, #tpu.memory_space<vmem>>
      %dma_wait3A_267 = arith.constant 0 : i32
      %dma_wait3A_268 = tpu.memref_slice %arg9[%dma_wait3A_261, %dma_wait3A_267] : memref<84x128xi32, #tpu.memory_space<vmem>> -> memref<1x128xi32, #tpu.memory_space<vmem>>
      %dma_wait3A_269 = tpu.memref_squeeze %dma_wait3A_268 : memref<1x128xi32, #tpu.memory_space<vmem>> -> memref<128xi32, #tpu.memory_space<vmem>>
      %dma_wait3A_270 = arith.constant 0 : i32
      %dma_wait3A_271 = arith.constant 0 : i32
      %dma_wait3A_272 = tpu.memref_slice %arg3[%dma_wait3A_270, %dma_wait3A_271] : memref<10240x16xf32, #tpu.memory_space<hbm>> -> memref<10240x16xf32, #tpu.memory_space<hbm>>
      tpu.wait_indirect_dma semaphore(%arg17 : memref<!tpu.dma_semaphore, #tpu.memory_space<semaphore_mem>>) src(%dma_wait3A_272 : memref<10240x16xf32, #tpu.memory_space<hbm>>) dst(%dma_wait3A_266 : memref<128x16xf32, #tpu.memory_space<vmem>>)
      %dma_wait3A_273 = arith.constant 1 : i32
      %dma_wait3A_274 = arith.constant 0 : i32
      %dma_wait3A_275 = arith.constant 0 : i32
      %dma_wait3A_276 = arith.constant 0 : i32
      %dma_wait3A_277 = tpu.memref_slice %arg12[%dma_wait3A_273, %dma_wait3A_275, %dma_wait3A_276] : memref<2x128x80xf32, #tpu.memory_space<vmem>> -> memref<1x128x80xf32, #tpu.memory_space<vmem>>
      %dma_wait3A_278 = tpu.memref_squeeze %dma_wait3A_277 : memref<1x128x80xf32, #tpu.memory_space<vmem>> -> memref<128x80xf32, #tpu.memory_space<vmem>>
      %dma_wait3A_279 = arith.constant 0 : i32
      %dma_wait3A_280 = tpu.memref_slice %arg9[%dma_wait3A_274, %dma_wait3A_279] : memref<84x128xi32, #tpu.memory_space<vmem>> -> memref<1x128xi32, #tpu.memory_space<vmem>>
      %dma_wait3A_281 = tpu.memref_squeeze %dma_wait3A_280 : memref<1x128xi32, #tpu.memory_space<vmem>> -> memref<128xi32, #tpu.memory_space<vmem>>
      %dma_wait3A_282 = arith.constant 0 : i32
      %dma_wait3A_283 = arith.constant 0 : i32
      %dma_wait3A_284 = tpu.memref_slice %arg13[%dma_wait3A_282, %dma_wait3A_283] : memref<10240x80xf32, #tpu.memory_space<vmem_shared>> -> memref<10240x80xf32, #tpu.memory_space<vmem_shared>>
      tpu.wait_indirect_dma semaphore(%arg19 : memref<!tpu.dma_semaphore, #tpu.memory_space<semaphore_mem>>) src(%dma_wait3A_278 : memref<128x80xf32, #tpu.memory_space<vmem>>) dst(%dma_wait3A_284 : memref<10240x80xf32, #tpu.memory_space<vmem_shared>>)
      %parallel_loop3A_285 = arith.constant 0 : i32
      %parallel_loop3A_286 = arith.constant 128 : i32
      %parallel_loop3A_287 = arith.constant 1 : i32
      %parallel_loop3A_288 = arith.constant 1 : i32
      %parallel_loop3A_289 = arith.constant 1 : i32
      %parallel_loop3A_290 = arith.constant 1 : i32
      scf.for %parallel_loop3A_326 = %parallel_loop3A_285 to %parallel_loop3A_286 step %parallel_loop3A_287  : i32 {
        %parallel_loop3A_327 = tpu.iota {dimensions = array<i32: 0>} : vector<16xi32>
        %parallel_loop3A_328 = arith.constant 8 : i32
        %parallel_loop3A_329 = vector.broadcast %parallel_loop3A_328 : i32 to vector<16xi32>
        %parallel_loop3A_330 = arith.cmpi sge, %parallel_loop3A_327, %parallel_loop3A_329 : vector<16xi32>
        %parallel_loop3A_331 = arith.extui %parallel_loop3A_330 : vector<16xi1> to vector<16xi32>
        %parallel_loop3A_332 = arith.constant 0 : i32
        %parallel_loop3A_333 = arith.constant 0 : i32
        %parallel_loop3A_334 = tpu.memref_slice %arg10[%parallel_loop3A_288, %parallel_loop3A_332, %parallel_loop3A_333] : memref<2x128x80xf32, #tpu.memory_space<vmem>> -> memref<1x128x80xf32, #tpu.memory_space<vmem>>
        %parallel_loop3A_335 = tpu.memref_squeeze %parallel_loop3A_334 : memref<1x128x80xf32, #tpu.memory_space<vmem>> -> memref<128x80xf32, #tpu.memory_space<vmem>>
        %parallel_loop3A_336 = arith.index_cast %parallel_loop3A_326 : i32 to index
        %parallel_loop3A_337 = arith.constant 64 : index
        %parallel_loop3A_338 = tpu.vector_load %parallel_loop3A_335[%parallel_loop3A_336, %parallel_loop3A_337] {strides = array<i32>} : memref<128x80xf32, #tpu.memory_space<vmem>>, vector<16xf32>,
        %parallel_loop3A_339 = arith.constant 0 : i32
        %parallel_loop3A_340 = arith.constant 0 : i32
        %parallel_loop3A_341 = tpu.memref_slice %arg11[%parallel_loop3A_289, %parallel_loop3A_339, %parallel_loop3A_340] : memref<2x128x16xf32, #tpu.memory_space<vmem>> -> memref<1x128x16xf32, #tpu.memory_space<vmem>>
        %parallel_loop3A_342 = tpu.memref_squeeze %parallel_loop3A_341 : memref<1x128x16xf32, #tpu.memory_space<vmem>> -> memref<128x16xf32, #tpu.memory_space<vmem>>
        %parallel_loop3A_343 = arith.index_cast %parallel_loop3A_326 : i32 to index
        %parallel_loop3A_344 = arith.constant 0 : index
        %parallel_loop3A_345 = tpu.vector_load %parallel_loop3A_342[%parallel_loop3A_343, %parallel_loop3A_344] {strides = array<i32>} : memref<128x16xf32, #tpu.memory_space<vmem>>, vector<16xf32>,
        %parallel_loop3A_346 = arith.addf %parallel_loop3A_338, %parallel_loop3A_345 : vector<16xf32>
        %parallel_loop3A_347 = arith.constant 0.000000e+00 : f32
        %parallel_loop3A_348 = vector.broadcast %parallel_loop3A_347 : f32 to vector<16xf32>
        %parallel_loop3A_349 = arith.cmpf oge, %parallel_loop3A_346, %parallel_loop3A_348 : vector<16xf32>
        %parallel_loop3A_350 = arith.constant 2.000000e-01 : f32
        %parallel_loop3A_351 = vector.broadcast %parallel_loop3A_350 : f32 to vector<16xf32>
        %parallel_loop3A_352 = arith.mulf %parallel_loop3A_351, %parallel_loop3A_346 : vector<16xf32>
        %parallel_loop3A_353 = arith.select %parallel_loop3A_349, %parallel_loop3A_346, %parallel_loop3A_352 : vector<16xi1>, vector<16xf32>
        %parallel_loop3A_354 = math.exp %parallel_loop3A_353 : vector<16xf32>
        %parallel_loop3A_355 = arith.constant 0 : i32
        %parallel_loop3A_356 = arith.constant 0 : i32
        %parallel_loop3A_357 = tpu.memref_slice %arg12[%parallel_loop3A_290, %parallel_loop3A_355, %parallel_loop3A_356] : memref<2x128x80xf32, #tpu.memory_space<vmem>> -> memref<1x128x80xf32, #tpu.memory_space<vmem>>
        %parallel_loop3A_358 = tpu.memref_squeeze %parallel_loop3A_357 : memref<1x128x80xf32, #tpu.memory_space<vmem>> -> memref<128x80xf32, #tpu.memory_space<vmem>>
        %parallel_loop3A_359 = arith.index_cast %parallel_loop3A_326 : i32 to index
        %parallel_loop3A_360 = arith.constant 64 : index
        %parallel_loop3A_361 = tpu.vector_load %parallel_loop3A_358[%parallel_loop3A_359, %parallel_loop3A_360] {strides = array<i32>} : memref<128x80xf32, #tpu.memory_space<vmem>>, vector<16xf32>,
        tpu.vector_store %parallel_loop3A_358[%parallel_loop3A_359, %parallel_loop3A_360], %parallel_loop3A_354 {strides = array<i32>} : memref<128x80xf32, #tpu.memory_space<vmem>>, vector<16xf32>,
        %parallel_loop3A_362 = arith.constant 0 : i32
        %parallel_loop3A_363 = vector.broadcast %parallel_loop3A_362 : i32 to vector<16xi32>
        %parallel_loop3A_364 = arith.addi %parallel_loop3A_363, %parallel_loop3A_331 : vector<16xi32>
        %parallel_loop3A_365 = vector.shape_cast %parallel_loop3A_364 : vector<16xi32> to vector<16x1xi32>
        %parallel_loop3A_366 = vector.shape_cast %parallel_loop3A_365 : vector<16x1xi32> to vector<16xi32>
        %parallel_loop3A_367 = tpu.dynamic_gather %parallel_loop3A_354[%parallel_loop3A_366] in [0] : vector<16xf32>, vector<16xi32> -> vector<16xf32>
        %parallel_loop3A_368 = arith.constant 0 : i32
        %parallel_loop3A_369 = arith.constant 0 : i32
        %parallel_loop3A_370 = tpu.memref_slice %arg10[%parallel_loop3A_288, %parallel_loop3A_368, %parallel_loop3A_369] : memref<2x128x80xf32, #tpu.memory_space<vmem>> -> memref<1x128x80xf32, #tpu.memory_space<vmem>>
        %parallel_loop3A_371 = tpu.memref_squeeze %parallel_loop3A_370 : memref<1x128x80xf32, #tpu.memory_space<vmem>> -> memref<128x80xf32, #tpu.memory_space<vmem>>
        %parallel_loop3A_372 = arith.index_cast %parallel_loop3A_326 : i32 to index
        %parallel_loop3A_373 = arith.constant 0 : index
        %parallel_loop3A_374 = tpu.vector_load %parallel_loop3A_371[%parallel_loop3A_372, %parallel_loop3A_373] {strides = array<i32>} : memref<128x80xf32, #tpu.memory_space<vmem>>, vector<16xf32>,
        %parallel_loop3A_375 = arith.mulf %parallel_loop3A_374, %parallel_loop3A_367 : vector<16xf32>
        %parallel_loop3A_376 = arith.constant 0 : i32
        %parallel_loop3A_377 = arith.constant 0 : i32
        %parallel_loop3A_378 = tpu.memref_slice %arg12[%parallel_loop3A_290, %parallel_loop3A_376, %parallel_loop3A_377] : memref<2x128x80xf32, #tpu.memory_space<vmem>> -> memref<1x128x80xf32, #tpu.memory_space<vmem>>
        %parallel_loop3A_379 = tpu.memref_squeeze %parallel_loop3A_378 : memref<1x128x80xf32, #tpu.memory_space<vmem>> -> memref<128x80xf32, #tpu.memory_space<vmem>>
        %parallel_loop3A_380 = arith.index_cast %parallel_loop3A_326 : i32 to index
        %parallel_loop3A_381 = arith.constant 0 : index
        %parallel_loop3A_382 = tpu.vector_load %parallel_loop3A_379[%parallel_loop3A_380, %parallel_loop3A_381] {strides = array<i32>} : memref<128x80xf32, #tpu.memory_space<vmem>>, vector<16xf32>,
        tpu.vector_store %parallel_loop3A_379[%parallel_loop3A_380, %parallel_loop3A_381], %parallel_loop3A_375 {strides = array<i32>} : memref<128x80xf32, #tpu.memory_space<vmem>>, vector<16xf32>,
        %parallel_loop3A_383 = arith.constant 2 : i32
        %parallel_loop3A_384 = vector.broadcast %parallel_loop3A_383 : i32 to vector<16xi32>
        %parallel_loop3A_385 = arith.addi %parallel_loop3A_384, %parallel_loop3A_331 : vector<16xi32>
        %parallel_loop3A_386 = vector.shape_cast %parallel_loop3A_385 : vector<16xi32> to vector<16x1xi32>
        %parallel_loop3A_387 = vector.shape_cast %parallel_loop3A_386 : vector<16x1xi32> to vector<16xi32>
        %parallel_loop3A_388 = tpu.dynamic_gather %parallel_loop3A_354[%parallel_loop3A_387] in [0] : vector<16xf32>, vector<16xi32> -> vector<16xf32>
        %parallel_loop3A_389 = arith.constant 0 : i32
        %parallel_loop3A_390 = arith.constant 0 : i32
        %parallel_loop3A_391 = tpu.memref_slice %arg10[%parallel_loop3A_288, %parallel_loop3A_389, %parallel_loop3A_390] : memref<2x128x80xf32, #tpu.memory_space<vmem>> -> memref<1x128x80xf32, #tpu.memory_space<vmem>>
        %parallel_loop3A_392 = tpu.memref_squeeze %parallel_loop3A_391 : memref<1x128x80xf32, #tpu.memory_space<vmem>> -> memref<128x80xf32, #tpu.memory_space<vmem>>
        %parallel_loop3A_393 = arith.index_cast %parallel_loop3A_326 : i32 to index
        %parallel_loop3A_394 = arith.constant 16 : index
        %parallel_loop3A_395 = tpu.vector_load %parallel_loop3A_392[%parallel_loop3A_393, %parallel_loop3A_394] {strides = array<i32>} : memref<128x80xf32, #tpu.memory_space<vmem>>, vector<16xf32>,
        %parallel_loop3A_396 = arith.mulf %parallel_loop3A_395, %parallel_loop3A_388 : vector<16xf32>
        %parallel_loop3A_397 = arith.constant 0 : i32
        %parallel_loop3A_398 = arith.constant 0 : i32
        %parallel_loop3A_399 = tpu.memref_slice %arg12[%parallel_loop3A_290, %parallel_loop3A_397, %parallel_loop3A_398] : memref<2x128x80xf32, #tpu.memory_space<vmem>> -> memref<1x128x80xf32, #tpu.memory_space<vmem>>
        %parallel_loop3A_400 = tpu.memref_squeeze %parallel_loop3A_399 : memref<1x128x80xf32, #tpu.memory_space<vmem>> -> memref<128x80xf32, #tpu.memory_space<vmem>>
        %parallel_loop3A_401 = arith.index_cast %parallel_loop3A_326 : i32 to index
        %parallel_loop3A_402 = arith.constant 16 : index
        %parallel_loop3A_403 = tpu.vector_load %parallel_loop3A_400[%parallel_loop3A_401, %parallel_loop3A_402] {strides = array<i32>} : memref<128x80xf32, #tpu.memory_space<vmem>>, vector<16xf32>,
        tpu.vector_store %parallel_loop3A_400[%parallel_loop3A_401, %parallel_loop3A_402], %parallel_loop3A_396 {strides = array<i32>} : memref<128x80xf32, #tpu.memory_space<vmem>>, vector<16xf32>,
        %parallel_loop3A_404 = arith.constant 4 : i32
        %parallel_loop3A_405 = vector.broadcast %parallel_loop3A_404 : i32 to vector<16xi32>
        %parallel_loop3A_406 = arith.addi %parallel_loop3A_405, %parallel_loop3A_331 : vector<16xi32>
        %parallel_loop3A_407 = vector.shape_cast %parallel_loop3A_406 : vector<16xi32> to vector<16x1xi32>
        %parallel_loop3A_408 = vector.shape_cast %parallel_loop3A_407 : vector<16x1xi32> to vector<16xi32>
        %parallel_loop3A_409 = tpu.dynamic_gather %parallel_loop3A_354[%parallel_loop3A_408] in [0] : vector<16xf32>, vector<16xi32> -> vector<16xf32>
        %parallel_loop3A_410 = arith.constant 0 : i32
        %parallel_loop3A_411 = arith.constant 0 : i32
        %parallel_loop3A_412 = tpu.memref_slice %arg10[%parallel_loop3A_288, %parallel_loop3A_410, %parallel_loop3A_411] : memref<2x128x80xf32, #tpu.memory_space<vmem>> -> memref<1x128x80xf32, #tpu.memory_space<vmem>>
        %parallel_loop3A_413 = tpu.memref_squeeze %parallel_loop3A_412 : memref<1x128x80xf32, #tpu.memory_space<vmem>> -> memref<128x80xf32, #tpu.memory_space<vmem>>
        %parallel_loop3A_414 = arith.index_cast %parallel_loop3A_326 : i32 to index
        %parallel_loop3A_415 = arith.constant 32 : index
        %parallel_loop3A_416 = tpu.vector_load %parallel_loop3A_413[%parallel_loop3A_414, %parallel_loop3A_415] {strides = array<i32>} : memref<128x80xf32, #tpu.memory_space<vmem>>, vector<16xf32>,
        %parallel_loop3A_417 = arith.mulf %parallel_loop3A_416, %parallel_loop3A_409 : vector<16xf32>
        %parallel_loop3A_418 = arith.constant 0 : i32
        %parallel_loop3A_419 = arith.constant 0 : i32
        %parallel_loop3A_420 = tpu.memref_slice %arg12[%parallel_loop3A_290, %parallel_loop3A_418, %parallel_loop3A_419] : memref<2x128x80xf32, #tpu.memory_space<vmem>> -> memref<1x128x80xf32, #tpu.memory_space<vmem>>
        %parallel_loop3A_421 = tpu.memref_squeeze %parallel_loop3A_420 : memref<1x128x80xf32, #tpu.memory_space<vmem>> -> memref<128x80xf32, #tpu.memory_space<vmem>>
        %parallel_loop3A_422 = arith.index_cast %parallel_loop3A_326 : i32 to index
        %parallel_loop3A_423 = arith.constant 32 : index
        %parallel_loop3A_424 = tpu.vector_load %parallel_loop3A_421[%parallel_loop3A_422, %parallel_loop3A_423] {strides = array<i32>} : memref<128x80xf32, #tpu.memory_space<vmem>>, vector<16xf32>,
        tpu.vector_store %parallel_loop3A_421[%parallel_loop3A_422, %parallel_loop3A_423], %parallel_loop3A_417 {strides = array<i32>} : memref<128x80xf32, #tpu.memory_space<vmem>>, vector<16xf32>,
        %parallel_loop3A_425 = arith.constant 6 : i32
        %parallel_loop3A_426 = vector.broadcast %parallel_loop3A_425 : i32 to vector<16xi32>
        %parallel_loop3A_427 = arith.addi %parallel_loop3A_426, %parallel_loop3A_331 : vector<16xi32>
        %parallel_loop3A_428 = vector.shape_cast %parallel_loop3A_427 : vector<16xi32> to vector<16x1xi32>
        %parallel_loop3A_429 = vector.shape_cast %parallel_loop3A_428 : vector<16x1xi32> to vector<16xi32>
        %parallel_loop3A_430 = tpu.dynamic_gather %parallel_loop3A_354[%parallel_loop3A_429] in [0] : vector<16xf32>, vector<16xi32> -> vector<16xf32>
        %parallel_loop3A_431 = arith.constant 0 : i32
        %parallel_loop3A_432 = arith.constant 0 : i32
        %parallel_loop3A_433 = tpu.memref_slice %arg10[%parallel_loop3A_288, %parallel_loop3A_431, %parallel_loop3A_432] : memref<2x128x80xf32, #tpu.memory_space<vmem>> -> memref<1x128x80xf32, #tpu.memory_space<vmem>>
        %parallel_loop3A_434 = tpu.memref_squeeze %parallel_loop3A_433 : memref<1x128x80xf32, #tpu.memory_space<vmem>> -> memref<128x80xf32, #tpu.memory_space<vmem>>
        %parallel_loop3A_435 = arith.index_cast %parallel_loop3A_326 : i32 to index
        %parallel_loop3A_436 = arith.constant 48 : index
        %parallel_loop3A_437 = tpu.vector_load %parallel_loop3A_434[%parallel_loop3A_435, %parallel_loop3A_436] {strides = array<i32>} : memref<128x80xf32, #tpu.memory_space<vmem>>, vector<16xf32>,
        %parallel_loop3A_438 = arith.mulf %parallel_loop3A_437, %parallel_loop3A_430 : vector<16xf32>
        %parallel_loop3A_439 = arith.constant 0 : i32
        %parallel_loop3A_440 = arith.constant 0 : i32
        %parallel_loop3A_441 = tpu.memref_slice %arg12[%parallel_loop3A_290, %parallel_loop3A_439, %parallel_loop3A_440] : memref<2x128x80xf32, #tpu.memory_space<vmem>> -> memref<1x128x80xf32, #tpu.memory_space<vmem>>
        %parallel_loop3A_442 = tpu.memref_squeeze %parallel_loop3A_441 : memref<1x128x80xf32, #tpu.memory_space<vmem>> -> memref<128x80xf32, #tpu.memory_space<vmem>>
        %parallel_loop3A_443 = arith.index_cast %parallel_loop3A_326 : i32 to index
        %parallel_loop3A_444 = arith.constant 48 : index
        %parallel_loop3A_445 = tpu.vector_load %parallel_loop3A_442[%parallel_loop3A_443, %parallel_loop3A_444] {strides = array<i32>} : memref<128x80xf32, #tpu.memory_space<vmem>>, vector<16xf32>,
        tpu.vector_store %parallel_loop3A_442[%parallel_loop3A_443, %parallel_loop3A_444], %parallel_loop3A_438 {strides = array<i32>} : memref<128x80xf32, #tpu.memory_space<vmem>>, vector<16xf32>,
      } {sc.loop_unroll_factor = 4 : i64, sc.parallel_access}
      %add3A_291 = arith.constant 2 : i32
      %add3A_292 = arith.addi %add3A_248, %add3A_291 : i32
      %dma_start3A_293 = arith.constant 1 : i32
      %dma_start3A_294 = arith.constant 0 : i32
      %dma_start3A_295 = arith.constant 0 : i32
      %dma_start3A_296 = tpu.memref_slice %arg10[%dma_start3A_293, %dma_start3A_294, %dma_start3A_295] : memref<2x128x80xf32, #tpu.memory_space<vmem>> -> memref<1x128x80xf32, #tpu.memory_space<vmem>>
      %dma_start3A_297 = tpu.memref_squeeze %dma_start3A_296 : memref<1x128x80xf32, #tpu.memory_space<vmem>> -> memref<128x80xf32, #tpu.memory_space<vmem>>
      %dma_start3A_298 = arith.constant 0 : i32
      %dma_start3A_299 = tpu.memref_slice %arg8[%add3A_292, %dma_start3A_298] : memref<84x128xi32, #tpu.memory_space<vmem>> -> memref<1x128xi32, #tpu.memory_space<vmem>>
      %dma_start3A_300 = tpu.memref_squeeze %dma_start3A_299 : memref<1x128xi32, #tpu.memory_space<vmem>> -> memref<128xi32, #tpu.memory_space<vmem>>
      %dma_start3A_301 = arith.constant 0 : i32
      %dma_start3A_302 = arith.constant 0 : i32
      %dma_start3A_303 = tpu.memref_slice %arg2[%dma_start3A_301, %dma_start3A_302] : memref<10240x80xf32, #tpu.memory_space<hbm>> -> memref<10240x80xf32, #tpu.memory_space<hbm>>
      tpu.enqueue_indirect_dma source(%dma_start3A_303 : memref<10240x80xf32, #tpu.memory_space<hbm>>) target(%dma_start3A_297 : memref<128x80xf32, #tpu.memory_space<vmem>>) offsets(%dma_start3A_300 : memref<128xi32, #tpu.memory_space<vmem>>) semaphore(%arg15 : memref<!tpu.dma_semaphore, #tpu.memory_space<semaphore_mem>>)
      %dma_start3A_304 = arith.constant 1 : i32
      %dma_start3A_305 = arith.constant 0 : i32
      %dma_start3A_306 = arith.constant 0 : i32
      %dma_start3A_307 = tpu.memref_slice %arg11[%dma_start3A_304, %dma_start3A_305, %dma_start3A_306] : memref<2x128x16xf32, #tpu.memory_space<vmem>> -> memref<1x128x16xf32, #tpu.memory_space<vmem>>
      %dma_start3A_308 = tpu.memref_squeeze %dma_start3A_307 : memref<1x128x16xf32, #tpu.memory_space<vmem>> -> memref<128x16xf32, #tpu.memory_space<vmem>>
      %dma_start3A_309 = arith.constant 0 : i32
      %dma_start3A_310 = tpu.memref_slice %arg9[%add3A_292, %dma_start3A_309] : memref<84x128xi32, #tpu.memory_space<vmem>> -> memref<1x128xi32, #tpu.memory_space<vmem>>
      %dma_start3A_311 = tpu.memref_squeeze %dma_start3A_310 : memref<1x128xi32, #tpu.memory_space<vmem>> -> memref<128xi32, #tpu.memory_space<vmem>>
      %dma_start3A_312 = arith.constant 0 : i32
      %dma_start3A_313 = arith.constant 0 : i32
      %dma_start3A_314 = tpu.memref_slice %arg3[%dma_start3A_312, %dma_start3A_313] : memref<10240x16xf32, #tpu.memory_space<hbm>> -> memref<10240x16xf32, #tpu.memory_space<hbm>>
      tpu.enqueue_indirect_dma source(%dma_start3A_314 : memref<10240x16xf32, #tpu.memory_space<hbm>>) target(%dma_start3A_308 : memref<128x16xf32, #tpu.memory_space<vmem>>) offsets(%dma_start3A_311 : memref<128xi32, #tpu.memory_space<vmem>>) semaphore(%arg17 : memref<!tpu.dma_semaphore, #tpu.memory_space<semaphore_mem>>)
      %dma_start3A_315 = arith.constant 1 : i32
      %dma_start3A_316 = arith.constant 0 : i32
      %dma_start3A_317 = arith.constant 0 : i32
      %dma_start3A_318 = tpu.memref_slice %arg12[%dma_start3A_315, %dma_start3A_316, %dma_start3A_317] : memref<2x128x80xf32, #tpu.memory_space<vmem>> -> memref<1x128x80xf32, #tpu.memory_space<vmem>>
      %dma_start3A_319 = tpu.memref_squeeze %dma_start3A_318 : memref<1x128x80xf32, #tpu.memory_space<vmem>> -> memref<128x80xf32, #tpu.memory_space<vmem>>
      %dma_start3A_320 = arith.constant 0 : i32
      %dma_start3A_321 = tpu.memref_slice %arg9[%add3A_248, %dma_start3A_320] : memref<84x128xi32, #tpu.memory_space<vmem>> -> memref<1x128xi32, #tpu.memory_space<vmem>>
      %dma_start3A_322 = tpu.memref_squeeze %dma_start3A_321 : memref<1x128xi32, #tpu.memory_space<vmem>> -> memref<128xi32, #tpu.memory_space<vmem>>
      %dma_start3A_323 = arith.constant 0 : i32
      %dma_start3A_324 = arith.constant 0 : i32
      %dma_start3A_325 = tpu.memref_slice %arg13[%dma_start3A_323, %dma_start3A_324] : memref<10240x80xf32, #tpu.memory_space<vmem_shared>> -> memref<10240x80xf32, #tpu.memory_space<vmem_shared>>
      tpu.enqueue_indirect_dma source(%dma_start3A_319 : memref<128x80xf32, #tpu.memory_space<vmem>>) target(%dma_start3A_325 : memref<10240x80xf32, #tpu.memory_space<vmem_shared>>) offsets(%dma_start3A_322 : memref<128xi32, #tpu.memory_space<vmem>>) semaphore(%arg19 : memref<!tpu.dma_semaphore, #tpu.memory_space<semaphore_mem>>) {add = true}
    }
    %scan3A_89 = arith.constant 41 : i32
    %dma_wait3A = arith.constant 0 : i32
    %dma_wait3A_90 = arith.constant 0 : i32
    %dma_wait3A_91 = arith.constant 0 : i32
    %dma_wait3A_92 = arith.constant 0 : i32
    %dma_wait3A_93 = tpu.memref_slice %arg10[%dma_wait3A_90, %dma_wait3A_91, %dma_wait3A_92] : memref<2x128x80xf32, #tpu.memory_space<vmem>> -> memref<1x128x80xf32, #tpu.memory_space<vmem>>
    %dma_wait3A_94 = tpu.memref_squeeze %dma_wait3A_93 : memref<1x128x80xf32, #tpu.memory_space<vmem>> -> memref<128x80xf32, #tpu.memory_space<vmem>>
    %dma_wait3A_95 = arith.constant 0 : i32
    %dma_wait3A_96 = tpu.memref_slice %arg8[%dma_wait3A, %dma_wait3A_95] : memref<84x128xi32, #tpu.memory_space<vmem>> -> memref<1x128xi32, #tpu.memory_space<vmem>>
    %dma_wait3A_97 = tpu.memref_squeeze %dma_wait3A_96 : memref<1x128xi32, #tpu.memory_space<vmem>> -> memref<128xi32, #tpu.memory_space<vmem>>
    %dma_wait3A_98 = arith.constant 0 : i32
    %dma_wait3A_99 = arith.constant 0 : i32
    %dma_wait3A_100 = tpu.memref_slice %arg2[%dma_wait3A_98, %dma_wait3A_99] : memref<10240x80xf32, #tpu.memory_space<hbm>> -> memref<10240x80xf32, #tpu.memory_space<hbm>>
    tpu.wait_indirect_dma semaphore(%arg14 : memref<!tpu.dma_semaphore, #tpu.memory_space<semaphore_mem>>) src(%dma_wait3A_100 : memref<10240x80xf32, #tpu.memory_space<hbm>>) dst(%dma_wait3A_94 : memref<128x80xf32, #tpu.memory_space<vmem>>)
    %dma_wait3A_101 = arith.constant 0 : i32
    %dma_wait3A_102 = arith.constant 0 : i32
    %dma_wait3A_103 = arith.constant 0 : i32
    %dma_wait3A_104 = arith.constant 0 : i32
    %dma_wait3A_105 = tpu.memref_slice %arg11[%dma_wait3A_102, %dma_wait3A_103, %dma_wait3A_104] : memref<2x128x16xf32, #tpu.memory_space<vmem>> -> memref<1x128x16xf32, #tpu.memory_space<vmem>>
    %dma_wait3A_106 = tpu.memref_squeeze %dma_wait3A_105 : memref<1x128x16xf32, #tpu.memory_space<vmem>> -> memref<128x16xf32, #tpu.memory_space<vmem>>
    %dma_wait3A_107 = arith.constant 0 : i32
    %dma_wait3A_108 = tpu.memref_slice %arg9[%dma_wait3A_101, %dma_wait3A_107] : memref<84x128xi32, #tpu.memory_space<vmem>> -> memref<1x128xi32, #tpu.memory_space<vmem>>
    %dma_wait3A_109 = tpu.memref_squeeze %dma_wait3A_108 : memref<1x128xi32, #tpu.memory_space<vmem>> -> memref<128xi32, #tpu.memory_space<vmem>>
    %dma_wait3A_110 = arith.constant 0 : i32
    %dma_wait3A_111 = arith.constant 0 : i32
    %dma_wait3A_112 = tpu.memref_slice %arg3[%dma_wait3A_110, %dma_wait3A_111] : memref<10240x16xf32, #tpu.memory_space<hbm>> -> memref<10240x16xf32, #tpu.memory_space<hbm>>
    tpu.wait_indirect_dma semaphore(%arg16 : memref<!tpu.dma_semaphore, #tpu.memory_space<semaphore_mem>>) src(%dma_wait3A_112 : memref<10240x16xf32, #tpu.memory_space<hbm>>) dst(%dma_wait3A_106 : memref<128x16xf32, #tpu.memory_space<vmem>>)
    %dma_wait3A_113 = arith.constant 0 : i32
    %dma_wait3A_114 = arith.constant 1 : i32
    %dma_wait3A_115 = arith.constant 0 : i32
    %dma_wait3A_116 = arith.constant 0 : i32
    %dma_wait3A_117 = tpu.memref_slice %arg10[%dma_wait3A_114, %dma_wait3A_115, %dma_wait3A_116] : memref<2x128x80xf32, #tpu.memory_space<vmem>> -> memref<1x128x80xf32, #tpu.memory_space<vmem>>
    %dma_wait3A_118 = tpu.memref_squeeze %dma_wait3A_117 : memref<1x128x80xf32, #tpu.memory_space<vmem>> -> memref<128x80xf32, #tpu.memory_space<vmem>>
    %dma_wait3A_119 = arith.constant 0 : i32
    %dma_wait3A_120 = tpu.memref_slice %arg8[%dma_wait3A_113, %dma_wait3A_119] : memref<84x128xi32, #tpu.memory_space<vmem>> -> memref<1x128xi32, #tpu.memory_space<vmem>>
    %dma_wait3A_121 = tpu.memref_squeeze %dma_wait3A_120 : memref<1x128xi32, #tpu.memory_space<vmem>> -> memref<128xi32, #tpu.memory_space<vmem>>
    %dma_wait3A_122 = arith.constant 0 : i32
    %dma_wait3A_123 = arith.constant 0 : i32
    %dma_wait3A_124 = tpu.memref_slice %arg2[%dma_wait3A_122, %dma_wait3A_123] : memref<10240x80xf32, #tpu.memory_space<hbm>> -> memref<10240x80xf32, #tpu.memory_space<hbm>>
    tpu.wait_indirect_dma semaphore(%arg15 : memref<!tpu.dma_semaphore, #tpu.memory_space<semaphore_mem>>) src(%dma_wait3A_124 : memref<10240x80xf32, #tpu.memory_space<hbm>>) dst(%dma_wait3A_118 : memref<128x80xf32, #tpu.memory_space<vmem>>)
    %dma_wait3A_125 = arith.constant 0 : i32
    %dma_wait3A_126 = arith.constant 1 : i32
    %dma_wait3A_127 = arith.constant 0 : i32
    %dma_wait3A_128 = arith.constant 0 : i32
    %dma_wait3A_129 = tpu.memref_slice %arg11[%dma_wait3A_126, %dma_wait3A_127, %dma_wait3A_128] : memref<2x128x16xf32, #tpu.memory_space<vmem>> -> memref<1x128x16xf32, #tpu.memory_space<vmem>>
    %dma_wait3A_130 = tpu.memref_squeeze %dma_wait3A_129 : memref<1x128x16xf32, #tpu.memory_space<vmem>> -> memref<128x16xf32, #tpu.memory_space<vmem>>
    %dma_wait3A_131 = arith.constant 0 : i32
    %dma_wait3A_132 = tpu.memref_slice %arg9[%dma_wait3A_125, %dma_wait3A_131] : memref<84x128xi32, #tpu.memory_space<vmem>> -> memref<1x128xi32, #tpu.memory_space<vmem>>
    %dma_wait3A_133 = tpu.memref_squeeze %dma_wait3A_132 : memref<1x128xi32, #tpu.memory_space<vmem>> -> memref<128xi32, #tpu.memory_space<vmem>>
    %dma_wait3A_134 = arith.constant 0 : i32
    %dma_wait3A_135 = arith.constant 0 : i32
    %dma_wait3A_136 = tpu.memref_slice %arg3[%dma_wait3A_134, %dma_wait3A_135] : memref<10240x16xf32, #tpu.memory_space<hbm>> -> memref<10240x16xf32, #tpu.memory_space<hbm>>
    tpu.wait_indirect_dma semaphore(%arg17 : memref<!tpu.dma_semaphore, #tpu.memory_space<semaphore_mem>>) src(%dma_wait3A_136 : memref<10240x16xf32, #tpu.memory_space<hbm>>) dst(%dma_wait3A_130 : memref<128x16xf32, #tpu.memory_space<vmem>>)
    %dma_wait3A_137 = arith.constant 0 : i32
    %dma_wait3A_138 = arith.constant 0 : i32
    %dma_wait3A_139 = arith.constant 0 : i32
    %dma_wait3A_140 = arith.constant 0 : i32
    %dma_wait3A_141 = tpu.memref_slice %arg12[%dma_wait3A_137, %dma_wait3A_139, %dma_wait3A_140] : memref<2x128x80xf32, #tpu.memory_space<vmem>> -> memref<1x128x80xf32, #tpu.memory_space<vmem>>
    %dma_wait3A_142 = tpu.memref_squeeze %dma_wait3A_141 : memref<1x128x80xf32, #tpu.memory_space<vmem>> -> memref<128x80xf32, #tpu.memory_space<vmem>>
    %dma_wait3A_143 = arith.constant 0 : i32
    %dma_wait3A_144 = tpu.memref_slice %arg9[%dma_wait3A_138, %dma_wait3A_143] : memref<84x128xi32, #tpu.memory_space<vmem>> -> memref<1x128xi32, #tpu.memory_space<vmem>>
    %dma_wait3A_145 = tpu.memref_squeeze %dma_wait3A_144 : memref<1x128xi32, #tpu.memory_space<vmem>> -> memref<128xi32, #tpu.memory_space<vmem>>
    %dma_wait3A_146 = arith.constant 0 : i32
    %dma_wait3A_147 = arith.constant 0 : i32
    %dma_wait3A_148 = tpu.memref_slice %arg13[%dma_wait3A_146, %dma_wait3A_147] : memref<10240x80xf32, #tpu.memory_space<vmem_shared>> -> memref<10240x80xf32, #tpu.memory_space<vmem_shared>>
    tpu.wait_indirect_dma semaphore(%arg18 : memref<!tpu.dma_semaphore, #tpu.memory_space<semaphore_mem>>) src(%dma_wait3A_142 : memref<128x80xf32, #tpu.memory_space<vmem>>) dst(%dma_wait3A_148 : memref<10240x80xf32, #tpu.memory_space<vmem_shared>>)
    %dma_wait3A_149 = arith.constant 1 : i32
    %dma_wait3A_150 = arith.constant 0 : i32
    %dma_wait3A_151 = arith.constant 0 : i32
    %dma_wait3A_152 = arith.constant 0 : i32
    %dma_wait3A_153 = tpu.memref_slice %arg12[%dma_wait3A_149, %dma_wait3A_151, %dma_wait3A_152] : memref<2x128x80xf32, #tpu.memory_space<vmem>> -> memref<1x128x80xf32, #tpu.memory_space<vmem>>
    %dma_wait3A_154 = tpu.memref_squeeze %dma_wait3A_153 : memref<1x128x80xf32, #tpu.memory_space<vmem>> -> memref<128x80xf32, #tpu.memory_space<vmem>>
    %dma_wait3A_155 = arith.constant 0 : i32
    %dma_wait3A_156 = tpu.memref_slice %arg9[%dma_wait3A_150, %dma_wait3A_155] : memref<84x128xi32, #tpu.memory_space<vmem>> -> memref<1x128xi32, #tpu.memory_space<vmem>>
    %dma_wait3A_157 = tpu.memref_squeeze %dma_wait3A_156 : memref<1x128xi32, #tpu.memory_space<vmem>> -> memref<128xi32, #tpu.memory_space<vmem>>
    %dma_wait3A_158 = arith.constant 0 : i32
    %dma_wait3A_159 = arith.constant 0 : i32
    %dma_wait3A_160 = tpu.memref_slice %arg13[%dma_wait3A_158, %dma_wait3A_159] : memref<10240x80xf32, #tpu.memory_space<vmem_shared>> -> memref<10240x80xf32, #tpu.memory_space<vmem_shared>>
    tpu.wait_indirect_dma semaphore(%arg19 : memref<!tpu.dma_semaphore, #tpu.memory_space<semaphore_mem>>) src(%dma_wait3A_154 : memref<128x80xf32, #tpu.memory_space<vmem>>) dst(%dma_wait3A_160 : memref<10240x80xf32, #tpu.memory_space<vmem_shared>>)
    %barrier3A_161 = arith.constant 0 : index
    tpu.barrier barrier_id(%barrier3A_161)
    %mul3A_162 = arith.constant 640 : i32
    %mul3A_163 = arith.muli %arg1, %mul3A_162 : i32
    %mul3A_164 = arith.constant 640 : i32
    %mul3A_165 = arith.muli %arg1, %mul3A_164 : i32
    "tpu.region"() ({
      %run_scoped3A_166 = tpu.sem_alloc : memref<!tpu.dma_semaphore, #tpu.memory_space<semaphore_mem>>
      %dma_start3A_167 = arith.constant 0 : i32
      %dma_start3A_168 = tpu.memref_slice %arg7[%arg0, %mul3A_165, %dma_start3A_167] : memref<2x10240x80xf32, #tpu.memory_space<hbm>> -> memref<1x640x80xf32, #tpu.memory_space<hbm>>
      %dma_start3A_169 = tpu.memref_squeeze %dma_start3A_168 : memref<1x640x80xf32, #tpu.memory_space<hbm>> -> memref<640x80xf32, #tpu.memory_space<hbm>>
      %dma_start3A_170 = arith.constant 0 : i32
      %dma_start3A_171 = tpu.memref_slice %arg13[%mul3A_163, %dma_start3A_170] : memref<10240x80xf32, #tpu.memory_space<vmem_shared>> -> memref<640x80xf32, #tpu.memory_space<vmem_shared>>
      tpu.enqueue_dma source(%dma_start3A_171 : memref<640x80xf32, #tpu.memory_space<vmem_shared>>) target(%dma_start3A_169 : memref<640x80xf32, #tpu.memory_space<hbm>>) target_semaphore(%run_scoped3A_166 : memref<!tpu.dma_semaphore, #tpu.memory_space<semaphore_mem>>)
      %dma_wait3A_172 = arith.constant 0 : i32
      %dma_wait3A_173 = tpu.memref_slice %arg7[%arg0, %mul3A_165, %dma_wait3A_172] : memref<2x10240x80xf32, #tpu.memory_space<hbm>> -> memref<1x640x80xf32, #tpu.memory_space<hbm>>
      %dma_wait3A_174 = tpu.memref_squeeze %dma_wait3A_173 : memref<1x640x80xf32, #tpu.memory_space<hbm>> -> memref<640x80xf32, #tpu.memory_space<hbm>>
      %dma_wait3A_175 = arith.constant 0 : i32
      %dma_wait3A_176 = tpu.memref_slice %arg13[%mul3A_163, %dma_wait3A_175] : memref<10240x80xf32, #tpu.memory_space<vmem_shared>> -> memref<640x80xf32, #tpu.memory_space<vmem_shared>>
      tpu.wait_dma2 semaphore(%run_scoped3A_166 : memref<!tpu.dma_semaphore, #tpu.memory_space<semaphore_mem>>) src(%dma_wait3A_176 : memref<640x80xf32, #tpu.memory_space<vmem_shared>>) dst(%dma_wait3A_174 : memref<640x80xf32, #tpu.memory_space<hbm>>)
      tpu.yield
    }) : () -> ()
    return
  }
}

#map = affine_map<(d0, d1) -> (0, 0)>
#map1 = affine_map<(d0, d1) -> (0, 0, 0)>
module attributes {stable_mosaic.version = 14 : i64} {
  func.func @body(%arg0: i32, %arg1: i32, %arg2: memref<10240x16xf32, #tpu.memory_space<hbm>>, %arg3: memref<10240x16xf32, #tpu.memory_space<hbm>>, %arg4: memref<2624x128xi32, #tpu.memory_space<hbm>>, %arg5: memref<2624x128xi32, #tpu.memory_space<hbm>>, %arg6: memref<10240x16xf32, #tpu.memory_space<hbm>>, %arg7: memref<2x10240x16xf32, #tpu.memory_space<hbm>>, %arg8: memref<84x128xi32, #tpu.memory_space<vmem>>, %arg9: memref<84x128xi32, #tpu.memory_space<vmem>>, %arg10: memref<2x128x16xf32, #tpu.memory_space<vmem>>, %arg11: memref<2x128x16xf32, #tpu.memory_space<vmem>>, %arg12: memref<2x128x16xf32, #tpu.memory_space<vmem>>, %arg13: memref<10240x16xf32, #tpu.memory_space<vmem_shared>>, %arg14: memref<!tpu.dma_semaphore, #tpu.memory_space<semaphore_mem>>, %arg15: memref<!tpu.dma_semaphore, #tpu.memory_space<semaphore_mem>>, %arg16: memref<!tpu.dma_semaphore, #tpu.memory_space<semaphore_mem>>, %arg17: memref<!tpu.dma_semaphore, #tpu.memory_space<semaphore_mem>>, %arg18: memref<!tpu.dma_semaphore, #tpu.memory_space<semaphore_mem>>, %arg19: memref<!tpu.dma_semaphore, #tpu.memory_space<semaphore_mem>>) attributes {dimension_semantics = [#tpu.dimension_semantics<core_parallel>, #tpu.dimension_semantics<subcore_parallel>], iteration_bounds = array<i64: 2, 16>, scalar_prefetch = 0 : i64, scratch_operands = 12 : i64, tpu.core_type = #tpu.core_type<sc_vector_subcore>, window_params = [{transform_indices = #map}, {transform_indices = #map}, {transform_indices = #map}, {transform_indices = #map}, {transform_indices = #map}, {transform_indices = #map1}]} {
    %mul3A = arith.constant 2 : i32
    %mul3A_0 = arith.muli %arg1, %mul3A : i32
    %add3A = arith.addi %mul3A_0, %arg0 : i32
    %mul3A_1 = arith.constant 640 : i32
    %mul3A_2 = arith.muli %arg1, %mul3A_1 : i32
    %mul3A_3 = arith.constant 640 : i32
    %mul3A_4 = arith.muli %arg1, %mul3A_3 : i32
    "tpu.region"() ({
      %run_scoped3A_166 = tpu.sem_alloc : memref<!tpu.dma_semaphore, #tpu.memory_space<semaphore_mem>>
      %dma_start3A_167 = arith.constant 0 : i32
      %dma_start3A_168 = tpu.memref_slice %arg13[%mul3A_4, %dma_start3A_167] : memref<10240x16xf32, #tpu.memory_space<vmem_shared>> -> memref<640x16xf32, #tpu.memory_space<vmem_shared>>
      %dma_start3A_169 = arith.constant 0 : i32
      %dma_start3A_170 = tpu.memref_slice %arg6[%mul3A_2, %dma_start3A_169] : memref<10240x16xf32, #tpu.memory_space<hbm>> -> memref<640x16xf32, #tpu.memory_space<hbm>>
      tpu.enqueue_dma source(%dma_start3A_170 : memref<640x16xf32, #tpu.memory_space<hbm>>) target(%dma_start3A_168 : memref<640x16xf32, #tpu.memory_space<vmem_shared>>) target_semaphore(%run_scoped3A_166 : memref<!tpu.dma_semaphore, #tpu.memory_space<semaphore_mem>>)
      %dma_wait3A_171 = arith.constant 0 : i32
      %dma_wait3A_172 = tpu.memref_slice %arg13[%mul3A_4, %dma_wait3A_171] : memref<10240x16xf32, #tpu.memory_space<vmem_shared>> -> memref<640x16xf32, #tpu.memory_space<vmem_shared>>
      %dma_wait3A_173 = arith.constant 0 : i32
      %dma_wait3A_174 = tpu.memref_slice %arg6[%mul3A_2, %dma_wait3A_173] : memref<10240x16xf32, #tpu.memory_space<hbm>> -> memref<640x16xf32, #tpu.memory_space<hbm>>
      tpu.wait_dma2 semaphore(%run_scoped3A_166 : memref<!tpu.dma_semaphore, #tpu.memory_space<semaphore_mem>>) src(%dma_wait3A_174 : memref<640x16xf32, #tpu.memory_space<hbm>>) dst(%dma_wait3A_172 : memref<640x16xf32, #tpu.memory_space<vmem_shared>>)
      tpu.yield
    }) : () -> ()
    %mul3A_5 = arith.constant 82 : i32
    %mul3A_6 = arith.muli %add3A, %mul3A_5 : i32
    "tpu.region"() ({
      %run_scoped3A_166 = tpu.sem_alloc : memref<!tpu.dma_semaphore, #tpu.memory_space<semaphore_mem>>
      %dma_start3A_167 = arith.constant 0 : i32
      %dma_start3A_168 = arith.constant 0 : i32
      %dma_start3A_169 = tpu.memref_slice %arg8[%dma_start3A_167, %dma_start3A_168] : memref<84x128xi32, #tpu.memory_space<vmem>> -> memref<82x128xi32, #tpu.memory_space<vmem>>
      %dma_start3A_170 = arith.constant 0 : i32
      %dma_start3A_171 = tpu.memref_slice %arg4[%mul3A_6, %dma_start3A_170] : memref<2624x128xi32, #tpu.memory_space<hbm>> -> memref<82x128xi32, #tpu.memory_space<hbm>>
      %dma_start3A_172 = arith.constant 0 : i32
      %dma_start3A_173 = arith.constant 0 : i32
      %dma_start3A_174 = tpu.memref_slice %arg8[%dma_start3A_172, %dma_start3A_173] : memref<84x128xi32, #tpu.memory_space<vmem>> -> memref<82x128xi32, #tpu.memory_space<vmem>>
      %dma_start3A_175 = arith.constant 0 : i32
      %dma_start3A_176 = tpu.memref_slice %arg4[%mul3A_6, %dma_start3A_175] : memref<2624x128xi32, #tpu.memory_space<hbm>> -> memref<82x128xi32, #tpu.memory_space<hbm>>
      tpu.enqueue_dma source(%dma_start3A_176 : memref<82x128xi32, #tpu.memory_space<hbm>>) target(%dma_start3A_174 : memref<82x128xi32, #tpu.memory_space<vmem>>) target_semaphore(%run_scoped3A_166 : memref<!tpu.dma_semaphore, #tpu.memory_space<semaphore_mem>>)
      %dma_wait3A_177 = arith.constant 0 : i32
      %dma_wait3A_178 = arith.constant 0 : i32
      %dma_wait3A_179 = tpu.memref_slice %arg8[%dma_wait3A_177, %dma_wait3A_178] : memref<84x128xi32, #tpu.memory_space<vmem>> -> memref<82x128xi32, #tpu.memory_space<vmem>>
      %dma_wait3A_180 = arith.constant 0 : i32
      %dma_wait3A_181 = tpu.memref_slice %arg4[%mul3A_6, %dma_wait3A_180] : memref<2624x128xi32, #tpu.memory_space<hbm>> -> memref<82x128xi32, #tpu.memory_space<hbm>>
      %dma_wait3A_182 = arith.constant 0 : i32
      %dma_wait3A_183 = arith.constant 0 : i32
      %dma_wait3A_184 = tpu.memref_slice %arg8[%dma_wait3A_182, %dma_wait3A_183] : memref<84x128xi32, #tpu.memory_space<vmem>> -> memref<82x128xi32, #tpu.memory_space<vmem>>
      %dma_wait3A_185 = arith.constant 0 : i32
      %dma_wait3A_186 = tpu.memref_slice %arg4[%mul3A_6, %dma_wait3A_185] : memref<2624x128xi32, #tpu.memory_space<hbm>> -> memref<82x128xi32, #tpu.memory_space<hbm>>
      tpu.wait_dma2 semaphore(%run_scoped3A_166 : memref<!tpu.dma_semaphore, #tpu.memory_space<semaphore_mem>>) src(%dma_wait3A_186 : memref<82x128xi32, #tpu.memory_space<hbm>>) dst(%dma_wait3A_184 : memref<82x128xi32, #tpu.memory_space<vmem>>)
      tpu.yield
    }) : () -> ()
    %mul3A_7 = arith.constant 82 : i32
    %mul3A_8 = arith.muli %add3A, %mul3A_7 : i32
    "tpu.region"() ({
      %run_scoped3A_166 = tpu.sem_alloc : memref<!tpu.dma_semaphore, #tpu.memory_space<semaphore_mem>>
      %dma_start3A_167 = arith.constant 0 : i32
      %dma_start3A_168 = arith.constant 0 : i32
      %dma_start3A_169 = tpu.memref_slice %arg9[%dma_start3A_167, %dma_start3A_168] : memref<84x128xi32, #tpu.memory_space<vmem>> -> memref<82x128xi32, #tpu.memory_space<vmem>>
      %dma_start3A_170 = arith.constant 0 : i32
      %dma_start3A_171 = tpu.memref_slice %arg5[%mul3A_8, %dma_start3A_170] : memref<2624x128xi32, #tpu.memory_space<hbm>> -> memref<82x128xi32, #tpu.memory_space<hbm>>
      %dma_start3A_172 = arith.constant 0 : i32
      %dma_start3A_173 = arith.constant 0 : i32
      %dma_start3A_174 = tpu.memref_slice %arg9[%dma_start3A_172, %dma_start3A_173] : memref<84x128xi32, #tpu.memory_space<vmem>> -> memref<82x128xi32, #tpu.memory_space<vmem>>
      %dma_start3A_175 = arith.constant 0 : i32
      %dma_start3A_176 = tpu.memref_slice %arg5[%mul3A_8, %dma_start3A_175] : memref<2624x128xi32, #tpu.memory_space<hbm>> -> memref<82x128xi32, #tpu.memory_space<hbm>>
      tpu.enqueue_dma source(%dma_start3A_176 : memref<82x128xi32, #tpu.memory_space<hbm>>) target(%dma_start3A_174 : memref<82x128xi32, #tpu.memory_space<vmem>>) target_semaphore(%run_scoped3A_166 : memref<!tpu.dma_semaphore, #tpu.memory_space<semaphore_mem>>)
      %dma_wait3A_177 = arith.constant 0 : i32
      %dma_wait3A_178 = arith.constant 0 : i32
      %dma_wait3A_179 = tpu.memref_slice %arg9[%dma_wait3A_177, %dma_wait3A_178] : memref<84x128xi32, #tpu.memory_space<vmem>> -> memref<82x128xi32, #tpu.memory_space<vmem>>
      %dma_wait3A_180 = arith.constant 0 : i32
      %dma_wait3A_181 = tpu.memref_slice %arg5[%mul3A_8, %dma_wait3A_180] : memref<2624x128xi32, #tpu.memory_space<hbm>> -> memref<82x128xi32, #tpu.memory_space<hbm>>
      %dma_wait3A_182 = arith.constant 0 : i32
      %dma_wait3A_183 = arith.constant 0 : i32
      %dma_wait3A_184 = tpu.memref_slice %arg9[%dma_wait3A_182, %dma_wait3A_183] : memref<84x128xi32, #tpu.memory_space<vmem>> -> memref<82x128xi32, #tpu.memory_space<vmem>>
      %dma_wait3A_185 = arith.constant 0 : i32
      %dma_wait3A_186 = tpu.memref_slice %arg5[%mul3A_8, %dma_wait3A_185] : memref<2624x128xi32, #tpu.memory_space<hbm>> -> memref<82x128xi32, #tpu.memory_space<hbm>>
      tpu.wait_dma2 semaphore(%run_scoped3A_166 : memref<!tpu.dma_semaphore, #tpu.memory_space<semaphore_mem>>) src(%dma_wait3A_186 : memref<82x128xi32, #tpu.memory_space<hbm>>) dst(%dma_wait3A_184 : memref<82x128xi32, #tpu.memory_space<vmem>>)
      tpu.yield
    }) : () -> ()
    %mul3A_9 = arith.constant 82 : i32
    %mul3A_10 = arith.muli %add3A, %mul3A_9 : i32
    "tpu.region"() ({
      %run_scoped3A_166 = tpu.sem_alloc : memref<!tpu.dma_semaphore, #tpu.memory_space<semaphore_mem>>
      %dma_start3A_167 = arith.constant 82 : i32
      %dma_start3A_168 = arith.constant 0 : i32
      %dma_start3A_169 = tpu.memref_slice %arg8[%dma_start3A_167, %dma_start3A_168] : memref<84x128xi32, #tpu.memory_space<vmem>> -> memref<2x128xi32, #tpu.memory_space<vmem>>
      %dma_start3A_170 = arith.constant 0 : i32
      %dma_start3A_171 = tpu.memref_slice %arg4[%mul3A_10, %dma_start3A_170] : memref<2624x128xi32, #tpu.memory_space<hbm>> -> memref<2x128xi32, #tpu.memory_space<hbm>>
      %dma_start3A_172 = arith.constant 82 : i32
      %dma_start3A_173 = arith.constant 0 : i32
      %dma_start3A_174 = tpu.memref_slice %arg8[%dma_start3A_172, %dma_start3A_173] : memref<84x128xi32, #tpu.memory_space<vmem>> -> memref<2x128xi32, #tpu.memory_space<vmem>>
      %dma_start3A_175 = arith.constant 0 : i32
      %dma_start3A_176 = tpu.memref_slice %arg4[%mul3A_10, %dma_start3A_175] : memref<2624x128xi32, #tpu.memory_space<hbm>> -> memref<2x128xi32, #tpu.memory_space<hbm>>
      tpu.enqueue_dma source(%dma_start3A_176 : memref<2x128xi32, #tpu.memory_space<hbm>>) target(%dma_start3A_174 : memref<2x128xi32, #tpu.memory_space<vmem>>) target_semaphore(%run_scoped3A_166 : memref<!tpu.dma_semaphore, #tpu.memory_space<semaphore_mem>>)
      %dma_wait3A_177 = arith.constant 82 : i32
      %dma_wait3A_178 = arith.constant 0 : i32
      %dma_wait3A_179 = tpu.memref_slice %arg8[%dma_wait3A_177, %dma_wait3A_178] : memref<84x128xi32, #tpu.memory_space<vmem>> -> memref<2x128xi32, #tpu.memory_space<vmem>>
      %dma_wait3A_180 = arith.constant 0 : i32
      %dma_wait3A_181 = tpu.memref_slice %arg4[%mul3A_10, %dma_wait3A_180] : memref<2624x128xi32, #tpu.memory_space<hbm>> -> memref<2x128xi32, #tpu.memory_space<hbm>>
      %dma_wait3A_182 = arith.constant 82 : i32
      %dma_wait3A_183 = arith.constant 0 : i32
      %dma_wait3A_184 = tpu.memref_slice %arg8[%dma_wait3A_182, %dma_wait3A_183] : memref<84x128xi32, #tpu.memory_space<vmem>> -> memref<2x128xi32, #tpu.memory_space<vmem>>
      %dma_wait3A_185 = arith.constant 0 : i32
      %dma_wait3A_186 = tpu.memref_slice %arg4[%mul3A_10, %dma_wait3A_185] : memref<2624x128xi32, #tpu.memory_space<hbm>> -> memref<2x128xi32, #tpu.memory_space<hbm>>
      tpu.wait_dma2 semaphore(%run_scoped3A_166 : memref<!tpu.dma_semaphore, #tpu.memory_space<semaphore_mem>>) src(%dma_wait3A_186 : memref<2x128xi32, #tpu.memory_space<hbm>>) dst(%dma_wait3A_184 : memref<2x128xi32, #tpu.memory_space<vmem>>)
      tpu.yield
    }) : () -> ()
    %mul3A_11 = arith.constant 82 : i32
    %mul3A_12 = arith.muli %add3A, %mul3A_11 : i32
    "tpu.region"() ({
      %run_scoped3A_166 = tpu.sem_alloc : memref<!tpu.dma_semaphore, #tpu.memory_space<semaphore_mem>>
      %dma_start3A_167 = arith.constant 82 : i32
      %dma_start3A_168 = arith.constant 0 : i32
      %dma_start3A_169 = tpu.memref_slice %arg9[%dma_start3A_167, %dma_start3A_168] : memref<84x128xi32, #tpu.memory_space<vmem>> -> memref<2x128xi32, #tpu.memory_space<vmem>>
      %dma_start3A_170 = arith.constant 0 : i32
      %dma_start3A_171 = tpu.memref_slice %arg5[%mul3A_12, %dma_start3A_170] : memref<2624x128xi32, #tpu.memory_space<hbm>> -> memref<2x128xi32, #tpu.memory_space<hbm>>
      %dma_start3A_172 = arith.constant 82 : i32
      %dma_start3A_173 = arith.constant 0 : i32
      %dma_start3A_174 = tpu.memref_slice %arg9[%dma_start3A_172, %dma_start3A_173] : memref<84x128xi32, #tpu.memory_space<vmem>> -> memref<2x128xi32, #tpu.memory_space<vmem>>
      %dma_start3A_175 = arith.constant 0 : i32
      %dma_start3A_176 = tpu.memref_slice %arg5[%mul3A_12, %dma_start3A_175] : memref<2624x128xi32, #tpu.memory_space<hbm>> -> memref<2x128xi32, #tpu.memory_space<hbm>>
      tpu.enqueue_dma source(%dma_start3A_176 : memref<2x128xi32, #tpu.memory_space<hbm>>) target(%dma_start3A_174 : memref<2x128xi32, #tpu.memory_space<vmem>>) target_semaphore(%run_scoped3A_166 : memref<!tpu.dma_semaphore, #tpu.memory_space<semaphore_mem>>)
      %dma_wait3A_177 = arith.constant 82 : i32
      %dma_wait3A_178 = arith.constant 0 : i32
      %dma_wait3A_179 = tpu.memref_slice %arg9[%dma_wait3A_177, %dma_wait3A_178] : memref<84x128xi32, #tpu.memory_space<vmem>> -> memref<2x128xi32, #tpu.memory_space<vmem>>
      %dma_wait3A_180 = arith.constant 0 : i32
      %dma_wait3A_181 = tpu.memref_slice %arg5[%mul3A_12, %dma_wait3A_180] : memref<2624x128xi32, #tpu.memory_space<hbm>> -> memref<2x128xi32, #tpu.memory_space<hbm>>
      %dma_wait3A_182 = arith.constant 82 : i32
      %dma_wait3A_183 = arith.constant 0 : i32
      %dma_wait3A_184 = tpu.memref_slice %arg9[%dma_wait3A_182, %dma_wait3A_183] : memref<84x128xi32, #tpu.memory_space<vmem>> -> memref<2x128xi32, #tpu.memory_space<vmem>>
      %dma_wait3A_185 = arith.constant 0 : i32
      %dma_wait3A_186 = tpu.memref_slice %arg5[%mul3A_12, %dma_wait3A_185] : memref<2624x128xi32, #tpu.memory_space<hbm>> -> memref<2x128xi32, #tpu.memory_space<hbm>>
      tpu.wait_dma2 semaphore(%run_scoped3A_166 : memref<!tpu.dma_semaphore, #tpu.memory_space<semaphore_mem>>) src(%dma_wait3A_186 : memref<2x128xi32, #tpu.memory_space<hbm>>) dst(%dma_wait3A_184 : memref<2x128xi32, #tpu.memory_space<vmem>>)
      tpu.yield
    }) : () -> ()
    %run_scoped3A = arith.constant 0 : i32
    "tpu.region"() ({
      %run_scoped3A_166 = tpu.sem_alloc : memref<!tpu.dma_semaphore, #tpu.memory_space<semaphore_mem>>
      %dma_start3A_167 = arith.constant 0 : i32
      %dma_start3A_168 = arith.constant 0 : i32
      %dma_start3A_169 = tpu.memref_slice %arg12[%run_scoped3A, %dma_start3A_167, %dma_start3A_168] : memref<2x128x16xf32, #tpu.memory_space<vmem>> -> memref<1x128x16xf32, #tpu.memory_space<vmem>>
      %dma_start3A_170 = tpu.memref_squeeze %dma_start3A_169 : memref<1x128x16xf32, #tpu.memory_space<vmem>> -> memref<128x16xf32, #tpu.memory_space<vmem>>
      %dma_start3A_171 = arith.constant 0 : i32
      %dma_start3A_172 = arith.constant 0 : i32
      %dma_start3A_173 = tpu.memref_slice %arg6[%dma_start3A_171, %dma_start3A_172] : memref<10240x16xf32, #tpu.memory_space<hbm>> -> memref<128x16xf32, #tpu.memory_space<hbm>>
      %dma_start3A_174 = arith.constant 0 : i32
      %dma_start3A_175 = arith.constant 0 : i32
      %dma_start3A_176 = tpu.memref_slice %arg12[%run_scoped3A, %dma_start3A_174, %dma_start3A_175] : memref<2x128x16xf32, #tpu.memory_space<vmem>> -> memref<1x128x16xf32, #tpu.memory_space<vmem>>
      %dma_start3A_177 = tpu.memref_squeeze %dma_start3A_176 : memref<1x128x16xf32, #tpu.memory_space<vmem>> -> memref<128x16xf32, #tpu.memory_space<vmem>>
      %dma_start3A_178 = arith.constant 0 : i32
      %dma_start3A_179 = arith.constant 0 : i32
      %dma_start3A_180 = tpu.memref_slice %arg6[%dma_start3A_178, %dma_start3A_179] : memref<10240x16xf32, #tpu.memory_space<hbm>> -> memref<128x16xf32, #tpu.memory_space<hbm>>
      tpu.enqueue_dma source(%dma_start3A_180 : memref<128x16xf32, #tpu.memory_space<hbm>>) target(%dma_start3A_177 : memref<128x16xf32, #tpu.memory_space<vmem>>) target_semaphore(%run_scoped3A_166 : memref<!tpu.dma_semaphore, #tpu.memory_space<semaphore_mem>>)
      %dma_wait3A_181 = arith.constant 0 : i32
      %dma_wait3A_182 = arith.constant 0 : i32
      %dma_wait3A_183 = tpu.memref_slice %arg12[%run_scoped3A, %dma_wait3A_181, %dma_wait3A_182] : memref<2x128x16xf32, #tpu.memory_space<vmem>> -> memref<1x128x16xf32, #tpu.memory_space<vmem>>
      %dma_wait3A_184 = tpu.memref_squeeze %dma_wait3A_183 : memref<1x128x16xf32, #tpu.memory_space<vmem>> -> memref<128x16xf32, #tpu.memory_space<vmem>>
      %dma_wait3A_185 = arith.constant 0 : i32
      %dma_wait3A_186 = arith.constant 0 : i32
      %dma_wait3A_187 = tpu.memref_slice %arg6[%dma_wait3A_185, %dma_wait3A_186] : memref<10240x16xf32, #tpu.memory_space<hbm>> -> memref<128x16xf32, #tpu.memory_space<hbm>>
      %dma_wait3A_188 = arith.constant 0 : i32
      %dma_wait3A_189 = arith.constant 0 : i32
      %dma_wait3A_190 = tpu.memref_slice %arg12[%run_scoped3A, %dma_wait3A_188, %dma_wait3A_189] : memref<2x128x16xf32, #tpu.memory_space<vmem>> -> memref<1x128x16xf32, #tpu.memory_space<vmem>>
      %dma_wait3A_191 = tpu.memref_squeeze %dma_wait3A_190 : memref<1x128x16xf32, #tpu.memory_space<vmem>> -> memref<128x16xf32, #tpu.memory_space<vmem>>
      %dma_wait3A_192 = arith.constant 0 : i32
      %dma_wait3A_193 = arith.constant 0 : i32
      %dma_wait3A_194 = tpu.memref_slice %arg6[%dma_wait3A_192, %dma_wait3A_193] : memref<10240x16xf32, #tpu.memory_space<hbm>> -> memref<128x16xf32, #tpu.memory_space<hbm>>
      tpu.wait_dma2 semaphore(%run_scoped3A_166 : memref<!tpu.dma_semaphore, #tpu.memory_space<semaphore_mem>>) src(%dma_wait3A_194 : memref<128x16xf32, #tpu.memory_space<hbm>>) dst(%dma_wait3A_191 : memref<128x16xf32, #tpu.memory_space<vmem>>)
      tpu.yield
    }) : () -> ()
    %run_scoped3A_13 = arith.constant 1 : i32
    "tpu.region"() ({
      %run_scoped3A_166 = tpu.sem_alloc : memref<!tpu.dma_semaphore, #tpu.memory_space<semaphore_mem>>
      %dma_start3A_167 = arith.constant 0 : i32
      %dma_start3A_168 = arith.constant 0 : i32
      %dma_start3A_169 = tpu.memref_slice %arg12[%run_scoped3A_13, %dma_start3A_167, %dma_start3A_168] : memref<2x128x16xf32, #tpu.memory_space<vmem>> -> memref<1x128x16xf32, #tpu.memory_space<vmem>>
      %dma_start3A_170 = tpu.memref_squeeze %dma_start3A_169 : memref<1x128x16xf32, #tpu.memory_space<vmem>> -> memref<128x16xf32, #tpu.memory_space<vmem>>
      %dma_start3A_171 = arith.constant 0 : i32
      %dma_start3A_172 = arith.constant 0 : i32
      %dma_start3A_173 = tpu.memref_slice %arg6[%dma_start3A_171, %dma_start3A_172] : memref<10240x16xf32, #tpu.memory_space<hbm>> -> memref<128x16xf32, #tpu.memory_space<hbm>>
      %dma_start3A_174 = arith.constant 0 : i32
      %dma_start3A_175 = arith.constant 0 : i32
      %dma_start3A_176 = tpu.memref_slice %arg12[%run_scoped3A_13, %dma_start3A_174, %dma_start3A_175] : memref<2x128x16xf32, #tpu.memory_space<vmem>> -> memref<1x128x16xf32, #tpu.memory_space<vmem>>
      %dma_start3A_177 = tpu.memref_squeeze %dma_start3A_176 : memref<1x128x16xf32, #tpu.memory_space<vmem>> -> memref<128x16xf32, #tpu.memory_space<vmem>>
      %dma_start3A_178 = arith.constant 0 : i32
      %dma_start3A_179 = arith.constant 0 : i32
      %dma_start3A_180 = tpu.memref_slice %arg6[%dma_start3A_178, %dma_start3A_179] : memref<10240x16xf32, #tpu.memory_space<hbm>> -> memref<128x16xf32, #tpu.memory_space<hbm>>
      tpu.enqueue_dma source(%dma_start3A_180 : memref<128x16xf32, #tpu.memory_space<hbm>>) target(%dma_start3A_177 : memref<128x16xf32, #tpu.memory_space<vmem>>) target_semaphore(%run_scoped3A_166 : memref<!tpu.dma_semaphore, #tpu.memory_space<semaphore_mem>>)
      %dma_wait3A_181 = arith.constant 0 : i32
      %dma_wait3A_182 = arith.constant 0 : i32
      %dma_wait3A_183 = tpu.memref_slice %arg12[%run_scoped3A_13, %dma_wait3A_181, %dma_wait3A_182] : memref<2x128x16xf32, #tpu.memory_space<vmem>> -> memref<1x128x16xf32, #tpu.memory_space<vmem>>
      %dma_wait3A_184 = tpu.memref_squeeze %dma_wait3A_183 : memref<1x128x16xf32, #tpu.memory_space<vmem>> -> memref<128x16xf32, #tpu.memory_space<vmem>>
      %dma_wait3A_185 = arith.constant 0 : i32
      %dma_wait3A_186 = arith.constant 0 : i32
      %dma_wait3A_187 = tpu.memref_slice %arg6[%dma_wait3A_185, %dma_wait3A_186] : memref<10240x16xf32, #tpu.memory_space<hbm>> -> memref<128x16xf32, #tpu.memory_space<hbm>>
      %dma_wait3A_188 = arith.constant 0 : i32
      %dma_wait3A_189 = arith.constant 0 : i32
      %dma_wait3A_190 = tpu.memref_slice %arg12[%run_scoped3A_13, %dma_wait3A_188, %dma_wait3A_189] : memref<2x128x16xf32, #tpu.memory_space<vmem>> -> memref<1x128x16xf32, #tpu.memory_space<vmem>>
      %dma_wait3A_191 = tpu.memref_squeeze %dma_wait3A_190 : memref<1x128x16xf32, #tpu.memory_space<vmem>> -> memref<128x16xf32, #tpu.memory_space<vmem>>
      %dma_wait3A_192 = arith.constant 0 : i32
      %dma_wait3A_193 = arith.constant 0 : i32
      %dma_wait3A_194 = tpu.memref_slice %arg6[%dma_wait3A_192, %dma_wait3A_193] : memref<10240x16xf32, #tpu.memory_space<hbm>> -> memref<128x16xf32, #tpu.memory_space<hbm>>
      tpu.wait_dma2 semaphore(%run_scoped3A_166 : memref<!tpu.dma_semaphore, #tpu.memory_space<semaphore_mem>>) src(%dma_wait3A_194 : memref<128x16xf32, #tpu.memory_space<hbm>>) dst(%dma_wait3A_191 : memref<128x16xf32, #tpu.memory_space<vmem>>)
      tpu.yield
    }) : () -> ()
    %barrier3A = arith.constant 0 : index
    tpu.barrier barrier_id(%barrier3A)
    %dma_start3A = arith.constant 0 : i32
    %dma_start3A_14 = arith.constant 0 : i32
    %dma_start3A_15 = arith.constant 0 : i32
    %dma_start3A_16 = arith.constant 0 : i32
    %dma_start3A_17 = tpu.memref_slice %arg10[%dma_start3A_14, %dma_start3A_15, %dma_start3A_16] : memref<2x128x16xf32, #tpu.memory_space<vmem>> -> memref<1x128x16xf32, #tpu.memory_space<vmem>>
    %dma_start3A_18 = tpu.memref_squeeze %dma_start3A_17 : memref<1x128x16xf32, #tpu.memory_space<vmem>> -> memref<128x16xf32, #tpu.memory_space<vmem>>
    %dma_start3A_19 = arith.constant 0 : i32
    %dma_start3A_20 = tpu.memref_slice %arg8[%dma_start3A, %dma_start3A_19] : memref<84x128xi32, #tpu.memory_space<vmem>> -> memref<1x128xi32, #tpu.memory_space<vmem>>
    %dma_start3A_21 = tpu.memref_squeeze %dma_start3A_20 : memref<1x128xi32, #tpu.memory_space<vmem>> -> memref<128xi32, #tpu.memory_space<vmem>>
    %dma_start3A_22 = arith.constant 0 : i32
    %dma_start3A_23 = arith.constant 0 : i32
    %dma_start3A_24 = tpu.memref_slice %arg2[%dma_start3A_22, %dma_start3A_23] : memref<10240x16xf32, #tpu.memory_space<hbm>> -> memref<10240x16xf32, #tpu.memory_space<hbm>>
    tpu.enqueue_indirect_dma source(%dma_start3A_24 : memref<10240x16xf32, #tpu.memory_space<hbm>>) target(%dma_start3A_18 : memref<128x16xf32, #tpu.memory_space<vmem>>) offsets(%dma_start3A_21 : memref<128xi32, #tpu.memory_space<vmem>>) semaphore(%arg14 : memref<!tpu.dma_semaphore, #tpu.memory_space<semaphore_mem>>)
    %dma_start3A_25 = arith.constant 0 : i32
    %dma_start3A_26 = arith.constant 0 : i32
    %dma_start3A_27 = arith.constant 0 : i32
    %dma_start3A_28 = arith.constant 0 : i32
    %dma_start3A_29 = tpu.memref_slice %arg11[%dma_start3A_26, %dma_start3A_27, %dma_start3A_28] : memref<2x128x16xf32, #tpu.memory_space<vmem>> -> memref<1x128x16xf32, #tpu.memory_space<vmem>>
    %dma_start3A_30 = tpu.memref_squeeze %dma_start3A_29 : memref<1x128x16xf32, #tpu.memory_space<vmem>> -> memref<128x16xf32, #tpu.memory_space<vmem>>
    %dma_start3A_31 = arith.constant 0 : i32
    %dma_start3A_32 = tpu.memref_slice %arg9[%dma_start3A_25, %dma_start3A_31] : memref<84x128xi32, #tpu.memory_space<vmem>> -> memref<1x128xi32, #tpu.memory_space<vmem>>
    %dma_start3A_33 = tpu.memref_squeeze %dma_start3A_32 : memref<1x128xi32, #tpu.memory_space<vmem>> -> memref<128xi32, #tpu.memory_space<vmem>>
    %dma_start3A_34 = arith.constant 0 : i32
    %dma_start3A_35 = arith.constant 0 : i32
    %dma_start3A_36 = tpu.memref_slice %arg3[%dma_start3A_34, %dma_start3A_35] : memref<10240x16xf32, #tpu.memory_space<hbm>> -> memref<10240x16xf32, #tpu.memory_space<hbm>>
    tpu.enqueue_indirect_dma source(%dma_start3A_36 : memref<10240x16xf32, #tpu.memory_space<hbm>>) target(%dma_start3A_30 : memref<128x16xf32, #tpu.memory_space<vmem>>) offsets(%dma_start3A_33 : memref<128xi32, #tpu.memory_space<vmem>>) semaphore(%arg16 : memref<!tpu.dma_semaphore, #tpu.memory_space<semaphore_mem>>)
    %dma_start3A_37 = arith.constant 1 : i32
    %dma_start3A_38 = arith.constant 1 : i32
    %dma_start3A_39 = arith.constant 0 : i32
    %dma_start3A_40 = arith.constant 0 : i32
    %dma_start3A_41 = tpu.memref_slice %arg10[%dma_start3A_38, %dma_start3A_39, %dma_start3A_40] : memref<2x128x16xf32, #tpu.memory_space<vmem>> -> memref<1x128x16xf32, #tpu.memory_space<vmem>>
    %dma_start3A_42 = tpu.memref_squeeze %dma_start3A_41 : memref<1x128x16xf32, #tpu.memory_space<vmem>> -> memref<128x16xf32, #tpu.memory_space<vmem>>
    %dma_start3A_43 = arith.constant 0 : i32
    %dma_start3A_44 = tpu.memref_slice %arg8[%dma_start3A_37, %dma_start3A_43] : memref<84x128xi32, #tpu.memory_space<vmem>> -> memref<1x128xi32, #tpu.memory_space<vmem>>
    %dma_start3A_45 = tpu.memref_squeeze %dma_start3A_44 : memref<1x128xi32, #tpu.memory_space<vmem>> -> memref<128xi32, #tpu.memory_space<vmem>>
    %dma_start3A_46 = arith.constant 0 : i32
    %dma_start3A_47 = arith.constant 0 : i32
    %dma_start3A_48 = tpu.memref_slice %arg2[%dma_start3A_46, %dma_start3A_47] : memref<10240x16xf32, #tpu.memory_space<hbm>> -> memref<10240x16xf32, #tpu.memory_space<hbm>>
    tpu.enqueue_indirect_dma source(%dma_start3A_48 : memref<10240x16xf32, #tpu.memory_space<hbm>>) target(%dma_start3A_42 : memref<128x16xf32, #tpu.memory_space<vmem>>) offsets(%dma_start3A_45 : memref<128xi32, #tpu.memory_space<vmem>>) semaphore(%arg15 : memref<!tpu.dma_semaphore, #tpu.memory_space<semaphore_mem>>)
    %dma_start3A_49 = arith.constant 1 : i32
    %dma_start3A_50 = arith.constant 1 : i32
    %dma_start3A_51 = arith.constant 0 : i32
    %dma_start3A_52 = arith.constant 0 : i32
    %dma_start3A_53 = tpu.memref_slice %arg11[%dma_start3A_50, %dma_start3A_51, %dma_start3A_52] : memref<2x128x16xf32, #tpu.memory_space<vmem>> -> memref<1x128x16xf32, #tpu.memory_space<vmem>>
    %dma_start3A_54 = tpu.memref_squeeze %dma_start3A_53 : memref<1x128x16xf32, #tpu.memory_space<vmem>> -> memref<128x16xf32, #tpu.memory_space<vmem>>
    %dma_start3A_55 = arith.constant 0 : i32
    %dma_start3A_56 = tpu.memref_slice %arg9[%dma_start3A_49, %dma_start3A_55] : memref<84x128xi32, #tpu.memory_space<vmem>> -> memref<1x128xi32, #tpu.memory_space<vmem>>
    %dma_start3A_57 = tpu.memref_squeeze %dma_start3A_56 : memref<1x128xi32, #tpu.memory_space<vmem>> -> memref<128xi32, #tpu.memory_space<vmem>>
    %dma_start3A_58 = arith.constant 0 : i32
    %dma_start3A_59 = arith.constant 0 : i32
    %dma_start3A_60 = tpu.memref_slice %arg3[%dma_start3A_58, %dma_start3A_59] : memref<10240x16xf32, #tpu.memory_space<hbm>> -> memref<10240x16xf32, #tpu.memory_space<hbm>>
    tpu.enqueue_indirect_dma source(%dma_start3A_60 : memref<10240x16xf32, #tpu.memory_space<hbm>>) target(%dma_start3A_54 : memref<128x16xf32, #tpu.memory_space<vmem>>) offsets(%dma_start3A_57 : memref<128xi32, #tpu.memory_space<vmem>>) semaphore(%arg17 : memref<!tpu.dma_semaphore, #tpu.memory_space<semaphore_mem>>)
    %dma_start3A_61 = arith.constant 0 : i32
    %dma_start3A_62 = arith.constant 0 : i32
    %dma_start3A_63 = arith.constant 0 : i32
    %dma_start3A_64 = arith.constant 0 : i32
    %dma_start3A_65 = tpu.memref_slice %arg12[%dma_start3A_61, %dma_start3A_63, %dma_start3A_64] : memref<2x128x16xf32, #tpu.memory_space<vmem>> -> memref<1x128x16xf32, #tpu.memory_space<vmem>>
    %dma_start3A_66 = tpu.memref_squeeze %dma_start3A_65 : memref<1x128x16xf32, #tpu.memory_space<vmem>> -> memref<128x16xf32, #tpu.memory_space<vmem>>
    %dma_start3A_67 = arith.constant 0 : i32
    %dma_start3A_68 = tpu.memref_slice %arg9[%dma_start3A_62, %dma_start3A_67] : memref<84x128xi32, #tpu.memory_space<vmem>> -> memref<1x128xi32, #tpu.memory_space<vmem>>
    %dma_start3A_69 = tpu.memref_squeeze %dma_start3A_68 : memref<1x128xi32, #tpu.memory_space<vmem>> -> memref<128xi32, #tpu.memory_space<vmem>>
    %dma_start3A_70 = arith.constant 0 : i32
    %dma_start3A_71 = arith.constant 0 : i32
    %dma_start3A_72 = tpu.memref_slice %arg13[%dma_start3A_70, %dma_start3A_71] : memref<10240x16xf32, #tpu.memory_space<vmem_shared>> -> memref<10240x16xf32, #tpu.memory_space<vmem_shared>>
    tpu.enqueue_indirect_dma source(%dma_start3A_66 : memref<128x16xf32, #tpu.memory_space<vmem>>) target(%dma_start3A_72 : memref<10240x16xf32, #tpu.memory_space<vmem_shared>>) offsets(%dma_start3A_69 : memref<128xi32, #tpu.memory_space<vmem>>) semaphore(%arg18 : memref<!tpu.dma_semaphore, #tpu.memory_space<semaphore_mem>>) {add = true}
    %dma_start3A_73 = arith.constant 1 : i32
    %dma_start3A_74 = arith.constant 0 : i32
    %dma_start3A_75 = arith.constant 0 : i32
    %dma_start3A_76 = arith.constant 0 : i32
    %dma_start3A_77 = tpu.memref_slice %arg12[%dma_start3A_73, %dma_start3A_75, %dma_start3A_76] : memref<2x128x16xf32, #tpu.memory_space<vmem>> -> memref<1x128x16xf32, #tpu.memory_space<vmem>>
    %dma_start3A_78 = tpu.memref_squeeze %dma_start3A_77 : memref<1x128x16xf32, #tpu.memory_space<vmem>> -> memref<128x16xf32, #tpu.memory_space<vmem>>
    %dma_start3A_79 = arith.constant 0 : i32
    %dma_start3A_80 = tpu.memref_slice %arg9[%dma_start3A_74, %dma_start3A_79] : memref<84x128xi32, #tpu.memory_space<vmem>> -> memref<1x128xi32, #tpu.memory_space<vmem>>
    %dma_start3A_81 = tpu.memref_squeeze %dma_start3A_80 : memref<1x128xi32, #tpu.memory_space<vmem>> -> memref<128xi32, #tpu.memory_space<vmem>>
    %dma_start3A_82 = arith.constant 0 : i32
    %dma_start3A_83 = arith.constant 0 : i32
    %dma_start3A_84 = tpu.memref_slice %arg13[%dma_start3A_82, %dma_start3A_83] : memref<10240x16xf32, #tpu.memory_space<vmem_shared>> -> memref<10240x16xf32, #tpu.memory_space<vmem_shared>>
    tpu.enqueue_indirect_dma source(%dma_start3A_78 : memref<128x16xf32, #tpu.memory_space<vmem>>) target(%dma_start3A_84 : memref<10240x16xf32, #tpu.memory_space<vmem_shared>>) offsets(%dma_start3A_81 : memref<128xi32, #tpu.memory_space<vmem>>) semaphore(%arg19 : memref<!tpu.dma_semaphore, #tpu.memory_space<semaphore_mem>>) {add = true}
    %scan3A = arith.constant 0 : i32
    %scan3A_85 = arith.constant 0 : i32
    %scan3A_86 = arith.constant 41 : i32
    %scan3A_87 = arith.addi %scan3A_85, %scan3A_86 : i32
    %scan3A_88 = arith.constant 1 : i32
    scf.for %scan3A_166 = %scan3A_85 to %scan3A_87 step %scan3A_88  : i32 {
      %mul3A_167 = arith.constant 2 : i32
      %mul3A_168 = arith.muli %mul3A_167, %scan3A_166 : i32
      %add3A_169 = arith.constant 0 : i32
      %add3A_170 = arith.addi %mul3A_168, %add3A_169 : i32
      %dma_wait3A_171 = arith.constant 0 : i32
      %dma_wait3A_172 = arith.constant 0 : i32
      %dma_wait3A_173 = arith.constant 0 : i32
      %dma_wait3A_174 = arith.constant 0 : i32
      %dma_wait3A_175 = tpu.memref_slice %arg10[%dma_wait3A_172, %dma_wait3A_173, %dma_wait3A_174] : memref<2x128x16xf32, #tpu.memory_space<vmem>> -> memref<1x128x16xf32, #tpu.memory_space<vmem>>
      %dma_wait3A_176 = tpu.memref_squeeze %dma_wait3A_175 : memref<1x128x16xf32, #tpu.memory_space<vmem>> -> memref<128x16xf32, #tpu.memory_space<vmem>>
      %dma_wait3A_177 = arith.constant 0 : i32
      %dma_wait3A_178 = tpu.memref_slice %arg8[%dma_wait3A_171, %dma_wait3A_177] : memref<84x128xi32, #tpu.memory_space<vmem>> -> memref<1x128xi32, #tpu.memory_space<vmem>>
      %dma_wait3A_179 = tpu.memref_squeeze %dma_wait3A_178 : memref<1x128xi32, #tpu.memory_space<vmem>> -> memref<128xi32, #tpu.memory_space<vmem>>
      %dma_wait3A_180 = arith.constant 0 : i32
      %dma_wait3A_181 = arith.constant 0 : i32
      %dma_wait3A_182 = tpu.memref_slice %arg2[%dma_wait3A_180, %dma_wait3A_181] : memref<10240x16xf32, #tpu.memory_space<hbm>> -> memref<10240x16xf32, #tpu.memory_space<hbm>>
      tpu.wait_indirect_dma semaphore(%arg14 : memref<!tpu.dma_semaphore, #tpu.memory_space<semaphore_mem>>) src(%dma_wait3A_182 : memref<10240x16xf32, #tpu.memory_space<hbm>>) dst(%dma_wait3A_176 : memref<128x16xf32, #tpu.memory_space<vmem>>)
      %dma_wait3A_183 = arith.constant 0 : i32
      %dma_wait3A_184 = arith.constant 0 : i32
      %dma_wait3A_185 = arith.constant 0 : i32
      %dma_wait3A_186 = arith.constant 0 : i32
      %dma_wait3A_187 = tpu.memref_slice %arg11[%dma_wait3A_184, %dma_wait3A_185, %dma_wait3A_186] : memref<2x128x16xf32, #tpu.memory_space<vmem>> -> memref<1x128x16xf32, #tpu.memory_space<vmem>>
      %dma_wait3A_188 = tpu.memref_squeeze %dma_wait3A_187 : memref<1x128x16xf32, #tpu.memory_space<vmem>> -> memref<128x16xf32, #tpu.memory_space<vmem>>
      %dma_wait3A_189 = arith.constant 0 : i32
      %dma_wait3A_190 = tpu.memref_slice %arg9[%dma_wait3A_183, %dma_wait3A_189] : memref<84x128xi32, #tpu.memory_space<vmem>> -> memref<1x128xi32, #tpu.memory_space<vmem>>
      %dma_wait3A_191 = tpu.memref_squeeze %dma_wait3A_190 : memref<1x128xi32, #tpu.memory_space<vmem>> -> memref<128xi32, #tpu.memory_space<vmem>>
      %dma_wait3A_192 = arith.constant 0 : i32
      %dma_wait3A_193 = arith.constant 0 : i32
      %dma_wait3A_194 = tpu.memref_slice %arg3[%dma_wait3A_192, %dma_wait3A_193] : memref<10240x16xf32, #tpu.memory_space<hbm>> -> memref<10240x16xf32, #tpu.memory_space<hbm>>
      tpu.wait_indirect_dma semaphore(%arg16 : memref<!tpu.dma_semaphore, #tpu.memory_space<semaphore_mem>>) src(%dma_wait3A_194 : memref<10240x16xf32, #tpu.memory_space<hbm>>) dst(%dma_wait3A_188 : memref<128x16xf32, #tpu.memory_space<vmem>>)
      %dma_wait3A_195 = arith.constant 0 : i32
      %dma_wait3A_196 = arith.constant 0 : i32
      %dma_wait3A_197 = arith.constant 0 : i32
      %dma_wait3A_198 = arith.constant 0 : i32
      %dma_wait3A_199 = tpu.memref_slice %arg12[%dma_wait3A_195, %dma_wait3A_197, %dma_wait3A_198] : memref<2x128x16xf32, #tpu.memory_space<vmem>> -> memref<1x128x16xf32, #tpu.memory_space<vmem>>
      %dma_wait3A_200 = tpu.memref_squeeze %dma_wait3A_199 : memref<1x128x16xf32, #tpu.memory_space<vmem>> -> memref<128x16xf32, #tpu.memory_space<vmem>>
      %dma_wait3A_201 = arith.constant 0 : i32
      %dma_wait3A_202 = tpu.memref_slice %arg9[%dma_wait3A_196, %dma_wait3A_201] : memref<84x128xi32, #tpu.memory_space<vmem>> -> memref<1x128xi32, #tpu.memory_space<vmem>>
      %dma_wait3A_203 = tpu.memref_squeeze %dma_wait3A_202 : memref<1x128xi32, #tpu.memory_space<vmem>> -> memref<128xi32, #tpu.memory_space<vmem>>
      %dma_wait3A_204 = arith.constant 0 : i32
      %dma_wait3A_205 = arith.constant 0 : i32
      %dma_wait3A_206 = tpu.memref_slice %arg13[%dma_wait3A_204, %dma_wait3A_205] : memref<10240x16xf32, #tpu.memory_space<vmem_shared>> -> memref<10240x16xf32, #tpu.memory_space<vmem_shared>>
      tpu.wait_indirect_dma semaphore(%arg18 : memref<!tpu.dma_semaphore, #tpu.memory_space<semaphore_mem>>) src(%dma_wait3A_200 : memref<128x16xf32, #tpu.memory_space<vmem>>) dst(%dma_wait3A_206 : memref<10240x16xf32, #tpu.memory_space<vmem_shared>>)
      %parallel_loop3A = arith.constant 0 : i32
      %parallel_loop3A_207 = arith.constant 128 : i32
      %parallel_loop3A_208 = arith.constant 1 : i32
      %parallel_loop3A_209 = arith.constant 0 : i32
      %parallel_loop3A_210 = arith.constant 0 : i32
      %parallel_loop3A_211 = arith.constant 0 : i32
      scf.for %parallel_loop3A_326 = %parallel_loop3A to %parallel_loop3A_207 step %parallel_loop3A_208  : i32 {
        %parallel_loop3A_327 = tpu.iota {dimensions = array<i32: 0>} : vector<16xi32>
        %parallel_loop3A_328 = arith.constant 7 : i32
        %parallel_loop3A_329 = vector.broadcast %parallel_loop3A_328 : i32 to vector<16xi32>
        %parallel_loop3A_330 = arith.constant 0 : i32
        %parallel_loop3A_331 = arith.constant 0 : i32
        %parallel_loop3A_332 = tpu.memref_slice %arg10[%parallel_loop3A_209, %parallel_loop3A_330, %parallel_loop3A_331] : memref<2x128x16xf32, #tpu.memory_space<vmem>> -> memref<1x128x16xf32, #tpu.memory_space<vmem>>
        %parallel_loop3A_333 = tpu.memref_squeeze %parallel_loop3A_332 : memref<1x128x16xf32, #tpu.memory_space<vmem>> -> memref<128x16xf32, #tpu.memory_space<vmem>>
        %parallel_loop3A_334 = arith.index_cast %parallel_loop3A_326 : i32 to index
        %parallel_loop3A_335 = arith.constant 0 : index
        %parallel_loop3A_336 = tpu.vector_load %parallel_loop3A_333[%parallel_loop3A_334, %parallel_loop3A_335] {strides = array<i32>} : memref<128x16xf32, #tpu.memory_space<vmem>>, vector<16xf32>,
        %parallel_loop3A_337 = arith.constant 0 : i32
        %parallel_loop3A_338 = arith.constant 0 : i32
        %parallel_loop3A_339 = tpu.memref_slice %arg11[%parallel_loop3A_210, %parallel_loop3A_337, %parallel_loop3A_338] : memref<2x128x16xf32, #tpu.memory_space<vmem>> -> memref<1x128x16xf32, #tpu.memory_space<vmem>>
        %parallel_loop3A_340 = tpu.memref_squeeze %parallel_loop3A_339 : memref<1x128x16xf32, #tpu.memory_space<vmem>> -> memref<128x16xf32, #tpu.memory_space<vmem>>
        %parallel_loop3A_341 = arith.index_cast %parallel_loop3A_326 : i32 to index
        %parallel_loop3A_342 = arith.constant 0 : index
        %parallel_loop3A_343 = tpu.vector_load %parallel_loop3A_340[%parallel_loop3A_341, %parallel_loop3A_342] {strides = array<i32>} : memref<128x16xf32, #tpu.memory_space<vmem>>, vector<16xf32>,
        %parallel_loop3A_344 = vector.shape_cast %parallel_loop3A_329 : vector<16xi32> to vector<16x1xi32>
        %parallel_loop3A_345 = vector.shape_cast %parallel_loop3A_344 : vector<16x1xi32> to vector<16xi32>
        %parallel_loop3A_346 = tpu.dynamic_gather %parallel_loop3A_336[%parallel_loop3A_345] in [0] : vector<16xf32>, vector<16xi32> -> vector<16xf32>
        %parallel_loop3A_347 = arith.addf %parallel_loop3A_346, %parallel_loop3A_343 : vector<16xf32>
        %parallel_loop3A_348 = arith.constant 0.000000e+00 : f32
        %parallel_loop3A_349 = vector.broadcast %parallel_loop3A_348 : f32 to vector<16xf32>
        %parallel_loop3A_350 = arith.cmpf oge, %parallel_loop3A_347, %parallel_loop3A_349 : vector<16xf32>
        %parallel_loop3A_351 = arith.constant 2.000000e-01 : f32
        %parallel_loop3A_352 = vector.broadcast %parallel_loop3A_351 : f32 to vector<16xf32>
        %parallel_loop3A_353 = arith.mulf %parallel_loop3A_352, %parallel_loop3A_347 : vector<16xf32>
        %parallel_loop3A_354 = arith.select %parallel_loop3A_350, %parallel_loop3A_347, %parallel_loop3A_353 : vector<16xi1>, vector<16xf32>
        %parallel_loop3A_355 = math.exp %parallel_loop3A_354 : vector<16xf32>
        %parallel_loop3A_356 = arith.constant 7 : i32
        %parallel_loop3A_357 = vector.broadcast %parallel_loop3A_356 : i32 to vector<16xi32>
        %parallel_loop3A_358 = arith.cmpi eq, %parallel_loop3A_327, %parallel_loop3A_357 : vector<16xi32>
        %parallel_loop3A_359 = arith.mulf %parallel_loop3A_336, %parallel_loop3A_355 : vector<16xf32>
        %parallel_loop3A_360 = arith.select %parallel_loop3A_358, %parallel_loop3A_355, %parallel_loop3A_359 : vector<16xi1>, vector<16xf32>
        %parallel_loop3A_361 = arith.constant 0 : i32
        %parallel_loop3A_362 = arith.constant 0 : i32
        %parallel_loop3A_363 = tpu.memref_slice %arg12[%parallel_loop3A_211, %parallel_loop3A_361, %parallel_loop3A_362] : memref<2x128x16xf32, #tpu.memory_space<vmem>> -> memref<1x128x16xf32, #tpu.memory_space<vmem>>
        %parallel_loop3A_364 = tpu.memref_squeeze %parallel_loop3A_363 : memref<1x128x16xf32, #tpu.memory_space<vmem>> -> memref<128x16xf32, #tpu.memory_space<vmem>>
        %parallel_loop3A_365 = arith.index_cast %parallel_loop3A_326 : i32 to index
        %parallel_loop3A_366 = arith.constant 0 : index
        %parallel_loop3A_367 = tpu.vector_load %parallel_loop3A_364[%parallel_loop3A_365, %parallel_loop3A_366] {strides = array<i32>} : memref<128x16xf32, #tpu.memory_space<vmem>>, vector<16xf32>,
        tpu.vector_store %parallel_loop3A_364[%parallel_loop3A_365, %parallel_loop3A_366], %parallel_loop3A_360 {strides = array<i32>} : memref<128x16xf32, #tpu.memory_space<vmem>>, vector<16xf32>,
      } {sc.loop_unroll_factor = 4 : i64, sc.parallel_access}
      %add3A_212 = arith.constant 2 : i32
      %add3A_213 = arith.addi %add3A_170, %add3A_212 : i32
      %dma_start3A_214 = arith.constant 0 : i32
      %dma_start3A_215 = arith.constant 0 : i32
      %dma_start3A_216 = arith.constant 0 : i32
      %dma_start3A_217 = tpu.memref_slice %arg10[%dma_start3A_214, %dma_start3A_215, %dma_start3A_216] : memref<2x128x16xf32, #tpu.memory_space<vmem>> -> memref<1x128x16xf32, #tpu.memory_space<vmem>>
      %dma_start3A_218 = tpu.memref_squeeze %dma_start3A_217 : memref<1x128x16xf32, #tpu.memory_space<vmem>> -> memref<128x16xf32, #tpu.memory_space<vmem>>
      %dma_start3A_219 = arith.constant 0 : i32
      %dma_start3A_220 = tpu.memref_slice %arg8[%add3A_213, %dma_start3A_219] : memref<84x128xi32, #tpu.memory_space<vmem>> -> memref<1x128xi32, #tpu.memory_space<vmem>>
      %dma_start3A_221 = tpu.memref_squeeze %dma_start3A_220 : memref<1x128xi32, #tpu.memory_space<vmem>> -> memref<128xi32, #tpu.memory_space<vmem>>
      %dma_start3A_222 = arith.constant 0 : i32
      %dma_start3A_223 = arith.constant 0 : i32
      %dma_start3A_224 = tpu.memref_slice %arg2[%dma_start3A_222, %dma_start3A_223] : memref<10240x16xf32, #tpu.memory_space<hbm>> -> memref<10240x16xf32, #tpu.memory_space<hbm>>
      tpu.enqueue_indirect_dma source(%dma_start3A_224 : memref<10240x16xf32, #tpu.memory_space<hbm>>) target(%dma_start3A_218 : memref<128x16xf32, #tpu.memory_space<vmem>>) offsets(%dma_start3A_221 : memref<128xi32, #tpu.memory_space<vmem>>) semaphore(%arg14 : memref<!tpu.dma_semaphore, #tpu.memory_space<semaphore_mem>>)
      %dma_start3A_225 = arith.constant 0 : i32
      %dma_start3A_226 = arith.constant 0 : i32
      %dma_start3A_227 = arith.constant 0 : i32
      %dma_start3A_228 = tpu.memref_slice %arg11[%dma_start3A_225, %dma_start3A_226, %dma_start3A_227] : memref<2x128x16xf32, #tpu.memory_space<vmem>> -> memref<1x128x16xf32, #tpu.memory_space<vmem>>
      %dma_start3A_229 = tpu.memref_squeeze %dma_start3A_228 : memref<1x128x16xf32, #tpu.memory_space<vmem>> -> memref<128x16xf32, #tpu.memory_space<vmem>>
      %dma_start3A_230 = arith.constant 0 : i32
      %dma_start3A_231 = tpu.memref_slice %arg9[%add3A_213, %dma_start3A_230] : memref<84x128xi32, #tpu.memory_space<vmem>> -> memref<1x128xi32, #tpu.memory_space<vmem>>
      %dma_start3A_232 = tpu.memref_squeeze %dma_start3A_231 : memref<1x128xi32, #tpu.memory_space<vmem>> -> memref<128xi32, #tpu.memory_space<vmem>>
      %dma_start3A_233 = arith.constant 0 : i32
      %dma_start3A_234 = arith.constant 0 : i32
      %dma_start3A_235 = tpu.memref_slice %arg3[%dma_start3A_233, %dma_start3A_234] : memref<10240x16xf32, #tpu.memory_space<hbm>> -> memref<10240x16xf32, #tpu.memory_space<hbm>>
      tpu.enqueue_indirect_dma source(%dma_start3A_235 : memref<10240x16xf32, #tpu.memory_space<hbm>>) target(%dma_start3A_229 : memref<128x16xf32, #tpu.memory_space<vmem>>) offsets(%dma_start3A_232 : memref<128xi32, #tpu.memory_space<vmem>>) semaphore(%arg16 : memref<!tpu.dma_semaphore, #tpu.memory_space<semaphore_mem>>)
      %dma_start3A_236 = arith.constant 0 : i32
      %dma_start3A_237 = arith.constant 0 : i32
      %dma_start3A_238 = arith.constant 0 : i32
      %dma_start3A_239 = tpu.memref_slice %arg12[%dma_start3A_236, %dma_start3A_237, %dma_start3A_238] : memref<2x128x16xf32, #tpu.memory_space<vmem>> -> memref<1x128x16xf32, #tpu.memory_space<vmem>>
      %dma_start3A_240 = tpu.memref_squeeze %dma_start3A_239 : memref<1x128x16xf32, #tpu.memory_space<vmem>> -> memref<128x16xf32, #tpu.memory_space<vmem>>
      %dma_start3A_241 = arith.constant 0 : i32
      %dma_start3A_242 = tpu.memref_slice %arg9[%add3A_170, %dma_start3A_241] : memref<84x128xi32, #tpu.memory_space<vmem>> -> memref<1x128xi32, #tpu.memory_space<vmem>>
      %dma_start3A_243 = tpu.memref_squeeze %dma_start3A_242 : memref<1x128xi32, #tpu.memory_space<vmem>> -> memref<128xi32, #tpu.memory_space<vmem>>
      %dma_start3A_244 = arith.constant 0 : i32
      %dma_start3A_245 = arith.constant 0 : i32
      %dma_start3A_246 = tpu.memref_slice %arg13[%dma_start3A_244, %dma_start3A_245] : memref<10240x16xf32, #tpu.memory_space<vmem_shared>> -> memref<10240x16xf32, #tpu.memory_space<vmem_shared>>
      tpu.enqueue_indirect_dma source(%dma_start3A_240 : memref<128x16xf32, #tpu.memory_space<vmem>>) target(%dma_start3A_246 : memref<10240x16xf32, #tpu.memory_space<vmem_shared>>) offsets(%dma_start3A_243 : memref<128xi32, #tpu.memory_space<vmem>>) semaphore(%arg18 : memref<!tpu.dma_semaphore, #tpu.memory_space<semaphore_mem>>) {add = true}
      %add3A_247 = arith.constant 1 : i32
      %add3A_248 = arith.addi %mul3A_168, %add3A_247 : i32
      %dma_wait3A_249 = arith.constant 0 : i32
      %dma_wait3A_250 = arith.constant 1 : i32
      %dma_wait3A_251 = arith.constant 0 : i32
      %dma_wait3A_252 = arith.constant 0 : i32
      %dma_wait3A_253 = tpu.memref_slice %arg10[%dma_wait3A_250, %dma_wait3A_251, %dma_wait3A_252] : memref<2x128x16xf32, #tpu.memory_space<vmem>> -> memref<1x128x16xf32, #tpu.memory_space<vmem>>
      %dma_wait3A_254 = tpu.memref_squeeze %dma_wait3A_253 : memref<1x128x16xf32, #tpu.memory_space<vmem>> -> memref<128x16xf32, #tpu.memory_space<vmem>>
      %dma_wait3A_255 = arith.constant 0 : i32
      %dma_wait3A_256 = tpu.memref_slice %arg8[%dma_wait3A_249, %dma_wait3A_255] : memref<84x128xi32, #tpu.memory_space<vmem>> -> memref<1x128xi32, #tpu.memory_space<vmem>>
      %dma_wait3A_257 = tpu.memref_squeeze %dma_wait3A_256 : memref<1x128xi32, #tpu.memory_space<vmem>> -> memref<128xi32, #tpu.memory_space<vmem>>
      %dma_wait3A_258 = arith.constant 0 : i32
      %dma_wait3A_259 = arith.constant 0 : i32
      %dma_wait3A_260 = tpu.memref_slice %arg2[%dma_wait3A_258, %dma_wait3A_259] : memref<10240x16xf32, #tpu.memory_space<hbm>> -> memref<10240x16xf32, #tpu.memory_space<hbm>>
      tpu.wait_indirect_dma semaphore(%arg15 : memref<!tpu.dma_semaphore, #tpu.memory_space<semaphore_mem>>) src(%dma_wait3A_260 : memref<10240x16xf32, #tpu.memory_space<hbm>>) dst(%dma_wait3A_254 : memref<128x16xf32, #tpu.memory_space<vmem>>)
      %dma_wait3A_261 = arith.constant 0 : i32
      %dma_wait3A_262 = arith.constant 1 : i32
      %dma_wait3A_263 = arith.constant 0 : i32
      %dma_wait3A_264 = arith.constant 0 : i32
      %dma_wait3A_265 = tpu.memref_slice %arg11[%dma_wait3A_262, %dma_wait3A_263, %dma_wait3A_264] : memref<2x128x16xf32, #tpu.memory_space<vmem>> -> memref<1x128x16xf32, #tpu.memory_space<vmem>>
      %dma_wait3A_266 = tpu.memref_squeeze %dma_wait3A_265 : memref<1x128x16xf32, #tpu.memory_space<vmem>> -> memref<128x16xf32, #tpu.memory_space<vmem>>
      %dma_wait3A_267 = arith.constant 0 : i32
      %dma_wait3A_268 = tpu.memref_slice %arg9[%dma_wait3A_261, %dma_wait3A_267] : memref<84x128xi32, #tpu.memory_space<vmem>> -> memref<1x128xi32, #tpu.memory_space<vmem>>
      %dma_wait3A_269 = tpu.memref_squeeze %dma_wait3A_268 : memref<1x128xi32, #tpu.memory_space<vmem>> -> memref<128xi32, #tpu.memory_space<vmem>>
      %dma_wait3A_270 = arith.constant 0 : i32
      %dma_wait3A_271 = arith.constant 0 : i32
      %dma_wait3A_272 = tpu.memref_slice %arg3[%dma_wait3A_270, %dma_wait3A_271] : memref<10240x16xf32, #tpu.memory_space<hbm>> -> memref<10240x16xf32, #tpu.memory_space<hbm>>
      tpu.wait_indirect_dma semaphore(%arg17 : memref<!tpu.dma_semaphore, #tpu.memory_space<semaphore_mem>>) src(%dma_wait3A_272 : memref<10240x16xf32, #tpu.memory_space<hbm>>) dst(%dma_wait3A_266 : memref<128x16xf32, #tpu.memory_space<vmem>>)
      %dma_wait3A_273 = arith.constant 1 : i32
      %dma_wait3A_274 = arith.constant 0 : i32
      %dma_wait3A_275 = arith.constant 0 : i32
      %dma_wait3A_276 = arith.constant 0 : i32
      %dma_wait3A_277 = tpu.memref_slice %arg12[%dma_wait3A_273, %dma_wait3A_275, %dma_wait3A_276] : memref<2x128x16xf32, #tpu.memory_space<vmem>> -> memref<1x128x16xf32, #tpu.memory_space<vmem>>
      %dma_wait3A_278 = tpu.memref_squeeze %dma_wait3A_277 : memref<1x128x16xf32, #tpu.memory_space<vmem>> -> memref<128x16xf32, #tpu.memory_space<vmem>>
      %dma_wait3A_279 = arith.constant 0 : i32
      %dma_wait3A_280 = tpu.memref_slice %arg9[%dma_wait3A_274, %dma_wait3A_279] : memref<84x128xi32, #tpu.memory_space<vmem>> -> memref<1x128xi32, #tpu.memory_space<vmem>>
      %dma_wait3A_281 = tpu.memref_squeeze %dma_wait3A_280 : memref<1x128xi32, #tpu.memory_space<vmem>> -> memref<128xi32, #tpu.memory_space<vmem>>
      %dma_wait3A_282 = arith.constant 0 : i32
      %dma_wait3A_283 = arith.constant 0 : i32
      %dma_wait3A_284 = tpu.memref_slice %arg13[%dma_wait3A_282, %dma_wait3A_283] : memref<10240x16xf32, #tpu.memory_space<vmem_shared>> -> memref<10240x16xf32, #tpu.memory_space<vmem_shared>>
      tpu.wait_indirect_dma semaphore(%arg19 : memref<!tpu.dma_semaphore, #tpu.memory_space<semaphore_mem>>) src(%dma_wait3A_278 : memref<128x16xf32, #tpu.memory_space<vmem>>) dst(%dma_wait3A_284 : memref<10240x16xf32, #tpu.memory_space<vmem_shared>>)
      %parallel_loop3A_285 = arith.constant 0 : i32
      %parallel_loop3A_286 = arith.constant 128 : i32
      %parallel_loop3A_287 = arith.constant 1 : i32
      %parallel_loop3A_288 = arith.constant 1 : i32
      %parallel_loop3A_289 = arith.constant 1 : i32
      %parallel_loop3A_290 = arith.constant 1 : i32
      scf.for %parallel_loop3A_326 = %parallel_loop3A_285 to %parallel_loop3A_286 step %parallel_loop3A_287  : i32 {
        %parallel_loop3A_327 = tpu.iota {dimensions = array<i32: 0>} : vector<16xi32>
        %parallel_loop3A_328 = arith.constant 7 : i32
        %parallel_loop3A_329 = vector.broadcast %parallel_loop3A_328 : i32 to vector<16xi32>
        %parallel_loop3A_330 = arith.constant 0 : i32
        %parallel_loop3A_331 = arith.constant 0 : i32
        %parallel_loop3A_332 = tpu.memref_slice %arg10[%parallel_loop3A_288, %parallel_loop3A_330, %parallel_loop3A_331] : memref<2x128x16xf32, #tpu.memory_space<vmem>> -> memref<1x128x16xf32, #tpu.memory_space<vmem>>
        %parallel_loop3A_333 = tpu.memref_squeeze %parallel_loop3A_332 : memref<1x128x16xf32, #tpu.memory_space<vmem>> -> memref<128x16xf32, #tpu.memory_space<vmem>>
        %parallel_loop3A_334 = arith.index_cast %parallel_loop3A_326 : i32 to index
        %parallel_loop3A_335 = arith.constant 0 : index
        %parallel_loop3A_336 = tpu.vector_load %parallel_loop3A_333[%parallel_loop3A_334, %parallel_loop3A_335] {strides = array<i32>} : memref<128x16xf32, #tpu.memory_space<vmem>>, vector<16xf32>,
        %parallel_loop3A_337 = arith.constant 0 : i32
        %parallel_loop3A_338 = arith.constant 0 : i32
        %parallel_loop3A_339 = tpu.memref_slice %arg11[%parallel_loop3A_289, %parallel_loop3A_337, %parallel_loop3A_338] : memref<2x128x16xf32, #tpu.memory_space<vmem>> -> memref<1x128x16xf32, #tpu.memory_space<vmem>>
        %parallel_loop3A_340 = tpu.memref_squeeze %parallel_loop3A_339 : memref<1x128x16xf32, #tpu.memory_space<vmem>> -> memref<128x16xf32, #tpu.memory_space<vmem>>
        %parallel_loop3A_341 = arith.index_cast %parallel_loop3A_326 : i32 to index
        %parallel_loop3A_342 = arith.constant 0 : index
        %parallel_loop3A_343 = tpu.vector_load %parallel_loop3A_340[%parallel_loop3A_341, %parallel_loop3A_342] {strides = array<i32>} : memref<128x16xf32, #tpu.memory_space<vmem>>, vector<16xf32>,
        %parallel_loop3A_344 = vector.shape_cast %parallel_loop3A_329 : vector<16xi32> to vector<16x1xi32>
        %parallel_loop3A_345 = vector.shape_cast %parallel_loop3A_344 : vector<16x1xi32> to vector<16xi32>
        %parallel_loop3A_346 = tpu.dynamic_gather %parallel_loop3A_336[%parallel_loop3A_345] in [0] : vector<16xf32>, vector<16xi32> -> vector<16xf32>
        %parallel_loop3A_347 = arith.addf %parallel_loop3A_346, %parallel_loop3A_343 : vector<16xf32>
        %parallel_loop3A_348 = arith.constant 0.000000e+00 : f32
        %parallel_loop3A_349 = vector.broadcast %parallel_loop3A_348 : f32 to vector<16xf32>
        %parallel_loop3A_350 = arith.cmpf oge, %parallel_loop3A_347, %parallel_loop3A_349 : vector<16xf32>
        %parallel_loop3A_351 = arith.constant 2.000000e-01 : f32
        %parallel_loop3A_352 = vector.broadcast %parallel_loop3A_351 : f32 to vector<16xf32>
        %parallel_loop3A_353 = arith.mulf %parallel_loop3A_352, %parallel_loop3A_347 : vector<16xf32>
        %parallel_loop3A_354 = arith.select %parallel_loop3A_350, %parallel_loop3A_347, %parallel_loop3A_353 : vector<16xi1>, vector<16xf32>
        %parallel_loop3A_355 = math.exp %parallel_loop3A_354 : vector<16xf32>
        %parallel_loop3A_356 = arith.constant 7 : i32
        %parallel_loop3A_357 = vector.broadcast %parallel_loop3A_356 : i32 to vector<16xi32>
        %parallel_loop3A_358 = arith.cmpi eq, %parallel_loop3A_327, %parallel_loop3A_357 : vector<16xi32>
        %parallel_loop3A_359 = arith.mulf %parallel_loop3A_336, %parallel_loop3A_355 : vector<16xf32>
        %parallel_loop3A_360 = arith.select %parallel_loop3A_358, %parallel_loop3A_355, %parallel_loop3A_359 : vector<16xi1>, vector<16xf32>
        %parallel_loop3A_361 = arith.constant 0 : i32
        %parallel_loop3A_362 = arith.constant 0 : i32
        %parallel_loop3A_363 = tpu.memref_slice %arg12[%parallel_loop3A_290, %parallel_loop3A_361, %parallel_loop3A_362] : memref<2x128x16xf32, #tpu.memory_space<vmem>> -> memref<1x128x16xf32, #tpu.memory_space<vmem>>
        %parallel_loop3A_364 = tpu.memref_squeeze %parallel_loop3A_363 : memref<1x128x16xf32, #tpu.memory_space<vmem>> -> memref<128x16xf32, #tpu.memory_space<vmem>>
        %parallel_loop3A_365 = arith.index_cast %parallel_loop3A_326 : i32 to index
        %parallel_loop3A_366 = arith.constant 0 : index
        %parallel_loop3A_367 = tpu.vector_load %parallel_loop3A_364[%parallel_loop3A_365, %parallel_loop3A_366] {strides = array<i32>} : memref<128x16xf32, #tpu.memory_space<vmem>>, vector<16xf32>,
        tpu.vector_store %parallel_loop3A_364[%parallel_loop3A_365, %parallel_loop3A_366], %parallel_loop3A_360 {strides = array<i32>} : memref<128x16xf32, #tpu.memory_space<vmem>>, vector<16xf32>,
      } {sc.loop_unroll_factor = 4 : i64, sc.parallel_access}
      %add3A_291 = arith.constant 2 : i32
      %add3A_292 = arith.addi %add3A_248, %add3A_291 : i32
      %dma_start3A_293 = arith.constant 1 : i32
      %dma_start3A_294 = arith.constant 0 : i32
      %dma_start3A_295 = arith.constant 0 : i32
      %dma_start3A_296 = tpu.memref_slice %arg10[%dma_start3A_293, %dma_start3A_294, %dma_start3A_295] : memref<2x128x16xf32, #tpu.memory_space<vmem>> -> memref<1x128x16xf32, #tpu.memory_space<vmem>>
      %dma_start3A_297 = tpu.memref_squeeze %dma_start3A_296 : memref<1x128x16xf32, #tpu.memory_space<vmem>> -> memref<128x16xf32, #tpu.memory_space<vmem>>
      %dma_start3A_298 = arith.constant 0 : i32
      %dma_start3A_299 = tpu.memref_slice %arg8[%add3A_292, %dma_start3A_298] : memref<84x128xi32, #tpu.memory_space<vmem>> -> memref<1x128xi32, #tpu.memory_space<vmem>>
      %dma_start3A_300 = tpu.memref_squeeze %dma_start3A_299 : memref<1x128xi32, #tpu.memory_space<vmem>> -> memref<128xi32, #tpu.memory_space<vmem>>
      %dma_start3A_301 = arith.constant 0 : i32
      %dma_start3A_302 = arith.constant 0 : i32
      %dma_start3A_303 = tpu.memref_slice %arg2[%dma_start3A_301, %dma_start3A_302] : memref<10240x16xf32, #tpu.memory_space<hbm>> -> memref<10240x16xf32, #tpu.memory_space<hbm>>
      tpu.enqueue_indirect_dma source(%dma_start3A_303 : memref<10240x16xf32, #tpu.memory_space<hbm>>) target(%dma_start3A_297 : memref<128x16xf32, #tpu.memory_space<vmem>>) offsets(%dma_start3A_300 : memref<128xi32, #tpu.memory_space<vmem>>) semaphore(%arg15 : memref<!tpu.dma_semaphore, #tpu.memory_space<semaphore_mem>>)
      %dma_start3A_304 = arith.constant 1 : i32
      %dma_start3A_305 = arith.constant 0 : i32
      %dma_start3A_306 = arith.constant 0 : i32
      %dma_start3A_307 = tpu.memref_slice %arg11[%dma_start3A_304, %dma_start3A_305, %dma_start3A_306] : memref<2x128x16xf32, #tpu.memory_space<vmem>> -> memref<1x128x16xf32, #tpu.memory_space<vmem>>
      %dma_start3A_308 = tpu.memref_squeeze %dma_start3A_307 : memref<1x128x16xf32, #tpu.memory_space<vmem>> -> memref<128x16xf32, #tpu.memory_space<vmem>>
      %dma_start3A_309 = arith.constant 0 : i32
      %dma_start3A_310 = tpu.memref_slice %arg9[%add3A_292, %dma_start3A_309] : memref<84x128xi32, #tpu.memory_space<vmem>> -> memref<1x128xi32, #tpu.memory_space<vmem>>
      %dma_start3A_311 = tpu.memref_squeeze %dma_start3A_310 : memref<1x128xi32, #tpu.memory_space<vmem>> -> memref<128xi32, #tpu.memory_space<vmem>>
      %dma_start3A_312 = arith.constant 0 : i32
      %dma_start3A_313 = arith.constant 0 : i32
      %dma_start3A_314 = tpu.memref_slice %arg3[%dma_start3A_312, %dma_start3A_313] : memref<10240x16xf32, #tpu.memory_space<hbm>> -> memref<10240x16xf32, #tpu.memory_space<hbm>>
      tpu.enqueue_indirect_dma source(%dma_start3A_314 : memref<10240x16xf32, #tpu.memory_space<hbm>>) target(%dma_start3A_308 : memref<128x16xf32, #tpu.memory_space<vmem>>) offsets(%dma_start3A_311 : memref<128xi32, #tpu.memory_space<vmem>>) semaphore(%arg17 : memref<!tpu.dma_semaphore, #tpu.memory_space<semaphore_mem>>)
      %dma_start3A_315 = arith.constant 1 : i32
      %dma_start3A_316 = arith.constant 0 : i32
      %dma_start3A_317 = arith.constant 0 : i32
      %dma_start3A_318 = tpu.memref_slice %arg12[%dma_start3A_315, %dma_start3A_316, %dma_start3A_317] : memref<2x128x16xf32, #tpu.memory_space<vmem>> -> memref<1x128x16xf32, #tpu.memory_space<vmem>>
      %dma_start3A_319 = tpu.memref_squeeze %dma_start3A_318 : memref<1x128x16xf32, #tpu.memory_space<vmem>> -> memref<128x16xf32, #tpu.memory_space<vmem>>
      %dma_start3A_320 = arith.constant 0 : i32
      %dma_start3A_321 = tpu.memref_slice %arg9[%add3A_248, %dma_start3A_320] : memref<84x128xi32, #tpu.memory_space<vmem>> -> memref<1x128xi32, #tpu.memory_space<vmem>>
      %dma_start3A_322 = tpu.memref_squeeze %dma_start3A_321 : memref<1x128xi32, #tpu.memory_space<vmem>> -> memref<128xi32, #tpu.memory_space<vmem>>
      %dma_start3A_323 = arith.constant 0 : i32
      %dma_start3A_324 = arith.constant 0 : i32
      %dma_start3A_325 = tpu.memref_slice %arg13[%dma_start3A_323, %dma_start3A_324] : memref<10240x16xf32, #tpu.memory_space<vmem_shared>> -> memref<10240x16xf32, #tpu.memory_space<vmem_shared>>
      tpu.enqueue_indirect_dma source(%dma_start3A_319 : memref<128x16xf32, #tpu.memory_space<vmem>>) target(%dma_start3A_325 : memref<10240x16xf32, #tpu.memory_space<vmem_shared>>) offsets(%dma_start3A_322 : memref<128xi32, #tpu.memory_space<vmem>>) semaphore(%arg19 : memref<!tpu.dma_semaphore, #tpu.memory_space<semaphore_mem>>) {add = true}
    }
    %scan3A_89 = arith.constant 41 : i32
    %dma_wait3A = arith.constant 0 : i32
    %dma_wait3A_90 = arith.constant 0 : i32
    %dma_wait3A_91 = arith.constant 0 : i32
    %dma_wait3A_92 = arith.constant 0 : i32
    %dma_wait3A_93 = tpu.memref_slice %arg10[%dma_wait3A_90, %dma_wait3A_91, %dma_wait3A_92] : memref<2x128x16xf32, #tpu.memory_space<vmem>> -> memref<1x128x16xf32, #tpu.memory_space<vmem>>
    %dma_wait3A_94 = tpu.memref_squeeze %dma_wait3A_93 : memref<1x128x16xf32, #tpu.memory_space<vmem>> -> memref<128x16xf32, #tpu.memory_space<vmem>>
    %dma_wait3A_95 = arith.constant 0 : i32
    %dma_wait3A_96 = tpu.memref_slice %arg8[%dma_wait3A, %dma_wait3A_95] : memref<84x128xi32, #tpu.memory_space<vmem>> -> memref<1x128xi32, #tpu.memory_space<vmem>>
    %dma_wait3A_97 = tpu.memref_squeeze %dma_wait3A_96 : memref<1x128xi32, #tpu.memory_space<vmem>> -> memref<128xi32, #tpu.memory_space<vmem>>
    %dma_wait3A_98 = arith.constant 0 : i32
    %dma_wait3A_99 = arith.constant 0 : i32
    %dma_wait3A_100 = tpu.memref_slice %arg2[%dma_wait3A_98, %dma_wait3A_99] : memref<10240x16xf32, #tpu.memory_space<hbm>> -> memref<10240x16xf32, #tpu.memory_space<hbm>>
    tpu.wait_indirect_dma semaphore(%arg14 : memref<!tpu.dma_semaphore, #tpu.memory_space<semaphore_mem>>) src(%dma_wait3A_100 : memref<10240x16xf32, #tpu.memory_space<hbm>>) dst(%dma_wait3A_94 : memref<128x16xf32, #tpu.memory_space<vmem>>)
    %dma_wait3A_101 = arith.constant 0 : i32
    %dma_wait3A_102 = arith.constant 0 : i32
    %dma_wait3A_103 = arith.constant 0 : i32
    %dma_wait3A_104 = arith.constant 0 : i32
    %dma_wait3A_105 = tpu.memref_slice %arg11[%dma_wait3A_102, %dma_wait3A_103, %dma_wait3A_104] : memref<2x128x16xf32, #tpu.memory_space<vmem>> -> memref<1x128x16xf32, #tpu.memory_space<vmem>>
    %dma_wait3A_106 = tpu.memref_squeeze %dma_wait3A_105 : memref<1x128x16xf32, #tpu.memory_space<vmem>> -> memref<128x16xf32, #tpu.memory_space<vmem>>
    %dma_wait3A_107 = arith.constant 0 : i32
    %dma_wait3A_108 = tpu.memref_slice %arg9[%dma_wait3A_101, %dma_wait3A_107] : memref<84x128xi32, #tpu.memory_space<vmem>> -> memref<1x128xi32, #tpu.memory_space<vmem>>
    %dma_wait3A_109 = tpu.memref_squeeze %dma_wait3A_108 : memref<1x128xi32, #tpu.memory_space<vmem>> -> memref<128xi32, #tpu.memory_space<vmem>>
    %dma_wait3A_110 = arith.constant 0 : i32
    %dma_wait3A_111 = arith.constant 0 : i32
    %dma_wait3A_112 = tpu.memref_slice %arg3[%dma_wait3A_110, %dma_wait3A_111] : memref<10240x16xf32, #tpu.memory_space<hbm>> -> memref<10240x16xf32, #tpu.memory_space<hbm>>
    tpu.wait_indirect_dma semaphore(%arg16 : memref<!tpu.dma_semaphore, #tpu.memory_space<semaphore_mem>>) src(%dma_wait3A_112 : memref<10240x16xf32, #tpu.memory_space<hbm>>) dst(%dma_wait3A_106 : memref<128x16xf32, #tpu.memory_space<vmem>>)
    %dma_wait3A_113 = arith.constant 0 : i32
    %dma_wait3A_114 = arith.constant 1 : i32
    %dma_wait3A_115 = arith.constant 0 : i32
    %dma_wait3A_116 = arith.constant 0 : i32
    %dma_wait3A_117 = tpu.memref_slice %arg10[%dma_wait3A_114, %dma_wait3A_115, %dma_wait3A_116] : memref<2x128x16xf32, #tpu.memory_space<vmem>> -> memref<1x128x16xf32, #tpu.memory_space<vmem>>
    %dma_wait3A_118 = tpu.memref_squeeze %dma_wait3A_117 : memref<1x128x16xf32, #tpu.memory_space<vmem>> -> memref<128x16xf32, #tpu.memory_space<vmem>>
    %dma_wait3A_119 = arith.constant 0 : i32
    %dma_wait3A_120 = tpu.memref_slice %arg8[%dma_wait3A_113, %dma_wait3A_119] : memref<84x128xi32, #tpu.memory_space<vmem>> -> memref<1x128xi32, #tpu.memory_space<vmem>>
    %dma_wait3A_121 = tpu.memref_squeeze %dma_wait3A_120 : memref<1x128xi32, #tpu.memory_space<vmem>> -> memref<128xi32, #tpu.memory_space<vmem>>
    %dma_wait3A_122 = arith.constant 0 : i32
    %dma_wait3A_123 = arith.constant 0 : i32
    %dma_wait3A_124 = tpu.memref_slice %arg2[%dma_wait3A_122, %dma_wait3A_123] : memref<10240x16xf32, #tpu.memory_space<hbm>> -> memref<10240x16xf32, #tpu.memory_space<hbm>>
    tpu.wait_indirect_dma semaphore(%arg15 : memref<!tpu.dma_semaphore, #tpu.memory_space<semaphore_mem>>) src(%dma_wait3A_124 : memref<10240x16xf32, #tpu.memory_space<hbm>>) dst(%dma_wait3A_118 : memref<128x16xf32, #tpu.memory_space<vmem>>)
    %dma_wait3A_125 = arith.constant 0 : i32
    %dma_wait3A_126 = arith.constant 1 : i32
    %dma_wait3A_127 = arith.constant 0 : i32
    %dma_wait3A_128 = arith.constant 0 : i32
    %dma_wait3A_129 = tpu.memref_slice %arg11[%dma_wait3A_126, %dma_wait3A_127, %dma_wait3A_128] : memref<2x128x16xf32, #tpu.memory_space<vmem>> -> memref<1x128x16xf32, #tpu.memory_space<vmem>>
    %dma_wait3A_130 = tpu.memref_squeeze %dma_wait3A_129 : memref<1x128x16xf32, #tpu.memory_space<vmem>> -> memref<128x16xf32, #tpu.memory_space<vmem>>
    %dma_wait3A_131 = arith.constant 0 : i32
    %dma_wait3A_132 = tpu.memref_slice %arg9[%dma_wait3A_125, %dma_wait3A_131] : memref<84x128xi32, #tpu.memory_space<vmem>> -> memref<1x128xi32, #tpu.memory_space<vmem>>
    %dma_wait3A_133 = tpu.memref_squeeze %dma_wait3A_132 : memref<1x128xi32, #tpu.memory_space<vmem>> -> memref<128xi32, #tpu.memory_space<vmem>>
    %dma_wait3A_134 = arith.constant 0 : i32
    %dma_wait3A_135 = arith.constant 0 : i32
    %dma_wait3A_136 = tpu.memref_slice %arg3[%dma_wait3A_134, %dma_wait3A_135] : memref<10240x16xf32, #tpu.memory_space<hbm>> -> memref<10240x16xf32, #tpu.memory_space<hbm>>
    tpu.wait_indirect_dma semaphore(%arg17 : memref<!tpu.dma_semaphore, #tpu.memory_space<semaphore_mem>>) src(%dma_wait3A_136 : memref<10240x16xf32, #tpu.memory_space<hbm>>) dst(%dma_wait3A_130 : memref<128x16xf32, #tpu.memory_space<vmem>>)
    %dma_wait3A_137 = arith.constant 0 : i32
    %dma_wait3A_138 = arith.constant 0 : i32
    %dma_wait3A_139 = arith.constant 0 : i32
    %dma_wait3A_140 = arith.constant 0 : i32
    %dma_wait3A_141 = tpu.memref_slice %arg12[%dma_wait3A_137, %dma_wait3A_139, %dma_wait3A_140] : memref<2x128x16xf32, #tpu.memory_space<vmem>> -> memref<1x128x16xf32, #tpu.memory_space<vmem>>
    %dma_wait3A_142 = tpu.memref_squeeze %dma_wait3A_141 : memref<1x128x16xf32, #tpu.memory_space<vmem>> -> memref<128x16xf32, #tpu.memory_space<vmem>>
    %dma_wait3A_143 = arith.constant 0 : i32
    %dma_wait3A_144 = tpu.memref_slice %arg9[%dma_wait3A_138, %dma_wait3A_143] : memref<84x128xi32, #tpu.memory_space<vmem>> -> memref<1x128xi32, #tpu.memory_space<vmem>>
    %dma_wait3A_145 = tpu.memref_squeeze %dma_wait3A_144 : memref<1x128xi32, #tpu.memory_space<vmem>> -> memref<128xi32, #tpu.memory_space<vmem>>
    %dma_wait3A_146 = arith.constant 0 : i32
    %dma_wait3A_147 = arith.constant 0 : i32
    %dma_wait3A_148 = tpu.memref_slice %arg13[%dma_wait3A_146, %dma_wait3A_147] : memref<10240x16xf32, #tpu.memory_space<vmem_shared>> -> memref<10240x16xf32, #tpu.memory_space<vmem_shared>>
    tpu.wait_indirect_dma semaphore(%arg18 : memref<!tpu.dma_semaphore, #tpu.memory_space<semaphore_mem>>) src(%dma_wait3A_142 : memref<128x16xf32, #tpu.memory_space<vmem>>) dst(%dma_wait3A_148 : memref<10240x16xf32, #tpu.memory_space<vmem_shared>>)
    %dma_wait3A_149 = arith.constant 1 : i32
    %dma_wait3A_150 = arith.constant 0 : i32
    %dma_wait3A_151 = arith.constant 0 : i32
    %dma_wait3A_152 = arith.constant 0 : i32
    %dma_wait3A_153 = tpu.memref_slice %arg12[%dma_wait3A_149, %dma_wait3A_151, %dma_wait3A_152] : memref<2x128x16xf32, #tpu.memory_space<vmem>> -> memref<1x128x16xf32, #tpu.memory_space<vmem>>
    %dma_wait3A_154 = tpu.memref_squeeze %dma_wait3A_153 : memref<1x128x16xf32, #tpu.memory_space<vmem>> -> memref<128x16xf32, #tpu.memory_space<vmem>>
    %dma_wait3A_155 = arith.constant 0 : i32
    %dma_wait3A_156 = tpu.memref_slice %arg9[%dma_wait3A_150, %dma_wait3A_155] : memref<84x128xi32, #tpu.memory_space<vmem>> -> memref<1x128xi32, #tpu.memory_space<vmem>>
    %dma_wait3A_157 = tpu.memref_squeeze %dma_wait3A_156 : memref<1x128xi32, #tpu.memory_space<vmem>> -> memref<128xi32, #tpu.memory_space<vmem>>
    %dma_wait3A_158 = arith.constant 0 : i32
    %dma_wait3A_159 = arith.constant 0 : i32
    %dma_wait3A_160 = tpu.memref_slice %arg13[%dma_wait3A_158, %dma_wait3A_159] : memref<10240x16xf32, #tpu.memory_space<vmem_shared>> -> memref<10240x16xf32, #tpu.memory_space<vmem_shared>>
    tpu.wait_indirect_dma semaphore(%arg19 : memref<!tpu.dma_semaphore, #tpu.memory_space<semaphore_mem>>) src(%dma_wait3A_154 : memref<128x16xf32, #tpu.memory_space<vmem>>) dst(%dma_wait3A_160 : memref<10240x16xf32, #tpu.memory_space<vmem_shared>>)
    %barrier3A_161 = arith.constant 0 : index
    tpu.barrier barrier_id(%barrier3A_161)
    %mul3A_162 = arith.constant 640 : i32
    %mul3A_163 = arith.muli %arg1, %mul3A_162 : i32
    %mul3A_164 = arith.constant 640 : i32
    %mul3A_165 = arith.muli %arg1, %mul3A_164 : i32
    "tpu.region"() ({
      %run_scoped3A_166 = tpu.sem_alloc : memref<!tpu.dma_semaphore, #tpu.memory_space<semaphore_mem>>
      %dma_start3A_167 = arith.constant 0 : i32
      %dma_start3A_168 = tpu.memref_slice %arg7[%arg0, %mul3A_165, %dma_start3A_167] : memref<2x10240x16xf32, #tpu.memory_space<hbm>> -> memref<1x640x16xf32, #tpu.memory_space<hbm>>
      %dma_start3A_169 = tpu.memref_squeeze %dma_start3A_168 : memref<1x640x16xf32, #tpu.memory_space<hbm>> -> memref<640x16xf32, #tpu.memory_space<hbm>>
      %dma_start3A_170 = arith.constant 0 : i32
      %dma_start3A_171 = tpu.memref_slice %arg13[%mul3A_163, %dma_start3A_170] : memref<10240x16xf32, #tpu.memory_space<vmem_shared>> -> memref<640x16xf32, #tpu.memory_space<vmem_shared>>
      tpu.enqueue_dma source(%dma_start3A_171 : memref<640x16xf32, #tpu.memory_space<vmem_shared>>) target(%dma_start3A_169 : memref<640x16xf32, #tpu.memory_space<hbm>>) target_semaphore(%run_scoped3A_166 : memref<!tpu.dma_semaphore, #tpu.memory_space<semaphore_mem>>)
      %dma_wait3A_172 = arith.constant 0 : i32
      %dma_wait3A_173 = tpu.memref_slice %arg7[%arg0, %mul3A_165, %dma_wait3A_172] : memref<2x10240x16xf32, #tpu.memory_space<hbm>> -> memref<1x640x16xf32, #tpu.memory_space<hbm>>
      %dma_wait3A_174 = tpu.memref_squeeze %dma_wait3A_173 : memref<1x640x16xf32, #tpu.memory_space<hbm>> -> memref<640x16xf32, #tpu.memory_space<hbm>>
      %dma_wait3A_175 = arith.constant 0 : i32
      %dma_wait3A_176 = tpu.memref_slice %arg13[%mul3A_163, %dma_wait3A_175] : memref<10240x16xf32, #tpu.memory_space<vmem_shared>> -> memref<640x16xf32, #tpu.memory_space<vmem_shared>>
      tpu.wait_dma2 semaphore(%run_scoped3A_166 : memref<!tpu.dma_semaphore, #tpu.memory_space<semaphore_mem>>) src(%dma_wait3A_176 : memref<640x16xf32, #tpu.memory_space<vmem_shared>>) dst(%dma_wait3A_174 : memref<640x16xf32, #tpu.memory_space<hbm>>)
      tpu.yield
    }) : () -> ()
    return
  }
}

module attributes {stable_mosaic.version = 14 : i64} {
  func.func @_tc1_body(%arg0: i32, %arg1: memref<1433x512xf32, #tpu.memory_space<vmem>>, %arg2: memref<1433x64xf32, #tpu.memory_space<vmem>>, %arg3: memref<8x8xf32, #tpu.memory_space<vmem>>, %arg4: memref<8x8xf32, #tpu.memory_space<vmem>>, %arg5: memref<512x80xf32, #tpu.memory_space<vmem>>, %arg6: memref<512x16xf32, #tpu.memory_space<vmem>>) attributes {dimension_semantics = [#tpu.dimension_semantics<arbitrary>], iteration_bounds = array<i64: 20>, scalar_prefetch = 0 : i64, scratch_operands = 0 : i64, tpu.core_type = #tpu.core_type<tc>, window_params = [{transform_indices = @transform_0, window_bounds = array<i64: 1433, 512>}, {pipeline_mode = #tpu.pipeline_mode<synchronous>, transform_indices = @transform_1, window_bounds = array<i64: 1433, 64>}, {pipeline_mode = #tpu.pipeline_mode<synchronous>, transform_indices = @transform_2, window_bounds = array<i64: 8, 8>}, {pipeline_mode = #tpu.pipeline_mode<synchronous>, transform_indices = @transform_3, window_bounds = array<i64: 8, 8>}, {transform_indices = @transform_4, window_bounds = array<i64: 512, 80>}, {transform_indices = @transform_5, window_bounds = array<i64: 512, 16>}]} {
    %get3A = arith.constant 0 : index
    %get3A_0 = arith.constant 0 : index
    %get3A_1 = vector.load %arg1[%get3A, %get3A_0] : memref<1433x512xf32, #tpu.memory_space<vmem>>, vector<1433x512xf32>
    %get3A_2 = arith.constant 0 : index
    %get3A_3 = arith.constant 0 : index
    %get3A_4 = vector.load %arg2[%get3A_2, %get3A_3] : memref<1433x64xf32, #tpu.memory_space<vmem>>, vector<1433x64xf32>
    %dot_general3A = arith.constant dense<0.000000e+00> : vector<512x64xf32>
    %dot_general3A_5 = tpu.matmul %get3A_1, %get3A_4, %dot_general3A {dimension_numbers = #tpu.dot_dimension_numbers<[0], [0], [1], [1], [0, 1, 1, 1], [], []>, transpose_lhs_hint = false} : vector<1433x512xf32>, vector<1433x64xf32>, vector<512x64xf32> -> vector<512x64xf32>
    %reshape3A = vector.shape_cast %dot_general3A_5 : vector<512x64xf32> to vector<512x8x8xf32>
    %get3A_6 = arith.constant 0 : index
    %get3A_7 = arith.constant 0 : index
    %get3A_8 = vector.load %arg3[%get3A_6, %get3A_7] : memref<8x8xf32, #tpu.memory_space<vmem>>, vector<8x8xf32>
    %broadcast_in_dim3A = vector.shape_cast %get3A_8 : vector<8x8xf32> to vector<1x8x8xf32>
    %mul3A = vector.broadcast %broadcast_in_dim3A : vector<1x8x8xf32> to vector<512x8x8xf32>
    %mul3A_9 = arith.mulf %reshape3A, %mul3A : vector<512x8x8xf32>
    %reduce_sum3A = arith.constant dense<0.000000e+00> : vector<512x8xf32>
    %reduce_sum3A_10 = vector.multi_reduction <add>, %mul3A_9, %reduce_sum3A [2] : vector<512x8x8xf32> to vector<512x8xf32>
    %get3A_11 = arith.constant 0 : index
    %get3A_12 = arith.constant 0 : index
    %get3A_13 = vector.load %arg4[%get3A_11, %get3A_12] : memref<8x8xf32, #tpu.memory_space<vmem>>, vector<8x8xf32>
    %broadcast_in_dim3A_14 = vector.shape_cast %get3A_13 : vector<8x8xf32> to vector<1x8x8xf32>
    %mul3A_15 = vector.broadcast %broadcast_in_dim3A_14 : vector<1x8x8xf32> to vector<512x8x8xf32>
    %mul3A_16 = arith.mulf %reshape3A, %mul3A_15 : vector<512x8x8xf32>
    %reduce_sum3A_17 = arith.constant dense<0.000000e+00> : vector<512x8xf32>
    %reduce_sum3A_18 = vector.multi_reduction <add>, %mul3A_16, %reduce_sum3A_17 [2] : vector<512x8x8xf32> to vector<512x8xf32>
    %broadcast_in_dim3A_19 = arith.constant 0.000000e+00 : f32
    %broadcast_in_dim3A_20 = vector.broadcast %broadcast_in_dim3A_19 : f32 to vector<512x8xf32>
    %mul3A_21 = arith.constant 512 : i32
    %mul3A_22 = arith.muli %arg0, %mul3A_21 : i32
    %iota3A = tpu.iota {dimensions = array<i32: 0>} : vector<512x1xi32>
    %add3A = vector.broadcast %mul3A_22 : i32 to vector<512x1xi32>
    %add3A_23 = arith.addi %add3A, %iota3A : vector<512x1xi32>
    %lt3A = arith.constant 10000 : i32
    %lt3A_24 = vector.broadcast %lt3A : i32 to vector<512x1xi32>
    %lt3A_25 = arith.cmpi slt, %add3A_23, %lt3A_24 : vector<512x1xi32>
    %concatenate3A = tpu.concatenate %dot_general3A_5, %reduce_sum3A_10, %broadcast_in_dim3A_20 in 1 : vector<512x64xf32>, vector<512x8xf32>, vector<512x8xf32> -> vector<512x80xf32>
    %jit3A = arith.constant 0.000000e+00 : f32
    %broadcast_in_dim3A_26 = vector.shape_cast %lt3A_25 : vector<512x1xi1> to vector<512x1xi1>
    %broadcast_in_dim3A_27 = vector.broadcast %broadcast_in_dim3A_26 : vector<512x1xi1> to vector<512x80xi1>
    %broadcast_in_dim3A_28 = vector.broadcast %jit3A : f32 to vector<512x80xf32>
    %select_n3A = arith.select %broadcast_in_dim3A_27, %concatenate3A, %broadcast_in_dim3A_28 : vector<512x80xi1>, vector<512x80xf32>
    %swap3A = arith.constant 0 : index
    %swap3A_29 = arith.constant 0 : index
    %swap3A_30 = vector.load %arg5[%swap3A, %swap3A_29] : memref<512x80xf32, #tpu.memory_space<vmem>>, vector<512x80xf32>
    tpu.vector_store %arg5[%swap3A, %swap3A_29], %select_n3A {strides = array<i32>} : memref<512x80xf32, #tpu.memory_space<vmem>>, vector<512x80xf32>,
    %concatenate3A_31 = tpu.concatenate %reduce_sum3A_18, %broadcast_in_dim3A_20 in 1 : vector<512x8xf32>, vector<512x8xf32> -> vector<512x16xf32>
    %jit3A_32 = arith.constant 0.000000e+00 : f32
    %broadcast_in_dim3A_33 = vector.shape_cast %lt3A_25 : vector<512x1xi1> to vector<512x1xi1>
    %broadcast_in_dim3A_34 = vector.broadcast %broadcast_in_dim3A_33 : vector<512x1xi1> to vector<512x16xi1>
    %broadcast_in_dim3A_35 = vector.broadcast %jit3A_32 : f32 to vector<512x16xf32>
    %select_n3A_36 = arith.select %broadcast_in_dim3A_34, %concatenate3A_31, %broadcast_in_dim3A_35 : vector<512x16xi1>, vector<512x16xf32>
    %swap3A_37 = arith.constant 0 : index
    %swap3A_38 = arith.constant 0 : index
    %swap3A_39 = vector.load %arg6[%swap3A_37, %swap3A_38] : memref<512x16xf32, #tpu.memory_space<vmem>>, vector<512x16xf32>
    tpu.vector_store %arg6[%swap3A_37, %swap3A_38], %select_n3A_36 {strides = array<i32>} : memref<512x16xf32, #tpu.memory_space<vmem>>, vector<512x16xf32>,
    return
  }
  func.func @transform_0(%arg0: i32) -> (i32, i32) {
    %c0_i32 = arith.constant 0 : i32
    %c0_i32_0 = arith.constant 0 : i32
    return %c0_i32, %arg0 : i32, i32
  }
  func.func @transform_1(%arg0: i32) -> (i32, i32) {
    %c0_i32 = arith.constant 0 : i32
    %c0_i32_0 = arith.constant 0 : i32
    %c0_i32_1 = arith.constant 0 : i32
    return %c0_i32, %c0_i32_0 : i32, i32
  }
  func.func @transform_2(%arg0: i32) -> (i32, i32) {
    %c0_i32 = arith.constant 0 : i32
    %c0_i32_0 = arith.constant 0 : i32
    %c0_i32_1 = arith.constant 0 : i32
    return %c0_i32, %c0_i32_0 : i32, i32
  }
  func.func @transform_3(%arg0: i32) -> (i32, i32) {
    %c0_i32 = arith.constant 0 : i32
    %c0_i32_0 = arith.constant 0 : i32
    %c0_i32_1 = arith.constant 0 : i32
    return %c0_i32, %c0_i32_0 : i32, i32
  }
  func.func @transform_4(%arg0: i32) -> (i32, i32) {
    %c0_i32 = arith.constant 0 : i32
    %c0_i32_0 = arith.constant 0 : i32
    return %arg0, %c0_i32 : i32, i32
  }
  func.func @transform_5(%arg0: i32) -> (i32, i32) {
    %c0_i32 = arith.constant 0 : i32
    %c0_i32_0 = arith.constant 0 : i32
    return %arg0, %c0_i32 : i32, i32
  }
}

module attributes {stable_mosaic.version = 14 : i64} {
  func.func @_tc2_body(%arg0: i32, %arg1: memref<2x512x80xf32, #tpu.memory_space<vmem>>, %arg2: memref<64xf32, #tpu.memory_space<vmem>>, %arg3: memref<64x7xf32, #tpu.memory_space<vmem>>, %arg4: memref<1x7xf32, #tpu.memory_space<vmem>>, %arg5: memref<1x7xf32, #tpu.memory_space<vmem>>, %arg6: memref<512x16xf32, #tpu.memory_space<vmem>>, %arg7: memref<512x16xf32, #tpu.memory_space<vmem>>) attributes {dimension_semantics = [#tpu.dimension_semantics<arbitrary>], iteration_bounds = array<i64: 20>, scalar_prefetch = 0 : i64, scratch_operands = 0 : i64, tpu.core_type = #tpu.core_type<tc>, window_params = [{transform_indices = @transform_0, window_bounds = array<i64: 2, 512, 80>}, {pipeline_mode = #tpu.pipeline_mode<synchronous>, transform_indices = @transform_1, window_bounds = array<i64: 64>}, {pipeline_mode = #tpu.pipeline_mode<synchronous>, transform_indices = @transform_2, window_bounds = array<i64: 64, 7>}, {pipeline_mode = #tpu.pipeline_mode<synchronous>, transform_indices = @transform_3, window_bounds = array<i64: 1, 7>}, {pipeline_mode = #tpu.pipeline_mode<synchronous>, transform_indices = @transform_4, window_bounds = array<i64: 1, 7>}, {transform_indices = @transform_5, window_bounds = array<i64: 512, 16>}, {transform_indices = @transform_6, window_bounds = array<i64: 512, 16>}]} {
    %get3A = arith.constant 0 : index
    %get3A_0 = arith.constant 0 : index
    %get3A_1 = arith.constant 0 : index
    %get3A_2 = vector.load %arg1[%get3A, %get3A_0, %get3A_1] : memref<2x512x80xf32, #tpu.memory_space<vmem>>, vector<2x512x80xf32>
    %slice3A = vector.extract_strided_slice %get3A_2 {offsets = [0, 0, 0], sizes = [1, 512, 80], strides = [1, 1, 1]} : vector<2x512x80xf32> to vector<1x512x80xf32>
    %squeeze3A = vector.shape_cast %slice3A : vector<1x512x80xf32> to vector<512x80xf32>
    %slice3A_3 = vector.extract_strided_slice %get3A_2 {offsets = [1, 0, 0], sizes = [1, 512, 80], strides = [1, 1, 1]} : vector<2x512x80xf32> to vector<1x512x80xf32>
    %squeeze3A_4 = vector.shape_cast %slice3A_3 : vector<1x512x80xf32> to vector<512x80xf32>
    %add3A = arith.addf %squeeze3A, %squeeze3A_4 : vector<512x80xf32>
    %slice3A_5 = vector.extract_strided_slice %add3A {offsets = [0, 0], sizes = [512, 64], strides = [1, 1]} : vector<512x80xf32> to vector<512x64xf32>
    %reshape3A = vector.shape_cast %slice3A_5 : vector<512x64xf32> to vector<512x8x8xf32>
    %slice3A_6 = vector.extract_strided_slice %add3A {offsets = [0, 64], sizes = [512, 8], strides = [1, 1]} : vector<512x80xf32> to vector<512x8xf32>
    %broadcast_in_dim3A = vector.shape_cast %slice3A_6 : vector<512x8xf32> to vector<512x8x1xf32>
    %add3A_7 = arith.constant 1.000000e-16 : f32
    %add3A_8 = vector.broadcast %add3A_7 : f32 to vector<512x8x1xf32>
    %add3A_9 = arith.addf %broadcast_in_dim3A, %add3A_8 : vector<512x8x1xf32>
    %div3A = vector.broadcast %add3A_9 : vector<512x8x1xf32> to vector<512x8x8xf32>
    %div3A_10 = arith.divf %reshape3A, %div3A : vector<512x8x8xf32>
    %reshape3A_11 = vector.shape_cast %div3A_10 : vector<512x8x8xf32> to vector<512x64xf32>
    %get3A_12 = arith.constant 0 : index
    %get3A_13 = vector.load %arg2[%get3A_12] : memref<64xf32, #tpu.memory_space<vmem>>, vector<64xf32>
    %broadcast_in_dim3A_14 = vector.shape_cast %get3A_13 : vector<64xf32> to vector<1x64xf32>
    %add3A_15 = vector.broadcast %broadcast_in_dim3A_14 : vector<1x64xf32> to vector<512x64xf32>
    %add3A_16 = arith.addf %reshape3A_11, %add3A_15 : vector<512x64xf32>
    %gt3A = arith.constant 0.000000e+00 : f32
    %gt3A_17 = vector.broadcast %gt3A : f32 to vector<512x64xf32>
    %gt3A_18 = arith.cmpf ogt, %add3A_16, %gt3A_17 : vector<512x64xf32>
    %min3A = arith.constant 0.000000e+00 : f32
    %min3A_19 = vector.broadcast %min3A : f32 to vector<512x64xf32>
    %min3A_20 = arith.minimumf %add3A_16, %min3A_19 : vector<512x64xf32>
    %exp3A = math.exp %min3A_20 : vector<512x64xf32>
    %sub3A = arith.constant 1.000000e+00 : f32
    %sub3A_21 = vector.broadcast %sub3A : f32 to vector<512x64xf32>
    %sub3A_22 = arith.subf %exp3A, %sub3A_21 : vector<512x64xf32>
    %select_n3A = arith.select %gt3A_18, %add3A_16, %sub3A_22 : vector<512x64xi1>, vector<512x64xf32>
    %get3A_23 = arith.constant 0 : index
    %get3A_24 = arith.constant 0 : index
    %get3A_25 = vector.load %arg3[%get3A_23, %get3A_24] : memref<64x7xf32, #tpu.memory_space<vmem>>, vector<64x7xf32>
    %dot_general3A = arith.constant dense<0.000000e+00> : vector<512x7xf32>
    %dot_general3A_26 = tpu.matmul %select_n3A, %get3A_25, %dot_general3A {dimension_numbers = #tpu.dot_dimension_numbers<[1], [0], [0], [1], [0, 0, 1, 1], [], []>, transpose_lhs_hint = false} : vector<512x64xf32>, vector<64x7xf32>, vector<512x7xf32> -> vector<512x7xf32>
    %get3A_27 = arith.constant 0 : index
    %get3A_28 = arith.constant 0 : index
    %get3A_29 = vector.load %arg4[%get3A_27, %get3A_28] : memref<1x7xf32, #tpu.memory_space<vmem>>, vector<1x7xf32>
    %mul3A = vector.broadcast %get3A_29 : vector<1x7xf32> to vector<512x7xf32>
    %mul3A_30 = arith.mulf %dot_general3A_26, %mul3A : vector<512x7xf32>
    %reduce_sum3A = arith.constant dense<0.000000e+00> : vector<512xf32>
    %reduce_sum3A_31 = vector.multi_reduction <add>, %mul3A_30, %reduce_sum3A [1] : vector<512x7xf32> to vector<512xf32>
    %broadcast_in_dim3A_32 = vector.shape_cast %reduce_sum3A_31 : vector<512xf32> to vector<512x1xf32>
    %get3A_33 = arith.constant 0 : index
    %get3A_34 = arith.constant 0 : index
    %get3A_35 = vector.load %arg5[%get3A_33, %get3A_34] : memref<1x7xf32, #tpu.memory_space<vmem>>, vector<1x7xf32>
    %mul3A_36 = vector.broadcast %get3A_35 : vector<1x7xf32> to vector<512x7xf32>
    %mul3A_37 = arith.mulf %dot_general3A_26, %mul3A_36 : vector<512x7xf32>
    %reduce_sum3A_38 = arith.constant dense<0.000000e+00> : vector<512xf32>
    %reduce_sum3A_39 = vector.multi_reduction <add>, %mul3A_37, %reduce_sum3A_38 [1] : vector<512x7xf32> to vector<512xf32>
    %broadcast_in_dim3A_40 = vector.shape_cast %reduce_sum3A_39 : vector<512xf32> to vector<512x1xf32>
    %broadcast_in_dim3A_41 = arith.constant 0.000000e+00 : f32
    %broadcast_in_dim3A_42 = vector.broadcast %broadcast_in_dim3A_41 : f32 to vector<512x8xf32>
    %concatenate3A = tpu.concatenate %dot_general3A_26, %broadcast_in_dim3A_32, %broadcast_in_dim3A_42 in 1 : vector<512x7xf32>, vector<512x1xf32>, vector<512x8xf32> -> vector<512x16xf32>
    %swap3A = arith.constant 0 : index
    %swap3A_43 = arith.constant 0 : index
    %swap3A_44 = vector.load %arg6[%swap3A, %swap3A_43] : memref<512x16xf32, #tpu.memory_space<vmem>>, vector<512x16xf32>
    tpu.vector_store %arg6[%swap3A, %swap3A_43], %concatenate3A {strides = array<i32>} : memref<512x16xf32, #tpu.memory_space<vmem>>, vector<512x16xf32>,
    %broadcast_in_dim3A_45 = vector.shape_cast %broadcast_in_dim3A_40 : vector<512x1xf32> to vector<512x1xf32>
    %broadcast_in_dim3A_46 = vector.broadcast %broadcast_in_dim3A_45 : vector<512x1xf32> to vector<512x16xf32>
    %swap3A_47 = arith.constant 0 : index
    %swap3A_48 = arith.constant 0 : index
    %swap3A_49 = vector.load %arg7[%swap3A_47, %swap3A_48] : memref<512x16xf32, #tpu.memory_space<vmem>>, vector<512x16xf32>
    tpu.vector_store %arg7[%swap3A_47, %swap3A_48], %broadcast_in_dim3A_46 {strides = array<i32>} : memref<512x16xf32, #tpu.memory_space<vmem>>, vector<512x16xf32>,
    return
  }
  func.func @transform_0(%arg0: i32) -> (i32, i32, i32) {
    %c0_i32 = arith.constant 0 : i32
    %c0_i32_0 = arith.constant 0 : i32
    %c0_i32_1 = arith.constant 0 : i32
    return %c0_i32, %arg0, %c0_i32_0 : i32, i32, i32
  }
  func.func @transform_1(%arg0: i32) -> i32 {
    %c0_i32 = arith.constant 0 : i32
    %c0_i32_0 = arith.constant 0 : i32
    return %c0_i32 : i32
  }
  func.func @transform_2(%arg0: i32) -> (i32, i32) {
    %c0_i32 = arith.constant 0 : i32
    %c0_i32_0 = arith.constant 0 : i32
    %c0_i32_1 = arith.constant 0 : i32
    return %c0_i32, %c0_i32_0 : i32, i32
  }
  func.func @transform_3(%arg0: i32) -> (i32, i32) {
    %c0_i32 = arith.constant 0 : i32
    %c0_i32_0 = arith.constant 0 : i32
    %c0_i32_1 = arith.constant 0 : i32
    return %c0_i32, %c0_i32_0 : i32, i32
  }
  func.func @transform_4(%arg0: i32) -> (i32, i32) {
    %c0_i32 = arith.constant 0 : i32
    %c0_i32_0 = arith.constant 0 : i32
    %c0_i32_1 = arith.constant 0 : i32
    return %c0_i32, %c0_i32_0 : i32, i32
  }
  func.func @transform_5(%arg0: i32) -> (i32, i32) {
    %c0_i32 = arith.constant 0 : i32
    %c0_i32_0 = arith.constant 0 : i32
    return %arg0, %c0_i32 : i32, i32
  }
  func.func @transform_6(%arg0: i32) -> (i32, i32) {
    %c0_i32 = arith.constant 0 : i32
    %c0_i32_0 = arith.constant 0 : i32
    return %arg0, %c0_i32 : i32, i32
  }
}

module attributes {stable_mosaic.version = 14 : i64} {
  func.func @_tc3_body(%arg0: i32, %arg1: memref<2x512x16xf32, #tpu.memory_space<vmem>>, %arg2: memref<7xf32, #tpu.memory_space<vmem>>, %arg3: memref<512x16xf32, #tpu.memory_space<vmem>>) attributes {dimension_semantics = [#tpu.dimension_semantics<arbitrary>], iteration_bounds = array<i64: 20>, scalar_prefetch = 0 : i64, scratch_operands = 0 : i64, tpu.core_type = #tpu.core_type<tc>, window_params = [{transform_indices = @transform_0, window_bounds = array<i64: 2, 512, 16>}, {pipeline_mode = #tpu.pipeline_mode<synchronous>, transform_indices = @transform_1, window_bounds = array<i64: 7>}, {transform_indices = @transform_2, window_bounds = array<i64: 512, 16>}]} {
    %get3A = arith.constant 0 : index
    %get3A_0 = arith.constant 0 : index
    %get3A_1 = arith.constant 0 : index
    %get3A_2 = vector.load %arg1[%get3A, %get3A_0, %get3A_1] : memref<2x512x16xf32, #tpu.memory_space<vmem>>, vector<2x512x16xf32>
    %slice3A = vector.extract_strided_slice %get3A_2 {offsets = [0, 0, 0], sizes = [1, 512, 16], strides = [1, 1, 1]} : vector<2x512x16xf32> to vector<1x512x16xf32>
    %squeeze3A = vector.shape_cast %slice3A : vector<1x512x16xf32> to vector<512x16xf32>
    %slice3A_3 = vector.extract_strided_slice %get3A_2 {offsets = [1, 0, 0], sizes = [1, 512, 16], strides = [1, 1, 1]} : vector<2x512x16xf32> to vector<1x512x16xf32>
    %squeeze3A_4 = vector.shape_cast %slice3A_3 : vector<1x512x16xf32> to vector<512x16xf32>
    %add3A = arith.addf %squeeze3A, %squeeze3A_4 : vector<512x16xf32>
    %slice3A_5 = vector.extract_strided_slice %add3A {offsets = [0, 0], sizes = [512, 7], strides = [1, 1]} : vector<512x16xf32> to vector<512x7xf32>
    %slice3A_6 = vector.extract_strided_slice %add3A {offsets = [0, 7], sizes = [512, 1], strides = [1, 1]} : vector<512x16xf32> to vector<512x1xf32>
    %add3A_7 = arith.constant 1.000000e-16 : f32
    %add3A_8 = vector.broadcast %add3A_7 : f32 to vector<512x1xf32>
    %add3A_9 = arith.addf %slice3A_6, %add3A_8 : vector<512x1xf32>
    %div3A = vector.broadcast %add3A_9 : vector<512x1xf32> to vector<512x7xf32>
    %div3A_10 = arith.divf %slice3A_5, %div3A : vector<512x7xf32>
    %get3A_11 = arith.constant 0 : index
    %get3A_12 = vector.load %arg2[%get3A_11] : memref<7xf32, #tpu.memory_space<vmem>>, vector<7xf32>
    %broadcast_in_dim3A = vector.shape_cast %get3A_12 : vector<7xf32> to vector<1x7xf32>
    %add3A_13 = vector.broadcast %broadcast_in_dim3A : vector<1x7xf32> to vector<512x7xf32>
    %add3A_14 = arith.addf %div3A_10, %add3A_13 : vector<512x7xf32>
    %broadcast_in_dim3A_15 = arith.constant 0.000000e+00 : f32
    %broadcast_in_dim3A_16 = vector.broadcast %broadcast_in_dim3A_15 : f32 to vector<512x9xf32>
    %concatenate3A = tpu.concatenate %add3A_14, %broadcast_in_dim3A_16 in 1 : vector<512x7xf32>, vector<512x9xf32> -> vector<512x16xf32>
    %swap3A = arith.constant 0 : index
    %swap3A_17 = arith.constant 0 : index
    %swap3A_18 = vector.load %arg3[%swap3A, %swap3A_17] : memref<512x16xf32, #tpu.memory_space<vmem>>, vector<512x16xf32>
    tpu.vector_store %arg3[%swap3A, %swap3A_17], %concatenate3A {strides = array<i32>} : memref<512x16xf32, #tpu.memory_space<vmem>>, vector<512x16xf32>,
    return
  }
  func.func @transform_0(%arg0: i32) -> (i32, i32, i32) {
    %c0_i32 = arith.constant 0 : i32
    %c0_i32_0 = arith.constant 0 : i32
    %c0_i32_1 = arith.constant 0 : i32
    return %c0_i32, %arg0, %c0_i32_0 : i32, i32, i32
  }
  func.func @transform_1(%arg0: i32) -> i32 {
    %c0_i32 = arith.constant 0 : i32
    %c0_i32_0 = arith.constant 0 : i32
    return %c0_i32 : i32
  }
  func.func @transform_2(%arg0: i32) -> (i32, i32) {
    %c0_i32 = arith.constant 0 : i32
    %c0_i32_0 = arith.constant 0 : i32
    return %arg0, %c0_i32 : i32, i32
  }
}

</mosaic_0001>

<sc_bundles>
// kernel: kernel.10.cloned.1.call-start
scs
__scs_entry_jumppad:
0x0: {  	(pc) =	sbr.rel $0x88, $3  }
0x1: {  	(tag) =	ssettag $0x0;
	lr =	simm.s32 $0x1  }
0x2: {  	[smem:$0x3F97] =	sst lr;
	_ =	strace $0xD0000000  }
0x3: {  	_ = 	snop  }
0x4: {  	_ = 	snop  }
0x5: {  	_ = 	snop  }
0x6: {  	_ = 	snop  }
0x7: {  	_ = 	snop  }
__scs_overlays_trampoline_lowered:
0x8: {  	[smem:$0x3FA6] =	sst s0  }
0x9: {  	[smem:$0x3FA7] =	sst s1  }
0xa: {  	[smem:$0x3FA8] =	sst s2  }
0xb: {  	[smem:$0x3FA9] =	sst s3  }
0xc: {  	[smem:$0x3FAA] =	sst s4  }
0xd: {  	[smem:$0x3FAB] =	sst s5  }
0xe: {  	[smem:$0x3FAC] =	sst s6  }
0xf: {  	[smem:$0x3FAD] =	sst s7  }
0x10: {  	[smem:$0x3FAE] =	sst s8  }
0x11: {  	[smem:$0x3FAF] =	sst s9;
	s0 =	simm.s32 @!p0 $0x0  }
0x12: {  	s1 =	sld [smem:$0x3F95];
	s0 =	simm.s32 @p0 $0x1  }
0x13: {  	[smem:$0x3FB0] =	sst s0;
	s0 =	simm.s32 @!p1 $0x0  }
0x14: {  	s2 =	sld [smem:$0x3F94];
	s0 =	simm.s32 @p1 $0x1  }
0x15: {  	[smem:$0x3FB1] =	sst s0;
	s0 =	simm.s32 @!p2 $0x0  }
0x16: {  	s3 =	sld [smem:$0x3FDB];
	s0 =	simm.s32 @p2 $0x1  }
0x17: {  	s4 =	simm.s32 $0x1BF5;
	[smem:$0x3FB3] =	sst s0  }
0x18: {  	s0 =	sld [smem:$0x3F96];
	_ =	swait.ge [sflag:s4], $0x0  }
0x19: {  	s7 =	sld [smem:$0x3F97]  }
0x1a: {  	s8 =	sadd.s32 $0xFFFFE003, lr  }
0x1b: {  	s9 =	sadd.s32 $0xFFFFFEF7, lr;
	s5 =	simm.s32 $0xFFFFFFFF;
	p2 =	slt.u32 s8, $0xFFFFF086  }
0x1c: {  	p1 =	slt.u32 s9, $0xF7A;
	s5 =	simm.s32 @!p2 $0x0  }
0x1d: {  	s5 =	simm.s32 @p1 $0x1;
	p0 =	seq.s32 s7, s2  }
0x1e: {  	s7 =	smul.u32 @!p0 $0xF7A, s2;
	p2 =	seq.s32 @!p0 s5, $0x0  }
0x1f: {  	s9 =	smul.u32 $0xF7A, s1;
	s8 =	simm.s32 @!p0 $0x1BF5;
	p2 =	por !p2, p0  }
0x20: {  	[sflag:s8] =	ssyncset.s32 @!p0 $0xFFFFF086;
	s6 =	sadd.s32 @!p0 s3, s7;
	s7 =	simm.s32 @!p0 $0x108  }
0x21: {  	s3 =	sadd.s32 s3, s9;
	s6 =	sadd.s32 @!p0 $0x88, s6;
	s7 =	simm.s32 @p2 $0x1082  }
0x22: {  	[simem:s7], [sflag:s8] =	dma.local @!p0 [hbm:s6], $0xF7A  }
0x23: {  	s9 =	sor.u32 $0xD0000000, s2;
	s6 =	simm.s32 $0x108;
	_ =	swait.ge @!p0 [sflag:s8], $0x0  }
0x24: {  	s3 =	sadd.s32 $0x88, s3;
	s6 =	simm.s32 @!p1 $0x1082;
	[sflag:s4] =	ssyncset.s32 $0xFFFFF086  }
0x25: {  	[simem:s6], [sflag:s4] =	dma.local [hbm:s3], $0xF7A  }
0x26: {  	[smem:$0x3F97] =	sst s1;
	(tag) =	ssettag s2;
	_ =	strace s9  }
0x27: {  	s1 =	sld [smem:$0x3FA7]  }
0x28: {  	s2 =	sld [smem:$0x3FA8]  }
0x29: {  	s4 =	sld [smem:$0x3FAA]  }
0x2a: {  	p0 =	seq.s32 s5, $0x0;
	s5 =	sld [smem:$0x3FAB]  }
0x2b: {  	s6 =	sld [smem:$0x3FAC]  }
0x2c: {  	s7 =	sld [smem:$0x3FAD]  }
0x2d: {  	s3 =	simm.s32 $0x108;
	s8 =	sld [smem:$0x3FAE]  }
0x2e: {  	s3 =	simm.s32 @!p0 $0x1082;
	s9 =	sld [smem:$0x3FAF]  }
0x2f: {  	lr =	sadd.s32 s0, s3;
	s0 =	sld [smem:$0x3FA6]  }
0x30: {  	s3 =	sld [smem:$0x3FA9]  }
0x31: {  	[smem:$0x3FB2] =	sst s10  }
0x32: {  	s10 =	sld [smem:$0x3FB0];
	_ =	sdelay $0x3  }
0x33: {  	p0 =	seq.s32 s10, $0x1;
	s10 =	sld [smem:$0x3FB2];
	_ =	sdelay $0x3  }
0x34: {  	[smem:$0x3FB2] =	sst s10  }
0x35: {  	s10 =	sld [smem:$0x3FB1];
	_ =	sdelay $0x3  }
0x36: {  	p1 =	seq.s32 s10, $0x1;
	s10 =	sld [smem:$0x3FB2];
	_ =	sdelay $0x3  }
0x37: {  	[smem:$0x3FB2] =	sst s10  }
0x38: {  	s10 =	sld [smem:$0x3FB3]  }
0x39: {  	_ = 	snop;
	(pc) =	sbr.ind lr, $3  }
0x3a: {  	_ = 	snop  }
0x3b: {  	_ = 	snop  }
0x3c: {  	p2 =	seq.s32 s10, $0x1;
	s10 =	sld [smem:$0x3FB2]  }
0x3d: {  	_ =	shalt  }
0x3e: {  	_ =	shalt  }
0x3f: {  	_ =	shalt  }
0x40: {  	_ =	shalt  }
0x41: {  	_ =	shalt  }
0x42: {  	_ =	shalt  }
0x43: {  	_ =	shalt  }
0x44: {  	_ =	shalt  }
0x45: {  	_ =	shalt  }
0x46: {  	_ =	shalt  }
0x47: {  	_ =	shalt  }
0x48: {  	_ =	shalt  }
0x49: {  	_ =	shalt  }
0x4a: {  	_ =	shalt  }
0x4b: {  	_ =	shalt  }
0x4c: {  	_ =	shalt  }
0x4d: {  	_ =	shalt  }
0x4e: {  	_ =	shalt  }
0x4f: {  	_ =	shalt  }
0x50: {  	_ =	shalt  }
0x51: {  	_ =	shalt  }
0x52: {  	_ =	shalt  }
0x53: {  	_ =	shalt  }
0x54: {  	_ =	shalt  }
0x55: {  	_ =	shalt  }
0x56: {  	_ =	shalt  }
0x57: {  	_ =	shalt  }
0x58: {  	_ =	shalt  }
0x59: {  	_ =	shalt  }
0x5a: {  	_ =	shalt  }
0x5b: {  	_ =	shalt  }
0x5c: {  	_ =	shalt  }
0x5d: {  	_ =	shalt  }
0x5e: {  	_ =	shalt  }
0x5f: {  	_ =	shalt  }
0x60: {  	_ =	shalt  }
0x61: {  	_ =	shalt  }
0x62: {  	_ =	shalt  }
0x63: {  	_ =	shalt  }
0x64: {  	_ =	shalt  }
0x65: {  	_ =	shalt  }
0x66: {  	_ =	shalt  }
0x67: {  	_ =	shalt  }
0x68: {  	_ =	shalt  }
0x69: {  	_ =	shalt  }
0x6a: {  	_ =	shalt  }
0x6b: {  	_ =	shalt  }
0x6c: {  	_ =	shalt  }
0x6d: {  	_ =	shalt  }
0x6e: {  	_ =	shalt  }
0x6f: {  	_ =	shalt  }
0x70: {  	_ =	shalt  }
0x71: {  	_ =	shalt  }
0x72: {  	_ =	shalt  }
0x73: {  	_ =	shalt  }
0x74: {  	_ =	shalt  }
0x75: {  	_ =	shalt  }
0x76: {  	_ =	shalt  }
0x77: {  	_ =	shalt  }
0x78: {  	_ =	shalt  }
0x79: {  	_ =	shalt  }
0x7a: {  	_ =	shalt  }
0x7b: {  	_ =	shalt  }
0x7c: {  	_ =	shalt  }
0x7d: {  	_ =	shalt  }
0x7e: {  	_ =	shalt  }
0x7f: {  	_ =	shalt  }
0x80: {  	_ =	shalt  }
0x81: {  	_ =	shalt  }
0x82: {  	_ =	shalt  }
0x83: {  	_ =	shalt  }
0x84: {  	_ =	shalt  }
0x85: {  	_ =	shalt  }
0x86: {  	_ =	shalt  }
0x87: {  	_ =	shalt  }
.Lfunc_end0:
.L_simem_size_0:
called_computation.1_lowered:
.L_overlay_start_0:
0x88: {  	s2 =	sld [smem:$0x3FD9]  }
0x89: {  	s3 =	sld [smem:$0x3FFE];
	_ =	sdelay $0x1  }
0x8a: {  	s1 =	srdreg.scid  }
0x8b: {  	s0 =	sand.u32 $0x1, s1  }
0x8c: {  	s16 =	sshll.u32 s0, $0xA;
	s2 =	sadd.s32 s3, s2  }
0x8d: {  	s2 =	sadd.s32 s2, s16  }
0x8e: {  	[smem:$0x3FBE] =	sst s2  }
0x8f: {  	_ = 	snop  }
0x90: {  	(tm) =	ssettm $0x1  }
0x91: {  	s17 =	sld [smem:$0x3FFB];
	_ =	sdelay $0x3  }
0x92: {  	_ =	strace s17  }
0x93: {  	s2 =	sld [smem:$0x3FFC];
	_ =	sdelay $0x3  }
0x94: {  	_ =	strace s2  }
0x95: {  	s2 =	sld [smem:$0x3FFD];
	_ =	sdelay $0x3  }
0x96: {  	_ =	strace s2  }
0x97: {  	_ =	strace $0x8FFFFFFF  }
0x98: {  	s18 =	sld [smem:$0x3FDB];
	_ =	sdelay $0x1  }
0x99: {  	s19 =	simm.s32 $_scs_section_size  }
0x9a: {  	s4 =	simm.s32 $_size__tile_overlayer_lowered;
	s5 =	simm.s32 $_tile_overlayer_lowered  }
0x9b: {  	s22 =	simm.s32 $0x1BFF;
	s21 =	sshll.u32 s5, $0x1;
	s2 =	sadd.s32 s19, s18  }
0x9c: {  	s6 =	simm.s32 $0x0;
	s20 =	sshll.u32 s4, $0x1;
	s4 =	sadd.s32 s21, s2  }
0x9d: {  	[timem:s6], [sflag:s22] =	dma.local [hbm:s4], s20  }
0x9e: {  	_ =	swait.ge [sflag:s22], s20  }
0x9f: {  	s3 =	ssub.s32 $0x0, s20;
	[sflag:s22] =	ssyncset.done $0x0  }
0xa0: {  	[sflag:s22] =	ssyncadd.s32 s3;
	_ =	sdelay $0x1  }
0xa1: {  	s23 =	simm.s32 $0x1B8B  }
0xa2: {  	_ =	swait.ge [sflag:s23], $0x1  }
0xa3: {  	[sflag:s23] =	ssyncset.done $0x0  }
0xa4: {  	s25 =	simm.s32 $0x1B8E;
	s24 =	sld [smem:$0x3FFE];
	[sflag:s23] =	ssyncadd.s32 $0xFFFFFFFF  }
0xa5: {  	s26 =	simm.s32 $execute0_lowered;
	[smem:$0x3FD2] =	sst s25  }
0xa6: {  	s4 =	sshll.u32 s26, $0x1;
	_ =	strace $0x80000049;
	[dreg:$0x1] =	wrdreg $0xFFFFFFFF  }
0xa7: {  	s28 =	simm.s32 $_size_execute0_lowered;
	s2 =	sadd.s32 s2, s4;
	[dreg:$0x0] =	wrdreg $0x0  }
0xa8: {  	s4 =	sshll.u32 s28, $0x1;
	[dreg:$0x2] =	wrdreg s2  }
0xa9: {  	[dreg:$0x3] =	wrdreg s4  }
0xaa: {  	[dreg:$0x4] =	wrdreg $0xC0  }
0xab: {  	_ =	task [dreg:s6], $0x5FFFF  }
0xac: {  	[dreg:$0x1] =	wrdreg $0xFFFFFFFF  }
0xad: {  	[dreg:$0x0] =	wrdreg $0x60  }
0xae: {  	[dreg:$0x2] =	wrdreg s24  }
0xaf: {  	[dreg:$0x3] =	wrdreg $0x84000  }
0xb0: {  	[dreg:$0x4] =	wrdreg $0x9  }
0xb1: {  	_ =	task.clear_ibuf [dreg:s6], $0x5FFFF;
	_ =	strace $0x90000049  }
0xb2: {  	s29 =	simm.s32 $0x9;
	_ =	strace $0x8000004B  }
0xb3: {  	_ =	swait.ge [sflag:s29], $0x1  }
0xb4: {  	[sflag:s29] =	ssyncadd.s32 $0xFFFFFFFF  }
0xb5: {  	_ =	strace $0x9000004B  }
0xb6: {  	_ =	sfence  }
0xb7: {  	s30 =	sld [smem:$0x0];
	_ =	sdelay $0x2  }
0xb8: {  	s31 =	sshll.u32 s1, $0xD;
	s1 =	sshrl.u32 s1, $0x2  }
0xb9: {  	s3 =	sand.u32 $0x4000, s31;
	s1 =	sadd.s32 s1, s30  }
0xba: {  	s0 =	sor.u32 s3, s0;
	s1 =	sshll.u32 s1, $0x11  }
0xbb: {  	s0 =	sor.u32 s1, s0  }
0xbc: {  	s0 =	sadd.s32 $0x8F2B, s0  }
0xbd: {  	[sflag:s0] =	ssyncadd.remote.s32 $0x1  }
0xbe: {  	_ =	sfence.sel $0xFFFF  }
0xbf: {  	[dreg:$0x0] =	wrdreg $0xFFFFFFFF;
	(pc) =	sbr.abs _section_cstart, $3  }
0xc0: {  	[dreg:$0x1] =	wrdreg $0xFFFFFFFF  }
0xc1: {  	_ =	task.clear_ibuf [dreg:s6], $0x2FFFF;
	_ =	strace $0x9FFFFFFF  }
0xc2: {  	(tm) =	ssettm $0x7FFFFFFF  }
0xc3: {  	_ =	shalt  }
tec
execute0_lowered:
.L_overlay_start_1:
0x0: {  	(tag) =	ssettag $0x1  }
0x1: {  	s0 =	rddreg [dreg:$0x0]  }
0x2: {  	s2 =	rddreg [dreg:$0x1];
	s3 =	simm.s32 $0x0;
	s1 =	srdreg.scid  }
0x3: {  	s10 =	stileid.u32;
	s14 =	simm.s32 $0x7;
	s18 =	simm.s32 $0x7400  }
0x4: {  	s19 =	simm.s32 $0x7C00;
	s20 =	simm.s32 $0x80;
	s21 =	simm.s32 $0x5400  }
0x5: {  	s22 =	simm.s32 $0x6400;
	s28 =	simm.s32 $0x3;
	s29 =	simm.s32 $0x5  }
0x6: {  	s30 =	simm.s32 $0x2;
	s31 =	simm.s32 $0x4;
	s1 =	sand.u32 $0x1, s1  }
0x7: {  	s4 =	sshll.u32 s10, $0x1;
	s7 =	smul.u32 $0x2800, s10;
	[smem:$0x7FF] =	sst s3  }
0x8: {  	s5 =	sadd.s32 $0x15C00, s0;
	s10 =	sshll.u32 s10, $0x6;
	s4 =	sor.u32 s1, s4  }
0x9: {  	s6 =	smul.u32 $0x28000, s1;
	_ =	strace $0x8000004A;
	s1 =	ssub.s32 $0x2, s1  }
0xa: {  	s8 =	smul.u32 $0x520, s4;
	s4 =	sadd.s32 $0x1AC00, s0;
	s23 =	sshrl.u32 s1, $0x1  }
0xb: {  	s24 =	sshrl.u32 s7, $0x3;
	s6 =	sadd.s32 s7, s6;
	s1 =	ssub.s32 s1, s23  }
0xc: {  	s7 =	sadd.s32 s7, s2;
	s23 =	simm.s32 $0x5C00;
	s8 =	sadd.s32 s8, s0  }
0xd: {  	s9 =	sshrl.u32 s6, $0x3;
	s6 =	sadd.s32 $0x1FC00, s0;
	s26 =	smax.u32 s1, $0x1  }
0xe: {  	s13 =	sshrl.u32 s7, $0x3;
	s1 =	simm.s32 $0x0;
	s0 =	sadd.s32 s9, s0  }
0xf: {  	s9 =	sadd.s32 s6, s24;
	s25 =	sadd.s32 $0xB800, s8;
	[dreg:$0x6] =	wrdreg s26  }
0x10: {  	s26 =	simm.s32 $0x1;
	[dreg:$0x3] =	wrdreg s9;
	s9 =	sor.u32 $0x1C07, s10  }
0x11: {  	[dreg:$0x4] =	wrdreg s25;
	s10 =	sadd.s32 $0x1400, s8;
	s0 =	sadd.s32 $0x24C00, s0  }
0x12: {  	v0 =	vimm.s32 $0x7;
	vm0 =	vcmask $0x1B20;
	s25 =	simm.s32 $0x6C00;
	[dreg:$0x5] =	wrdreg s0;
	s0 =	simm.s32 $0x6  }
.LBB2_1:
0x13: {  	s7 =	rddreg [dreg:$0x3]  }
0x14: {  	[spmem:s13], [sflag:s9] =	dma.local [hbm:s7], $0x500  }
0x15: {  	_ =	swait.ge [sflag:s14], $0x500  }
0x16: {  	[sflag:s14] =	ssyncset.done $0x0  }
0x17: {  	s12 =	rddreg [dreg:$0x4];
	[sflag:s14] =	ssyncadd.s32 $0xFFFFFB00  }
0x18: {  	[tilespmem:s3], [sflag:$0x7] =	stream.linear.gather [hbm4b:s12+s3], $0x2900, $0x38;
	[tilespmem:$0xAC00] =	vst v63  }
0x19: {  	_ =	swait.ge [sflag:s14], $0x2900  }
0x1a: {  	[sflag:s14] =	ssyncset.done $0x0  }
0x1b: {  	s8 =	simm.s32 $0x2A00;
	[sflag:s14] =	ssyncadd.s32 $0xFFFFD700  }
0x1c: {  	[tilespmem:s8], [sflag:$0x7] =	stream.linear.gather [hbm4b:s10+s3], $0x2900, $0x38;
	[tilespmem:$0xAC00] =	vst v63  }
0x1d: {  	_ =	swait.ge [sflag:s14], $0x2900  }
0x1e: {  	[sflag:s14] =	ssyncset.done $0x0  }
0x1f: {  	s16 =	simm.s32 $0x2900;
	[sflag:s14] =	ssyncadd.s32 $0xFFFFD700  }
0x20: {  	[tilespmem:s16], [sflag:$0x7] =	stream.linear.gather [hbm4b:s12+s3], $0x100, $0x38;
	[tilespmem:$0xAC00] =	vst v63  }
0x21: {  	_ =	swait.ge [sflag:s14], $0x100  }
0x22: {  	[sflag:s14] =	ssyncset.done $0x0  }
0x23: {  	s17 =	simm.s32 $0x5300;
	[sflag:s14] =	ssyncadd.s32 $0xFFFFFF00  }
0x24: {  	[tilespmem:s17], [sflag:$0x7] =	stream.linear.gather [hbm4b:s10+s3], $0x100, $0x38;
	[tilespmem:$0xAC00] =	vst v63  }
0x25: {  	_ =	swait.ge [sflag:s14], $0x100  }
0x26: {  	[sflag:s14] =	ssyncset.done $0x0  }
0x27: {  	[sflag:s14] =	ssyncadd.s32 $0xFFFFFF00  }
0x28: {  	[tilespmem:s18], [sflag:$0x7] =	stream.linear.gather [hbm4b:s6+s3], $0x800, $0x38;
	[tilespmem:$0xAC00] =	vst v63  }
0x29: {  	_ =	swait.ge [sflag:s14], $0x800  }
0x2a: {  	[sflag:s14] =	ssyncset.done $0x0  }
0x2b: {  	[sflag:s14] =	ssyncadd.s32 $0xFFFFF800  }
0x2c: {  	[tilespmem:s19], [sflag:$0x7] =	stream.linear.gather [hbm4b:s6+s3], $0x800, $0x38;
	[tilespmem:$0xAC00] =	vst v63  }
0x2d: {  	_ =	swait.ge [sflag:s14], $0x800  }
0x2e: {  	[sflag:s14] =	ssyncset.done $0x0  }
0x2f: {  	[sflag:s14] =	ssyncadd.s32 $0xFFFFF800  }
0x30: {  	[bflag:$0x0] =	sbarrier.arrive $0xFFFF  }
0x31: {  	[tilespmem:s21], [sflag:$0x1] =	stream.indirect.gather [hbm4b:s4+s20], $0x10, s3, s20, $0xb8;
	[tilespmem:$0xAC00] =	vst v63  }
0x32: {  	_ = 	snop  }
0x33: {  	[tilespmem:s22], [sflag:$0x3] =	stream.indirect.gather [hbm4b:s5+s20], $0x10, s8, s20, $0xb8;
	[tilespmem:$0xAC00] =	vst v63  }
0x34: {  	_ = 	snop  }
0x35: {  	[tilespmem:s23], [sflag:$0x2] =	stream.indirect.gather [hbm4b:s4+s20], $0x10, s20, s20, $0xb8;
	[tilespmem:$0xAC00] =	vst v63  }
0x36: {  	s24 =	simm.s32 $0x2A80  }
0x37: {  	[tilespmem:s25], [sflag:$0x4] =	stream.indirect.gather [hbm4b:s5+s20], $0x10, s24, s20, $0xb8;
	[tilespmem:$0xAC00] =	vst v63  }
0x38: {  	_ = 	snop  }
0x39: {  	[spmem:s2] =	stream.indirect.scatter.add.f32 [tilespmem:s18], [sflag:$0x5], $0x10, s8, s20, $0xb8;
	[tilespmem:$0xAC00] =	vst v63  }
0x3a: {  	s15 =	smov.u32 s9;
	s16 =	simm.s32 $0x0  }
0x3b: {  	[spmem:s2] =	stream.indirect.scatter.add.f32 [tilespmem:s19], [sflag:$0x6], $0x10, s8, s20, $0xb8;
	[tilespmem:$0xAC00] =	vst v63  }
.LBB2_2:
0x3c: {  	_ =	swait.ge [sflag:s26], $0x800  }
0x3d: {  	[sflag:s26] =	ssyncset.done $0x0  }
0x3e: {  	[sflag:s26] =	ssyncadd.s32 $0xFFFFF800  }
0x3f: {  	_ =	swait.ge [sflag:s28], $0x800  }
0x40: {  	[sflag:s28] =	ssyncset.done $0x0  }
0x41: {  	[sflag:s28] =	ssyncadd.s32 $0xFFFFF800  }
0x42: {  	_ =	swait.ge [sflag:s29], $0x800  }
0x43: {  	[sflag:s29] =	ssyncset.done $0x0  }
0x44: {  	s7 =	simm.s32 $0x5420;
	[sflag:s29] =	ssyncadd.s32 $0xFFFFF800  }
0x45: {  	s8 =	simm.s32 $0x6420;
	v6 =	vld [tilespmem:s7+$0xFFFFFFF0]  }
0x46: {  	v5 =	vld [tilespmem:s8+$0x10]  }
0x47: {  	v1 =	vld [tilespmem:s8+$0xFFFFFFF0]  }
0x48: {  	v19 =	vld [tilespmem:s7+$0xFFFFFFE0]  }
0x49: {  	v2 =	vld [tilespmem:s7+$0x10]  }
0x4a: {  	v7 =	vld [tilespmem:s8+$0xFFFFFFE0]  }
0x4b: {  	v4 =	vld [tilespmem:s7+$0x0]  }
0x4c: {  	v8 =	vperm.xlane v6, v0  }
0x4d: {  	s12 =	simm.s32 $0x5460;
	v9 =	vld [tilespmem:s8+$0x0];
	v10 =	vperm.xlane v19, v0  }
0x4e: {  	s17 =	simm.s32 $0x6460;
	v3 =	vld [tilespmem:s12+$0xFFFFFFF0];
	v11 =	vperm.xlane v2, v0;
	v8 =	vadd.f32 v8, v1  }
0x4f: {  	v12 =	vld [tilespmem:s17+$0xFFFFFFF0];
	v7 =	vadd.f32 v10, v7  }
0x50: {  	v1 =	vld [tilespmem:s12+$0x10];
	v10 =	vperm.xlane v4, v0;
	v11 =	vadd.f32 v11, v5;
	v13 =	vmul.f32 $2.000000030e-01, v8  }
0x51: {  	vm1 =	vge.f32 v8, $0.0e+00;
	v14 =	vmul.f32 $2.000000030e-01, v7  }
0x52: {  	v5 =	vld [tilespmem:s12+$0xFFFFFFE0];
	v9 =	vadd.f32 v10, v9;
	v10 =	vmul.f32 $2.000000030e-01, v11;
	v8 =	vsel vm1, v8, v13  }
0x53: {  	v13 =	vperm.xlane v3, v0;
	vm1 =	vge.f32 v7, $0.0e+00;
	v15 =	vmul.f32 $1.442695020e+00, v8  }
0x54: {  	v16 =	vld [tilespmem:s17+$0xFFFFFFE0];
	v7 =	vsel vm1, v7, v14;
	vm1 =	vge.f32 v11, $0.0e+00;
	v14 =	vmul.f32 $2.000000030e-01, v9  }
0x55: {  	v8 =	vld [tilespmem:s12+$0x0];
	v12 =	vadd.f32 v13, v12;
	v13 =	vperm.xlane v1, v0;
	v10 =	vsel vm1, v11, v10  }
0x56: {  	s24 =	simm.s32 $0x54A0;
	v17 =	vld [tilespmem:s17+$0x10];
	v18 =	vmul.f32 $1.442695020e+00, v7;
	vm1 =	vge.f32 v9, $0.0e+00;
	(erf) = vpow2.f32 v15  }
0x57: {  	v7 =	vld [tilespmem:s24+$0xFFFFFFF0];
	v15 =	vperm.xlane v5, v0;
	v9 =	vsel vm1, v9, v14;
	v14 =	vmul.f32 $1.442695020e+00, v10  }
0x58: {  	s11 =	simm.s32 $0x64A0;
	v20 =	vld [tilespmem:s17+$0x0];
	v11 =	vmul.f32 $2.000000030e-01, v12;
	(erf) = vpow2.f32 v18  }
0x59: {  	v21 =	vld [tilespmem:s11+$0xFFFFFFF0];
	vm1 =	vge.f32 v12, $0.0e+00;
	v9 =	vmul.f32 $1.442695020e+00, v9;
	(erf) = vpow2.f32 v14  }
0x5a: {  	v10 =	vld [tilespmem:s24+$0x10];
	v18 =	vperm.xlane v8, v0;
	v11 =	vsel vm1, v12, v11;
	v12 =	vadd.f32 v15, v16  }
0x5b: {  	v13 =	vadd.f32 v13, v17;
	v17 =	vld [tilespmem:s11+$0x10];
	(erf) = vpow2.f32 v9;
	v24 =	vmul.f32 $1.442695020e+00, v11  }
0x5c: {  	v9 =	vld [tilespmem:s24+$0x0];
	v11 =	vperm.xlane v7, v0;
	v14 =	vmul.f32 $2.000000030e-01, v12  }
0x5d: {  	v15 =	vmul.f32 $2.000000030e-01, v13;
	v16 =	vadd.f32 v18, v20;
	vm1 =	vge.f32 v12, $0.0e+00  }
0x5e: {  	v23 =	vadd.f32 v11, v21;
	v11 =	vld [tilespmem:s24+$0xFFFFFFE0];
	v12 =	vsel vm1, v12, v14;
	vm1 =	vge.f32 v13, $0.0e+00  }
0x5f: {  	v21 =	vperm.xlane v10, v0;
	v20 =	vmul.f32 $2.000000030e-01, v16;
	v18 =	vsel vm1, v13, v15  }
0x60: {  	vm2 =	vge.f32 v23, $0.0e+00;
	v25 =	vmul.f32 $2.000000030e-01, v23;
	v22 =	vmul.f32 $1.442695020e+00, v12;
	v14 =	vpop (erf)  }
0x61: {  	s17 =	simm.s32 $0x7420;
	v15 =	vperm.xlane v9, v0;
	v13 =	vadd.f32 v21, v17;
	vm1 =	vge.f32 v16, $0.0e+00;
	v21 =	vld [tilespmem:s11+$0xFFFFFFE0];
	v17 =	vpop (erf)  }
0x62: {  	s8 =	simm.s32 $0x54E0;
	s7 =	simm.s32 $0x7420;
	s12 =	simm.s32 $0x8;
	v12 =	vld [tilespmem:s11+$0x0];
	(erf) = vpow2.f32 v24;
	v23 =	vsel vm2, v23, v25;
	v19 =	vmul.f32 v17, v19  }
.LBB2_3:
0x63: {  	v24 =	vld [tilespmem:s8+$0xFFFFFFF0];
	s12 =	sadd.s32 $0x4, s12;
	v25 =	vperm.xlane v11, v0;
	s11 =	sadd.s32 $0x40, s11;
	v16 =	vsel vm1, v16, v20;
	v27 =	vmul.f32 v14, v6;
	s17 =	sadd.s32 $0x40, s17;
	v20 =	vpop (erf)  }
0x64: {  	v18 =	vmul.f32 $1.442695020e+00, v18;
	v26 =	vld [tilespmem:s11+$0x10];
	p0 =	slt.u32 s12, $0x7C;
	(erf) = vpow2.f32 v22;
	v17 =	vsel vm0, v19, v17;
	v19 =	vpop (erf)  }
0x65: {  	v6 =	vmovc v3;
	v16 =	vmul.f32 $1.442695020e+00, v16;
	v22 =	vld [tilespmem:s11+$0xFFFFFFF0];
	[tilespmem:s7+$0xFFFFFFE0] =	vst v17;
	v14 =	vsel vm0, v27, v14;
	v17 =	vmul.f32 v19, v4  }
0x66: {  	v3 =	vmovc v7;
	v4 =	vmovc v8;
	v27 =	vld [tilespmem:s8+$0x10];
	v21 =	vadd.f32 v25, v21;
	v25 =	vmul.f32 $1.442695020e+00, v23;
	(erf) = vpow2.f32 v18;
	[tilespmem:s7+$0xFFFFFFF0] =	vst v14  }
0x67: {  	v18 =	vmul.f32 v20, v2;
	v2 =	vmovc v1;
	v1 =	vmovc v10;
	v23 =	vld [tilespmem:s8+$0x0];
	(erf) = vpow2.f32 v16;
	v17 =	vsel vm0, v17, v19  }
0x68: {  	v16 =	vadd.f32 v15, v12;
	v28 =	vld [tilespmem:s8+$0xFFFFFFE0];
	v10 =	vperm.xlane v24, v0;
	v29 =	vmul.f32 $2.000000030e-01, v21;
	[tilespmem:s7+$0x0] =	vst v17;
	v7 =	vmovc v24  }
0x69: {  	v8 =	vmovc v9;
	v15 =	vmul.f32 $2.000000030e-01, v13;
	vm1 =	vge.f32 v21, $0.0e+00;
	v17 =	vsel vm0, v18, v20;
	v12 =	vld [tilespmem:s11+$0x0]  }
.Ltmp0:
0x6a: {  	v19 =	vadd.f32 v10, v22;
	v21 =	vsel vm1, v21, v29;
	vm1 =	vge.f32 v13, $0.0e+00;
	[tilespmem:s7+$0x10] =	vst v17;
	s7 =	smov.u32 s17;
	(pc) =	sbr.rel @p0 .LBB2_3-.Ltmp0, $4  }
0x6b: {  	v20 =	vmul.f32 $2.000000030e-01, v16;
	v29 =	vperm.xlane v27, v0;
	v18 =	vsel vm1, v13, v15;
	v14 =	vpop (erf)  }
0x6c: {  	v22 =	vmul.f32 $1.442695020e+00, v21;
	vm2 =	vge.f32 v19, $0.0e+00;
	v24 =	vmul.f32 $2.000000030e-01, v19;
	v10 =	vmovc v27;
	v9 =	vmovc v23  }
0x6d: {  	vm1 =	vge.f32 v16, $0.0e+00;
	v21 =	vld [tilespmem:s11+$0xFFFFFFE0];
	v15 =	vperm.xlane v9, v0;
	v13 =	vadd.f32 v29, v26;
	v17 =	vpop (erf)  }
0x6e: {  	s8 =	sadd.s32 $0x40, s8;
	v23 =	vsel vm2, v19, v24;
	(erf) = vpow2.f32 v25;
	v19 =	vmul.f32 v17, v5;
	v5 =	vmovc v11;
	v11 =	vmovc v28  }
0x6f: {  	_ = 	snop  }
0x70: {  	v24 =	vperm.xlane v11, v0;
	_ =	sdelay $0x1  }
0x71: {  	v16 =	vsel vm1, v16, v20;
	v18 =	vmul.f32 $1.442695020e+00, v18;
	v20 =	vadd.f32 v24, v21  }
0x72: {  	(erf) = vpow2.f32 v22;
	v16 =	vmul.f32 $1.442695020e+00, v16  }
0x73: {  	v12 =	vadd.f32 v15, v12;
	(erf) = vpow2.f32 v18;
	v18 =	vmul.f32 $2.000000030e-01, v20  }
0x74: {  	v15 =	vmul.f32 $2.000000030e-01, v13;
	(erf) = vpow2.f32 v16;
	vm1 =	vge.f32 v20, $0.0e+00  }
0x75: {  	v16 =	vsel vm1, v20, v18;
	vm1 =	vge.f32 v13, $0.0e+00;
	v18 =	vmul.f32 $2.000000030e-01, v12  }
0x76: {  	v13 =	vsel vm1, v13, v15;
	vm1 =	vge.f32 v12, $0.0e+00  }
0x77: {  	v21 =	vmul.f32 $1.442695020e+00, v23;
	v12 =	vsel vm1, v12, v18;
	v13 =	vmul.f32 $1.442695020e+00, v13  }
0x78: {  	v15 =	vmul.f32 $1.442695020e+00, v16;
	v12 =	vmul.f32 $1.442695020e+00, v12  }
0x79: {  	(erf) = vpow2.f32 v21  }
0x7a: {  	(erf) = vpow2.f32 v15  }
0x7b: {  	(erf) = vpow2.f32 v13;
	v13 =	vpop (erf)  }
0x7c: {  	(erf) = vpow2.f32 v12;
	v12 =	vpop (erf)  }
0x7d: {  	v6 =	vmul.f32 v14, v6;
	v15 =	vpop (erf)  }
0x7e: {  	v16 =	vsel vm0, v19, v17;
	v17 =	vpop (erf)  }
0x7f: {  	v6 =	vsel vm0, v6, v14;
	v2 =	vmul.f32 v13, v2;
	v5 =	vmul.f32 v17, v5  }
0x80: {  	[tilespmem:s7+$0xFFFFFFF0] =	vst v6;
	v4 =	vmul.f32 v12, v4;
	v3 =	vmul.f32 v15, v3  }
0x81: {  	[tilespmem:s7+$0xFFFFFFE0] =	vst v16;
	v2 =	vsel vm0, v2, v13;
	v14 =	vpop (erf)  }
0x82: {  	v4 =	vsel vm0, v4, v12;
	[tilespmem:s7+$0x10] =	vst v2;
	v6 =	vpop (erf)  }
0x83: {  	s8 =	sadd.s32 $0x40, s17;
	[tilespmem:s7+$0x0] =	vst v4;
	v2 =	vsel vm0, v5, v17;
	v4 =	vmul.f32 v6, v8;
	v5 =	vpop (erf)  }
0x84: {  	v1 =	vmul.f32 v14, v1;
	[tilespmem:s8+$0xFFFFFFE0] =	vst v2;
	v2 =	vsel vm0, v3, v15;
	v3 =	vpop (erf)  }
0x85: {  	[tilespmem:s8+$0xFFFFFFF0] =	vst v2;
	v2 =	vsel vm0, v4, v6;
	v4 =	vmul.f32 v3, v11;
	v6 =	vpop (erf)  }
0x86: {  	v1 =	vsel vm0, v1, v14;
	[tilespmem:s8+$0x0] =	vst v2;
	v2 =	vmul.f32 v5, v7;
	v7 =	vpop (erf)  }
0x87: {  	s11 =	sadd.s32 $0x40, s8;
	[tilespmem:s8+$0x10] =	vst v1;
	v1 =	vsel vm0, v4, v3;
	v3 =	vmul.f32 v7, v9  }
0x88: {  	[tilespmem:s11+$0xFFFFFFE0] =	vst v1;
	v1 =	vsel vm0, v2, v5;
	v2 =	vmul.f32 v6, v10  }
0x89: {  	[tilespmem:s11+$0xFFFFFFF0] =	vst v1;
	v1 =	vsel vm0, v3, v7  }
0x8a: {  	s17 =	sshll.u32 s16, $0x8;
	[tilespmem:s11+$0x0] =	vst v1;
	v1 =	vsel vm0, v2, v6  }
0x8b: {  	s12 =	sadd.s32 $0x100, s17;
	[tilespmem:s11+$0x10] =	vst v1  }
0x8c: {  	[tilespmem:s21], [sflag:$0x1] =	stream.indirect.gather [hbm4b:s4+s20], $0x10, s12, s20, $0xb8;
	[tilespmem:$0xAC00] =	vst v63  }
0x8d: {  	s24 =	sadd.s32 $0x2B00, s17  }
0x8e: {  	[tilespmem:s22], [sflag:$0x3] =	stream.indirect.gather [hbm4b:s5+s20], $0x10, s24, s20, $0xb8;
	[tilespmem:$0xAC00] =	vst v63  }
0x8f: {  	s24 =	sand.u32 $0x3FFFFF00, s17  }
0x90: {  	s8 =	sadd.s32 $0x2A00, s24  }
0x91: {  	[spmem:s2] =	stream.indirect.scatter.add.f32 [tilespmem:s18], [sflag:$0x5], $0x10, s8, s20, $0xb8;
	[tilespmem:$0xAC00] =	vst v63  }
0x92: {  	_ =	swait.ge [sflag:s30], $0x800  }
0x93: {  	[sflag:s30] =	ssyncset.done $0x0  }
0x94: {  	[sflag:s30] =	ssyncadd.s32 $0xFFFFF800  }
0x95: {  	_ =	swait.ge [sflag:s31], $0x800  }
0x96: {  	[sflag:s31] =	ssyncset.done $0x0  }
0x97: {  	[sflag:s31] =	ssyncadd.s32 $0xFFFFF800  }
0x98: {  	_ =	swait.ge [sflag:s0], $0x800  }
0x99: {  	[sflag:s0] =	ssyncset.done $0x0  }
0x9a: {  	s9 =	simm.s32 $0x5C30;
	[sflag:s0] =	ssyncadd.s32 $0xFFFFF800  }
0x9b: {  	s11 =	simm.s32 $0x6C30;
	v6 =	vld [tilespmem:s9+$0xFFFFFFE0]  }
0x9c: {  	v5 =	vld [tilespmem:s11+$0x0]  }
0x9d: {  	v1 =	vld [tilespmem:s11+$0xFFFFFFE0]  }
0x9e: {  	v19 =	vld [tilespmem:s9+$0xFFFFFFD0]  }
0x9f: {  	v2 =	vld [tilespmem:s9+$0x0]  }
0xa0: {  	v7 =	vld [tilespmem:s11+$0xFFFFFFD0]  }
0xa1: {  	v4 =	vld [tilespmem:s9+$0xFFFFFFF0]  }
0xa2: {  	v8 =	vperm.xlane v6, v0  }
0xa3: {  	s12 =	simm.s32 $0x5C70;
	v9 =	vld [tilespmem:s11+$0xFFFFFFF0];
	v10 =	vperm.xlane v19, v0  }
0xa4: {  	v3 =	vld [tilespmem:s12+$0xFFFFFFE0];
	s9 =	simm.s32 $0x6C70;
	v11 =	vperm.xlane v2, v0;
	v8 =	vadd.f32 v8, v1  }
0xa5: {  	v12 =	vld [tilespmem:s9+$0xFFFFFFE0];
	v7 =	vadd.f32 v10, v7  }
0xa6: {  	v1 =	vld [tilespmem:s12+$0x0];
	v10 =	vperm.xlane v4, v0;
	v11 =	vadd.f32 v11, v5;
	v13 =	vmul.f32 $2.000000030e-01, v8  }
0xa7: {  	vm1 =	vge.f32 v8, $0.0e+00;
	v14 =	vmul.f32 $2.000000030e-01, v7  }
0xa8: {  	v5 =	vld [tilespmem:s12+$0xFFFFFFD0];
	v9 =	vadd.f32 v10, v9;
	v10 =	vmul.f32 $2.000000030e-01, v11;
	v8 =	vsel vm1, v8, v13  }
0xa9: {  	v13 =	vperm.xlane v3, v0;
	vm1 =	vge.f32 v7, $0.0e+00;
	v15 =	vmul.f32 $1.442695020e+00, v8  }
0xaa: {  	v16 =	vld [tilespmem:s9+$0xFFFFFFD0];
	v7 =	vsel vm1, v7, v14;
	vm1 =	vge.f32 v11, $0.0e+00;
	v14 =	vmul.f32 $2.000000030e-01, v9  }
0xab: {  	v8 =	vld [tilespmem:s12+$0xFFFFFFF0];
	v12 =	vadd.f32 v13, v12;
	v13 =	vperm.xlane v1, v0;
	v10 =	vsel vm1, v11, v10  }
0xac: {  	s11 =	simm.s32 $0x5CB0;
	v17 =	vld [tilespmem:s9+$0x0];
	v18 =	vmul.f32 $1.442695020e+00, v7;
	vm1 =	vge.f32 v9, $0.0e+00;
	(erf) = vpow2.f32 v15  }
0xad: {  	v7 =	vld [tilespmem:s11+$0xFFFFFFE0];
	v15 =	vperm.xlane v5, v0;
	v9 =	vsel vm1, v9, v14;
	v14 =	vmul.f32 $1.442695020e+00, v10  }
0xae: {  	v20 =	vld [tilespmem:s9+$0xFFFFFFF0];
	s12 =	simm.s32 $0x6CB0;
	v11 =	vmul.f32 $2.000000030e-01, v12;
	(erf) = vpow2.f32 v18  }
0xaf: {  	v21 =	vld [tilespmem:s12+$0xFFFFFFE0];
	vm1 =	vge.f32 v12, $0.0e+00;
	v9 =	vmul.f32 $1.442695020e+00, v9;
	(erf) = vpow2.f32 v14  }
0xb0: {  	v10 =	vld [tilespmem:s11+$0x0];
	v18 =	vperm.xlane v8, v0;
	v11 =	vsel vm1, v12, v11;
	v12 =	vadd.f32 v15, v16  }
0xb1: {  	v13 =	vadd.f32 v13, v17;
	v17 =	vld [tilespmem:s12+$0x0];
	(erf) = vpow2.f32 v9;
	v63 =	vmul.f32 $1.442695020e+00, v11  }
0xb2: {  	v9 =	vld [tilespmem:s11+$0xFFFFFFF0];
	v11 =	vperm.xlane v7, v0;
	v14 =	vmul.f32 $2.000000030e-01, v12  }
0xb3: {  	v15 =	vmul.f32 $2.000000030e-01, v13;
	v16 =	vadd.f32 v18, v20;
	vm1 =	vge.f32 v12, $0.0e+00  }
0xb4: {  	v23 =	vadd.f32 v11, v21;
	v11 =	vld [tilespmem:s11+$0xFFFFFFD0];
	v12 =	vsel vm1, v12, v14;
	vm1 =	vge.f32 v13, $0.0e+00  }
0xb5: {  	v21 =	vperm.xlane v10, v0;
	v20 =	vmul.f32 $2.000000030e-01, v16;
	v18 =	vsel vm1, v13, v15  }
0xb6: {  	vm2 =	vge.f32 v23, $0.0e+00;
	v25 =	vmul.f32 $2.000000030e-01, v23;
	v22 =	vmul.f32 $1.442695020e+00, v12;
	v14 =	vpop (erf)  }
0xb7: {  	s7 =	simm.s32 $0x7C30;
	v15 =	vperm.xlane v9, v0;
	v13 =	vadd.f32 v21, v17;
	vm1 =	vge.f32 v16, $0.0e+00;
	v21 =	vld [tilespmem:s12+$0xFFFFFFD0];
	v17 =	vpop (erf)  }
0xb8: {  	s8 =	simm.s32 $0x8;
	s9 =	simm.s32 $0x5CF0;
	s11 =	simm.s32 $0x7C30;
	v12 =	vld [tilespmem:s12+$0xFFFFFFF0];
	(erf) = vpow2.f32 v63;
	v23 =	vsel vm2, v23, v25;
	v19 =	vmul.f32 v17, v19  }
.LBB2_5:
0xb9: {  	v24 =	vld [tilespmem:s9+$0xFFFFFFE0];
	s8 =	sadd.s32 $0x4, s8;
	v25 =	vperm.xlane v11, v0;
	s12 =	sadd.s32 $0x40, s12;
	v16 =	vsel vm1, v16, v20;
	v27 =	vmul.f32 v14, v6;
	s7 =	sadd.s32 $0x40, s7;
	v20 =	vpop (erf)  }
0xba: {  	v18 =	vmul.f32 $1.442695020e+00, v18;
	v26 =	vld [tilespmem:s12+$0x0];
	p0 =	slt.u32 s8, $0x7C;
	(erf) = vpow2.f32 v22;
	v17 =	vsel vm0, v19, v17;
	v19 =	vpop (erf)  }
0xbb: {  	v6 =	vmovc v3;
	v16 =	vmul.f32 $1.442695020e+00, v16;
	v22 =	vld [tilespmem:s12+$0xFFFFFFE0];
	[tilespmem:s11+$0xFFFFFFD0] =	vst v17;
	v14 =	vsel vm0, v27, v14;
	v17 =	vmul.f32 v19, v4  }
0xbc: {  	v3 =	vmovc v7;
	v4 =	vmovc v8;
	v27 =	vld [tilespmem:s9+$0x0];
	v21 =	vadd.f32 v25, v21;
	v25 =	vmul.f32 $1.442695020e+00, v23;
	(erf) = vpow2.f32 v18;
	[tilespmem:s11+$0xFFFFFFE0] =	vst v14  }
0xbd: {  	v18 =	vmul.f32 v20, v2;
	v2 =	vmovc v1;
	v1 =	vmovc v10;
	v23 =	vld [tilespmem:s9+$0xFFFFFFF0];
	(erf) = vpow2.f32 v16;
	v17 =	vsel vm0, v17, v19  }
0xbe: {  	v16 =	vadd.f32 v15, v12;
	v28 =	vld [tilespmem:s9+$0xFFFFFFD0];
	v10 =	vperm.xlane v24, v0;
	v29 =	vmul.f32 $2.000000030e-01, v21;
	[tilespmem:s11+$0xFFFFFFF0] =	vst v17;
	v7 =	vmovc v24  }
0xbf: {  	v8 =	vmovc v9;
	v15 =	vmul.f32 $2.000000030e-01, v13;
	vm1 =	vge.f32 v21, $0.0e+00;
	v17 =	vsel vm0, v18, v20;
	v12 =	vld [tilespmem:s12+$0xFFFFFFF0]  }
.Ltmp1:
0xc0: {  	v19 =	vadd.f32 v10, v22;
	v21 =	vsel vm1, v21, v29;
	vm1 =	vge.f32 v13, $0.0e+00;
	[tilespmem:s11+$0x0] =	vst v17;
	s11 =	smov.u32 s7;
	(pc) =	sbr.rel @p0 .LBB2_5-.Ltmp1, $4  }
0xc1: {  	v20 =	vmul.f32 $2.000000030e-01, v16;
	v29 =	vperm.xlane v27, v0;
	v18 =	vsel vm1, v13, v15;
	v14 =	vpop (erf)  }
0xc2: {  	v22 =	vmul.f32 $1.442695020e+00, v21;
	vm2 =	vge.f32 v19, $0.0e+00;
	v24 =	vmul.f32 $2.000000030e-01, v19;
	v10 =	vmovc v27;
	v9 =	vmovc v23  }
0xc3: {  	vm1 =	vge.f32 v16, $0.0e+00;
	v21 =	vld [tilespmem:s12+$0xFFFFFFD0];
	v15 =	vperm.xlane v9, v0;
	v13 =	vadd.f32 v29, v26;
	v17 =	vpop (erf)  }
0xc4: {  	s9 =	sadd.s32 $0x40, s9;
	v23 =	vsel vm2, v19, v24;
	(erf) = vpow2.f32 v25;
	v19 =	vmul.f32 v17, v5;
	v5 =	vmovc v11;
	v11 =	vmovc v28  }
0xc5: {  	_ = 	snop  }
0xc6: {  	v24 =	vperm.xlane v11, v0  }
0xc7: {  	v16 =	vsel vm1, v16, v20  }
0xc8: {  	v18 =	vmul.f32 $1.442695020e+00, v18;
	(erf) = vpow2.f32 v22;
	v45 =	vadd.f32 v24, v21  }
0xc9: {  	v46 =	vmul.f32 $1.442695020e+00, v23;
	v12 =	vadd.f32 v15, v12;
	v48 =	vmul.f32 $2.000000030e-01, v13  }
0xca: {  	v16 =	vmul.f32 $1.442695020e+00, v16;
	v47 =	vmul.f32 $2.000000030e-01, v45  }
0xcb: {  	(erf) = vpow2.f32 v18;
	v50 =	vmul.f32 $2.000000030e-01, v12;
	vm1 =	vge.f32 v45, $0.0e+00  }
0xcc: {  	(erf) = vpow2.f32 v16;
	v49 =	vsel vm1, v45, v47;
	vm1 =	vge.f32 v13, $0.0e+00  }
0xcd: {  	v13 =	vsel vm1, v13, v48;
	v51 =	vmul.f32 $1.442695020e+00, v49;
	vm1 =	vge.f32 v12, $0.0e+00  }
0xce: {  	(erf) = vpow2.f32 v46;
	v12 =	vsel vm1, v12, v50;
	v13 =	vmul.f32 $1.442695020e+00, v13  }
0xcf: {  	(erf) = vpow2.f32 v51;
	v12 =	vmul.f32 $1.442695020e+00, v12  }
0xd0: {  	(erf) = vpow2.f32 v13  }
0xd1: {  	v52 =	vpop (erf);
	(erf) = vpow2.f32 v12  }
0xd2: {  	v6 =	vmul.f32 v14, v6;
	v53 =	vpop (erf)  }
0xd3: {  	v55 =	vsel vm0, v19, v17;
	v2 =	vmul.f32 v52, v2;
	v54 =	vpop (erf)  }
0xd4: {  	v4 =	vmul.f32 v53, v4;
	[tilespmem:s11+$0xFFFFFFD0] =	vst v55;
	v6 =	vsel vm0, v6, v14;
	v56 =	vpop (erf);
	v3 =	vmul.f32 v54, v3  }
0xd5: {  	[tilespmem:s11+$0xFFFFFFE0] =	vst v6;
	v2 =	vsel vm0, v2, v52;
	v5 =	vmul.f32 v56, v5;
	v57 =	vpop (erf)  }
0xd6: {  	v4 =	vsel vm0, v4, v53;
	[tilespmem:s11+$0x0] =	vst v2;
	v58 =	vpop (erf)  }
0xd7: {  	s7 =	sadd.s32 $0x40, s7;
	[tilespmem:s11+$0xFFFFFFF0] =	vst v4;
	v2 =	vsel vm0, v5, v56;
	v59 =	vmul.f32 v58, v8;
	v60 =	vpop (erf)  }
0xd8: {  	v1 =	vmul.f32 v57, v1;
	[tilespmem:s7+$0xFFFFFFD0] =	vst v2;
	v2 =	vsel vm0, v3, v54;
	v3 =	vpop (erf)  }
0xd9: {  	[tilespmem:s7+$0xFFFFFFE0] =	vst v2;
	v2 =	vsel vm0, v59, v58;
	v61 =	vmul.f32 v3, v11;
	v62 =	vpop (erf)  }
0xda: {  	v1 =	vsel vm0, v1, v57;
	[tilespmem:s7+$0xFFFFFFF0] =	vst v2;
	v2 =	vmul.f32 v60, v7;
	v63 =	vpop (erf)  }
0xdb: {  	s8 =	sadd.s32 $0x40, s7;
	[tilespmem:s7+$0x0] =	vst v1;
	v1 =	vsel vm0, v61, v3;
	v3 =	vmul.f32 v63, v9  }
0xdc: {  	[tilespmem:s8+$0xFFFFFFD0] =	vst v1;
	v1 =	vsel vm0, v2, v60;
	v2 =	vmul.f32 v62, v10  }
0xdd: {  	[tilespmem:s8+$0xFFFFFFE0] =	vst v1;
	v1 =	vsel vm0, v3, v63  }
0xde: {  	s16 =	sadd.s32 $0x1, s16;
	[tilespmem:s8+$0xFFFFFFF0] =	vst v1;
	v1 =	vsel vm0, v2, v62  }
0xdf: {  	s12 =	sadd.s32 $0x180, s17;
	p0 =	sne.s32 s16, $0x29;
	[tilespmem:s8+$0x0] =	vst v1  }
0xe0: {  	[tilespmem:s23], [sflag:$0x2] =	stream.indirect.gather [hbm4b:s4+s20], $0x10, s12, s20, $0xb8;
	[tilespmem:$0xAC00] =	vst v63  }
.Ltmp2:
0xe1: {  	_ = 	snop;
	(pc) =	sbr.rel @p0 .LBB2_2-.Ltmp2, $4  }
0xe2: {  	s17 =	sadd.s32 $0x2B80, s17  }
0xe3: {  	[tilespmem:s25], [sflag:$0x4] =	stream.indirect.gather [hbm4b:s5+s20], $0x10, s17, s20, $0xb8;
	[tilespmem:$0xAC00] =	vst v63  }
0xe4: {  	s24 =	sadd.s32 $0x2A80, s24  }
0xe5: {  	[spmem:s2] =	stream.indirect.scatter.add.f32 [tilespmem:s19], [sflag:$0x6], $0x10, s24, s20, $0xb8;
	[tilespmem:$0xAC00] =	vst v63  }
0xe6: {  	_ =	swait.ge [sflag:s26], $0x800  }
0xe7: {  	[sflag:s26] =	ssyncset.done $0x0  }
0xe8: {  	[sflag:s26] =	ssyncadd.s32 $0xFFFFF800  }
0xe9: {  	_ =	swait.ge [sflag:s28], $0x800  }
0xea: {  	[sflag:s28] =	ssyncset.done $0x0  }
0xeb: {  	[sflag:s28] =	ssyncadd.s32 $0xFFFFF800  }
0xec: {  	_ =	swait.ge [sflag:s30], $0x800  }
0xed: {  	[sflag:s30] =	ssyncset.done $0x0  }
0xee: {  	[sflag:s30] =	ssyncadd.s32 $0xFFFFF800  }
0xef: {  	_ =	swait.ge [sflag:s31], $0x800  }
0xf0: {  	[sflag:s31] =	ssyncset.done $0x0  }
0xf1: {  	[sflag:s31] =	ssyncadd.s32 $0xFFFFF800  }
0xf2: {  	_ =	swait.ge [sflag:s29], $0x800  }
0xf3: {  	[sflag:s29] =	ssyncset.done $0x0  }
0xf4: {  	[sflag:s29] =	ssyncadd.s32 $0xFFFFF800  }
0xf5: {  	_ =	swait.ge [sflag:s0], $0x800  }
0xf6: {  	[sflag:s0] =	ssyncset.done $0x0  }
0xf7: {  	[sflag:s0] =	ssyncadd.s32 $0xFFFFF800  }
0xf8: {  	[bflag:$0x0] =	sbarrier.arrive $0xFFFF  }
0xf9: {  	s7 =	rddreg [dreg:$0x5]  }
0xfa: {  	[hbm:s7], [sflag:s15] =	dma.local [spmem:s13], $0x500  }
0xfb: {  	_ =	swait.ge [sflag:s14], $0x500  }
0xfc: {  	s1 =	sadd.s32 $0x1, s1;
	s24 =	rddreg [dreg:$0x6]  }
0xfd: {  	p0 =	sne.s32 s1, s24  }
.Ltmp3:
0xfe: {  	_ = 	snop;
	(pc) =	sbr.rel @p0 .LBB2_1-.Ltmp3, $3  }
0xff: {  	_ =	sdelay $0x1  }
0x100: {  	[sflag:s14] =	ssyncset.done $0x0  }
0x101: {  	s9 =	smov.u32 s15;
	[sflag:s14] =	ssyncadd.s32 $0xFFFFFB00  }
0x102: {  	_ =	sfence.sel $0x180000  }
0x103: {  	[bflag:$0x0] =	sbarrier.arrive $0xFFFF  }
0x104: {  	_ =	strace $0x9000004A  }
0x105: {  	s0 =	stileid.u32;
	[bflag:$0x2] =	sbarrier.arrive $0xFFFF  }
0x106: {  	p0 =	sne.s32 s0, $0x0;
	s0 =	rddreg [dreg:$0x2]  }
0x107: {  	s0 =	sadd.s32 @!p0 $0x100000, s0  }
0x108: {  	[sflag:s0] =	ssyncadd.tile.s32 @!p0 $0x1;
	_ =	shalt  }
.Lfunc_end2:
_tile_overlayer_lowered:
.L_overlay_start_2:
0x109: {  	(tag) =	ssettag $0x2  }
0x10a: {  	s0 =	rddreg [dreg:$0x0];
	s2 =	stileid.u32  }
0x10b: {  	s1 =	rddreg [dreg:$0x1];
	p0 =	sne.s32 s2, $0x0  }
0x10c: {  	s3 =	rddreg [dreg:$0x2];
	[bflag:$0x3] =	sbarrier.arrive $0xFFFF;
	s2 =	simm.s32 @!p0 $0x1C07  }
0x10d: {  	[timem:s3], [sflag:s2] =	dma.local @!p0 [hbm:s0], s1  }
0x10e: {  	s0 =	simm.s32 @!p0 $0x7  }
0x10f: {  	_ =	swait.ge @!p0 [sflag:s0], s1  }
0x110: {  	s1 =	ssub.s32 @!p0 $0x0, s1;
	[sflag:s0] =	ssyncset.done @!p0 $0x0  }
0x111: {  	[sflag:s0] =	ssyncadd.s32 @!p0 s1  }
0x112: {  	[bflag:$0x3] =	sbarrier.arrive $0xFFFF  }
0x113: {  	_ =	shalt  }

// kernel: kernel.7.cloned.1.call-start
scs
__scs_entry_jumppad:
0x0: {  	(pc) =	sbr.rel $0x88, $3  }
0x1: {  	(tag) =	ssettag $0x0;
	lr =	simm.s32 $0x1  }
0x2: {  	[smem:$0x3F97] =	sst lr;
	_ =	strace $0xD0000000  }
0x3: {  	_ = 	snop  }
0x4: {  	_ = 	snop  }
0x5: {  	_ = 	snop  }
0x6: {  	_ = 	snop  }
0x7: {  	_ = 	snop  }
__scs_overlays_trampoline_lowered:
0x8: {  	[smem:$0x3FA6] =	sst s0  }
0x9: {  	[smem:$0x3FA7] =	sst s1  }
0xa: {  	[smem:$0x3FA8] =	sst s2  }
0xb: {  	[smem:$0x3FA9] =	sst s3  }
0xc: {  	[smem:$0x3FAA] =	sst s4  }
0xd: {  	[smem:$0x3FAB] =	sst s5  }
0xe: {  	[smem:$0x3FAC] =	sst s6  }
0xf: {  	[smem:$0x3FAD] =	sst s7  }
0x10: {  	[smem:$0x3FAE] =	sst s8  }
0x11: {  	[smem:$0x3FAF] =	sst s9;
	s0 =	simm.s32 @!p0 $0x0  }
0x12: {  	s1 =	sld [smem:$0x3F95];
	s0 =	simm.s32 @p0 $0x1  }
0x13: {  	[smem:$0x3FB0] =	sst s0;
	s0 =	simm.s32 @!p1 $0x0  }
0x14: {  	s2 =	sld [smem:$0x3F94];
	s0 =	simm.s32 @p1 $0x1  }
0x15: {  	[smem:$0x3FB1] =	sst s0;
	s0 =	simm.s32 @!p2 $0x0  }
0x16: {  	s3 =	sld [smem:$0x3FDB];
	s0 =	simm.s32 @p2 $0x1  }
0x17: {  	s4 =	simm.s32 $0x1BF5;
	[smem:$0x3FB3] =	sst s0  }
0x18: {  	s0 =	sld [smem:$0x3F96];
	_ =	swait.ge [sflag:s4], $0x0  }
0x19: {  	s7 =	sld [smem:$0x3F97]  }
0x1a: {  	s8 =	sadd.s32 $0xFFFFE003, lr  }
0x1b: {  	s9 =	sadd.s32 $0xFFFFFEF7, lr;
	s5 =	simm.s32 $0xFFFFFFFF;
	p2 =	slt.u32 s8, $0xFFFFF086  }
0x1c: {  	p1 =	slt.u32 s9, $0xF7A;
	s5 =	simm.s32 @!p2 $0x0  }
0x1d: {  	s5 =	simm.s32 @p1 $0x1;
	p0 =	seq.s32 s7, s2  }
0x1e: {  	s7 =	smul.u32 @!p0 $0xF7A, s2;
	p2 =	seq.s32 @!p0 s5, $0x0  }
0x1f: {  	s9 =	smul.u32 $0xF7A, s1;
	s8 =	simm.s32 @!p0 $0x1BF5;
	p2 =	por !p2, p0  }
0x20: {  	[sflag:s8] =	ssyncset.s32 @!p0 $0xFFFFF086;
	s6 =	sadd.s32 @!p0 s3, s7;
	s7 =	simm.s32 @!p0 $0x108  }
0x21: {  	s3 =	sadd.s32 s3, s9;
	s6 =	sadd.s32 @!p0 $0x88, s6;
	s7 =	simm.s32 @p2 $0x1082  }
0x22: {  	[simem:s7], [sflag:s8] =	dma.local @!p0 [hbm:s6], $0xF7A  }
0x23: {  	s9 =	sor.u32 $0xD0000000, s2;
	s6 =	simm.s32 $0x108;
	_ =	swait.ge @!p0 [sflag:s8], $0x0  }
0x24: {  	s3 =	sadd.s32 $0x88, s3;
	s6 =	simm.s32 @!p1 $0x1082;
	[sflag:s4] =	ssyncset.s32 $0xFFFFF086  }
0x25: {  	[simem:s6], [sflag:s4] =	dma.local [hbm:s3], $0xF7A  }
0x26: {  	[smem:$0x3F97] =	sst s1;
	(tag) =	ssettag s2;
	_ =	strace s9  }
0x27: {  	s1 =	sld [smem:$0x3FA7]  }
0x28: {  	s2 =	sld [smem:$0x3FA8]  }
0x29: {  	s4 =	sld [smem:$0x3FAA]  }
0x2a: {  	p0 =	seq.s32 s5, $0x0;
	s5 =	sld [smem:$0x3FAB]  }
0x2b: {  	s6 =	sld [smem:$0x3FAC]  }
0x2c: {  	s7 =	sld [smem:$0x3FAD]  }
0x2d: {  	s3 =	simm.s32 $0x108;
	s8 =	sld [smem:$0x3FAE]  }
0x2e: {  	s3 =	simm.s32 @!p0 $0x1082;
	s9 =	sld [smem:$0x3FAF]  }
0x2f: {  	lr =	sadd.s32 s0, s3;
	s0 =	sld [smem:$0x3FA6]  }
0x30: {  	s3 =	sld [smem:$0x3FA9]  }
0x31: {  	[smem:$0x3FB2] =	sst s10  }
0x32: {  	s10 =	sld [smem:$0x3FB0];
	_ =	sdelay $0x3  }
0x33: {  	p0 =	seq.s32 s10, $0x1;
	s10 =	sld [smem:$0x3FB2];
	_ =	sdelay $0x3  }
0x34: {  	[smem:$0x3FB2] =	sst s10  }
0x35: {  	s10 =	sld [smem:$0x3FB1];
	_ =	sdelay $0x3  }
0x36: {  	p1 =	seq.s32 s10, $0x1;
	s10 =	sld [smem:$0x3FB2];
	_ =	sdelay $0x3  }
0x37: {  	[smem:$0x3FB2] =	sst s10  }
0x38: {  	s10 =	sld [smem:$0x3FB3]  }
0x39: {  	_ = 	snop;
	(pc) =	sbr.ind lr, $3  }
0x3a: {  	_ = 	snop  }
0x3b: {  	_ = 	snop  }
0x3c: {  	p2 =	seq.s32 s10, $0x1;
	s10 =	sld [smem:$0x3FB2]  }
0x3d: {  	_ =	shalt  }
0x3e: {  	_ =	shalt  }
0x3f: {  	_ =	shalt  }
0x40: {  	_ =	shalt  }
0x41: {  	_ =	shalt  }
0x42: {  	_ =	shalt  }
0x43: {  	_ =	shalt  }
0x44: {  	_ =	shalt  }
0x45: {  	_ =	shalt  }
0x46: {  	_ =	shalt  }
0x47: {  	_ =	shalt  }
0x48: {  	_ =	shalt  }
0x49: {  	_ =	shalt  }
0x4a: {  	_ =	shalt  }
0x4b: {  	_ =	shalt  }
0x4c: {  	_ =	shalt  }
0x4d: {  	_ =	shalt  }
0x4e: {  	_ =	shalt  }
0x4f: {  	_ =	shalt  }
0x50: {  	_ =	shalt  }
0x51: {  	_ =	shalt  }
0x52: {  	_ =	shalt  }
0x53: {  	_ =	shalt  }
0x54: {  	_ =	shalt  }
0x55: {  	_ =	shalt  }
0x56: {  	_ =	shalt  }
0x57: {  	_ =	shalt  }
0x58: {  	_ =	shalt  }
0x59: {  	_ =	shalt  }
0x5a: {  	_ =	shalt  }
0x5b: {  	_ =	shalt  }
0x5c: {  	_ =	shalt  }
0x5d: {  	_ =	shalt  }
0x5e: {  	_ =	shalt  }
0x5f: {  	_ =	shalt  }
0x60: {  	_ =	shalt  }
0x61: {  	_ =	shalt  }
0x62: {  	_ =	shalt  }
0x63: {  	_ =	shalt  }
0x64: {  	_ =	shalt  }
0x65: {  	_ =	shalt  }
0x66: {  	_ =	shalt  }
0x67: {  	_ =	shalt  }
0x68: {  	_ =	shalt  }
0x69: {  	_ =	shalt  }
0x6a: {  	_ =	shalt  }
0x6b: {  	_ =	shalt  }
0x6c: {  	_ =	shalt  }
0x6d: {  	_ =	shalt  }
0x6e: {  	_ =	shalt  }
0x6f: {  	_ =	shalt  }
0x70: {  	_ =	shalt  }
0x71: {  	_ =	shalt  }
0x72: {  	_ =	shalt  }
0x73: {  	_ =	shalt  }
0x74: {  	_ =	shalt  }
0x75: {  	_ =	shalt  }
0x76: {  	_ =	shalt  }
0x77: {  	_ =	shalt  }
0x78: {  	_ =	shalt  }
0x79: {  	_ =	shalt  }
0x7a: {  	_ =	shalt  }
0x7b: {  	_ =	shalt  }
0x7c: {  	_ =	shalt  }
0x7d: {  	_ =	shalt  }
0x7e: {  	_ =	shalt  }
0x7f: {  	_ =	shalt  }
0x80: {  	_ =	shalt  }
0x81: {  	_ =	shalt  }
0x82: {  	_ =	shalt  }
0x83: {  	_ =	shalt  }
0x84: {  	_ =	shalt  }
0x85: {  	_ =	shalt  }
0x86: {  	_ =	shalt  }
0x87: {  	_ =	shalt  }
.Lfunc_end0:
.L_simem_size_0:
called_computation_lowered:
.L_overlay_start_0:
0x88: {  	s2 =	sld [smem:$0x3FD9]  }
0x89: {  	s3 =	sld [smem:$0x3FFE];
	_ =	sdelay $0x1  }
0x8a: {  	s1 =	srdreg.scid  }
0x8b: {  	s0 =	sand.u32 $0x1, s1  }
0x8c: {  	s16 =	sshll.u32 s0, $0xA;
	s2 =	sadd.s32 s3, s2  }
0x8d: {  	s2 =	sadd.s32 s2, s16  }
0x8e: {  	[smem:$0x3FBE] =	sst s2  }
0x8f: {  	_ = 	snop  }
0x90: {  	(tm) =	ssettm $0x1  }
0x91: {  	s17 =	sld [smem:$0x3FFB];
	_ =	sdelay $0x3  }
0x92: {  	_ =	strace s17  }
0x93: {  	s2 =	sld [smem:$0x3FFC];
	_ =	sdelay $0x3  }
0x94: {  	_ =	strace s2  }
0x95: {  	s2 =	sld [smem:$0x3FFD];
	_ =	sdelay $0x3  }
0x96: {  	_ =	strace s2  }
0x97: {  	_ =	strace $0x8FFFFFFF  }
0x98: {  	s18 =	sld [smem:$0x3FDB];
	_ =	sdelay $0x1  }
0x99: {  	s19 =	simm.s32 $_scs_section_size  }
0x9a: {  	s4 =	simm.s32 $_size__tile_overlayer_lowered;
	s5 =	simm.s32 $_tile_overlayer_lowered  }
0x9b: {  	s22 =	simm.s32 $0x1BFF;
	s21 =	sshll.u32 s5, $0x1;
	s2 =	sadd.s32 s19, s18  }
0x9c: {  	s6 =	simm.s32 $0x0;
	s20 =	sshll.u32 s4, $0x1;
	s4 =	sadd.s32 s21, s2  }
0x9d: {  	[timem:s6], [sflag:s22] =	dma.local [hbm:s4], s20  }
0x9e: {  	_ =	swait.ge [sflag:s22], s20  }
0x9f: {  	s3 =	ssub.s32 $0x0, s20;
	[sflag:s22] =	ssyncset.done $0x0  }
0xa0: {  	[sflag:s22] =	ssyncadd.s32 s3;
	_ =	sdelay $0x1  }
0xa1: {  	s23 =	simm.s32 $0x1B8B  }
0xa2: {  	_ =	swait.ge [sflag:s23], $0x1  }
0xa3: {  	[sflag:s23] =	ssyncset.done $0x0  }
0xa4: {  	s25 =	simm.s32 $0x1B8E;
	s24 =	sld [smem:$0x3FFE];
	[sflag:s23] =	ssyncadd.s32 $0xFFFFFFFF  }
0xa5: {  	s26 =	simm.s32 $execute0_lowered;
	[smem:$0x3FD2] =	sst s25  }
0xa6: {  	s4 =	sshll.u32 s26, $0x1;
	_ =	strace $0x80000046;
	[dreg:$0x1] =	wrdreg $0xFFFFFFFF  }
0xa7: {  	s28 =	simm.s32 $_size_execute0_lowered;
	s2 =	sadd.s32 s2, s4;
	[dreg:$0x0] =	wrdreg $0x0  }
0xa8: {  	s4 =	sshll.u32 s28, $0x1;
	[dreg:$0x2] =	wrdreg s2  }
0xa9: {  	[dreg:$0x3] =	wrdreg s4  }
0xaa: {  	[dreg:$0x4] =	wrdreg $0xC0  }
0xab: {  	_ =	task [dreg:s6], $0x5FFFF  }
0xac: {  	[dreg:$0x1] =	wrdreg $0xFFFFFFFF  }
0xad: {  	[dreg:$0x0] =	wrdreg $0x60  }
0xae: {  	[dreg:$0x2] =	wrdreg s24  }
0xaf: {  	[dreg:$0x3] =	wrdreg $0x104000  }
0xb0: {  	[dreg:$0x4] =	wrdreg $0x9  }
0xb1: {  	_ =	task.clear_ibuf [dreg:s6], $0x5FFFF;
	_ =	strace $0x90000046  }
0xb2: {  	s29 =	simm.s32 $0x9;
	_ =	strace $0x80000048  }
0xb3: {  	_ =	swait.ge [sflag:s29], $0x1  }
0xb4: {  	[sflag:s29] =	ssyncadd.s32 $0xFFFFFFFF  }
0xb5: {  	_ =	strace $0x90000048  }
0xb6: {  	_ =	sfence  }
0xb7: {  	s30 =	sld [smem:$0x0];
	_ =	sdelay $0x2  }
0xb8: {  	s31 =	sshll.u32 s1, $0xD;
	s1 =	sshrl.u32 s1, $0x2  }
0xb9: {  	s3 =	sand.u32 $0x4000, s31;
	s1 =	sadd.s32 s1, s30  }
0xba: {  	s0 =	sor.u32 s3, s0;
	s1 =	sshll.u32 s1, $0x11  }
0xbb: {  	s0 =	sor.u32 s1, s0  }
0xbc: {  	s0 =	sadd.s32 $0x8F2B, s0  }
0xbd: {  	[sflag:s0] =	ssyncadd.remote.s32 $0x1  }
0xbe: {  	_ =	sfence.sel $0xFFFF  }
0xbf: {  	[dreg:$0x0] =	wrdreg $0xFFFFFFFF;
	(pc) =	sbr.abs _section_cstart, $3  }
0xc0: {  	[dreg:$0x1] =	wrdreg $0xFFFFFFFF  }
0xc1: {  	_ =	task.clear_ibuf [dreg:s6], $0x2FFFF;
	_ =	strace $0x9FFFFFFF  }
0xc2: {  	(tm) =	ssettm $0x7FFFFFFF  }
0xc3: {  	_ =	shalt  }
tec
execute0_lowered:
.L_overlay_start_1:
0x0: {  	(tag) =	ssettag $0x1  }
0x1: {  	s0 =	rddreg [dreg:$0x0]  }
0x2: {  	s2 =	rddreg [dreg:$0x1]  }
0x3: {  	s4 =	simm.s32 $0x0;
	s1 =	srdreg.scid;
	s8 =	stileid.u32  }
0x4: {  	s14 =	simm.s32 $0x7;
	s18 =	simm.s32 $0xB400;
	s19 =	simm.s32 $0xDC00  }
0x5: {  	s20 =	simm.s32 $0x80;
	s21 =	simm.s32 $0x5400;
	s22 =	simm.s32 $0xA400  }
0x6: {  	s28 =	simm.s32 $0x3;
	s29 =	simm.s32 $0x5;
	s30 =	simm.s32 $0x2  }
0x7: {  	s31 =	simm.s32 $0x4;
	s1 =	sand.u32 $0x1, s1;
	s3 =	sshll.u32 s8, $0x1  }
0x8: {  	s6 =	smul.u32 $0xC800, s8;
	[smem:$0x7FF] =	sst s4;
	s4 =	sadd.s32 $0x15C00, s0  }
0x9: {  	s5 =	sadd.s32 $0x2EC00, s0;
	s9 =	sadd.s32 $0x33C00, s0;
	s3 =	sor.u32 s1, s3  }
0xa: {  	s7 =	smul.u32 $0xC8000, s1;
	_ =	strace $0x80000047;
	s1 =	ssub.s32 $0x2, s1  }
0xb: {  	[dreg:$0x3] =	wrdreg s9;
	s3 =	smul.u32 $0x520, s3;
	s23 =	sshrl.u32 s1, $0x1  }
0xc: {  	s24 =	sshrl.u32 s6, $0x3;
	s7 =	sadd.s32 s6, s7;
	s1 =	ssub.s32 s1, s23  }
0xd: {  	s6 =	sadd.s32 s6, s2;
	s3 =	sadd.s32 s3, s0;
	s26 =	smax.u32 s1, $0x1  }
0xe: {  	s7 =	sshrl.u32 s7, $0x3;
	s6 =	sshrl.u32 s6, $0x3;
	[dreg:$0x9] =	wrdreg s26  }
0xf: {  	s0 =	sadd.s32 s7, s0;
	s7 =	sadd.s32 s9, s24;
	[dreg:$0xa] =	wrdreg s6  }
0x10: {  	s8 =	sshll.u32 s8, $0x6;
	s25 =	sadd.s32 $0xB800, s3;
	[dreg:$0x4] =	wrdreg s7  }
0x11: {  	s23 =	simm.s32 $0x7C00;
	s3 =	sadd.s32 $0x1400, s3;
	[dreg:$0x6] =	wrdreg s25  }
0x12: {  	v0 =	vlaneseq.u32;
	s1 =	simm.s32 $0x0;
	[dreg:$0x7] =	wrdreg s3;
	s0 =	sadd.s32 $0x4CC00, s0  }
0x13: {  	v0 =	vshrl.u32 v0, $0x3;
	s26 =	simm.s32 $0x1;
	s7 =	sor.u32 $0x1C07, s8;
	[dreg:$0x8] =	wrdreg s0  }
0x14: {  	v1 =	vor.u32 $0x2, v0;
	v2 =	vor.u32 $0x4, v0;
	v3 =	vor.u32 $0x6, v0;
	s25 =	simm.s32 $0xAC00;
	s0 =	simm.s32 $0x6;
	[dreg:$0x5] =	wrdreg s7  }
.LBB2_1:
0x15: {  	s3 =	rddreg [dreg:$0x4]  }
0x16: {  	[spmem:s6], [sflag:s7] =	dma.local [hbm:s3], $0x1900  }
0x17: {  	_ =	swait.ge [sflag:s14], $0x1900  }
0x18: {  	[sflag:s14] =	ssyncset.done $0x0  }
0x19: {  	s12 =	simm.s32 $0x0;
	s13 =	rddreg [dreg:$0x6];
	[sflag:s14] =	ssyncadd.s32 $0xFFFFE700  }
0x1a: {  	[tilespmem:s12], [sflag:$0x7] =	stream.linear.gather [hbm4b:s13+s12], $0x2900, $0x38;
	[tilespmem:$0x1CC00] =	vst v63  }
0x1b: {  	_ =	swait.ge [sflag:s14], $0x2900  }
0x1c: {  	[sflag:s14] =	ssyncset.done $0x0  }
0x1d: {  	s8 =	simm.s32 $0x2A00;
	s15 =	rddreg [dreg:$0x7];
	[sflag:s14] =	ssyncadd.s32 $0xFFFFD700  }
0x1e: {  	[tilespmem:s8], [sflag:$0x7] =	stream.linear.gather [hbm4b:s15+s12], $0x2900, $0x38;
	[tilespmem:$0x1CC00] =	vst v63  }
0x1f: {  	_ =	swait.ge [sflag:s14], $0x2900  }
0x20: {  	[sflag:s14] =	ssyncset.done $0x0  }
0x21: {  	s9 =	simm.s32 $0x2900;
	[sflag:s14] =	ssyncadd.s32 $0xFFFFD700  }
0x22: {  	[tilespmem:s9], [sflag:$0x7] =	stream.linear.gather [hbm4b:s13+s12], $0x100, $0x38;
	[tilespmem:$0x1CC00] =	vst v63  }
0x23: {  	_ =	swait.ge [sflag:s14], $0x100  }
0x24: {  	[sflag:s14] =	ssyncset.done $0x0  }
0x25: {  	s16 =	simm.s32 $0x5300;
	[sflag:s14] =	ssyncadd.s32 $0xFFFFFF00  }
0x26: {  	[tilespmem:s16], [sflag:$0x7] =	stream.linear.gather [hbm4b:s15+s12], $0x100, $0x38;
	[tilespmem:$0x1CC00] =	vst v63  }
0x27: {  	_ =	swait.ge [sflag:s14], $0x100  }
0x28: {  	[sflag:s14] =	ssyncset.done $0x0  }
0x29: {  	s17 =	rddreg [dreg:$0x3];
	[sflag:s14] =	ssyncadd.s32 $0xFFFFFF00  }
0x2a: {  	[tilespmem:s18], [sflag:$0x7] =	stream.linear.gather [hbm4b:s17+s12], $0x2800, $0x38;
	[tilespmem:$0x1CC00] =	vst v63  }
0x2b: {  	_ =	swait.ge [sflag:s14], $0x2800  }
0x2c: {  	[sflag:s14] =	ssyncset.done $0x0  }
0x2d: {  	[sflag:s14] =	ssyncadd.s32 $0xFFFFD800  }
0x2e: {  	[tilespmem:s19], [sflag:$0x7] =	stream.linear.gather [hbm4b:s17+s12], $0x2800, $0x38;
	[tilespmem:$0x1CC00] =	vst v63  }
0x2f: {  	_ =	swait.ge [sflag:s14], $0x2800  }
0x30: {  	[sflag:s14] =	ssyncset.done $0x0  }
0x31: {  	[sflag:s14] =	ssyncadd.s32 $0xFFFFD800  }
0x32: {  	[bflag:$0x0] =	sbarrier.arrive $0xFFFF  }
0x33: {  	[tilespmem:s21], [sflag:$0x1] =	stream.indirect.gather [hbm4b:s4+s20], $0x50, s12, s20, $0xb8;
	[tilespmem:$0x1CC00] =	vst v63  }
0x34: {  	_ = 	snop  }
0x35: {  	[tilespmem:s22], [sflag:$0x3] =	stream.indirect.gather [hbm4b:s5+s20], $0x10, s8, s20, $0xb8;
	[tilespmem:$0x1CC00] =	vst v63  }
0x36: {  	_ = 	snop  }
0x37: {  	[tilespmem:s23], [sflag:$0x2] =	stream.indirect.gather [hbm4b:s4+s20], $0x50, s20, s20, $0xb8;
	[tilespmem:$0x1CC00] =	vst v63  }
0x38: {  	s24 =	simm.s32 $0x2A80  }
0x39: {  	[tilespmem:s25], [sflag:$0x4] =	stream.indirect.gather [hbm4b:s5+s20], $0x10, s24, s20, $0xb8;
	[tilespmem:$0x1CC00] =	vst v63  }
0x3a: {  	_ = 	snop  }
0x3b: {  	[spmem:s2] =	stream.indirect.scatter.add.f32 [tilespmem:s18], [sflag:$0x5], $0x50, s8, s20, $0xb8;
	[tilespmem:$0x1CC00] =	vst v63  }
0x3c: {  	s16 =	simm.s32 $0x0  }
0x3d: {  	[spmem:s2] =	stream.indirect.scatter.add.f32 [tilespmem:s19], [sflag:$0x6], $0x50, s8, s20, $0xb8;
	[tilespmem:$0x1CC00] =	vst v63  }
.LBB2_2:
0x3e: {  	_ =	swait.ge [sflag:s26], $0x2800  }
0x3f: {  	[sflag:s26] =	ssyncset.done $0x0  }
0x40: {  	[sflag:s26] =	ssyncadd.s32 $0xFFFFD800  }
0x41: {  	_ =	swait.ge [sflag:s28], $0x800  }
0x42: {  	[sflag:s28] =	ssyncset.done $0x0  }
0x43: {  	[sflag:s28] =	ssyncadd.s32 $0xFFFFF800  }
0x44: {  	_ =	swait.ge [sflag:s29], $0x2800  }
0x45: {  	[sflag:s29] =	ssyncset.done $0x0  }
0x46: {  	s8 =	simm.s32 $0x54A0;
	[sflag:s29] =	ssyncadd.s32 $0xFFFFD800  }
0x47: {  	s3 =	simm.s32 $0xA420;
	v4 =	vld [tilespmem:s8+$0x90]  }
0x48: {  	v5 =	vld [tilespmem:s3+$0x10];
	_ =	sdelay $0x4  }
0x49: {  	v4 =	vadd.f32 v5, v4;
	_ =	sdelay $0x1  }
0x4a: {  	v7 =	vld [tilespmem:s8+$0xFFFFFFF0];
	v6 =	vmul.f32 $2.000000030e-01, v4  }
0x4b: {  	v8 =	vld [tilespmem:s3+$0xFFFFFFF0];
	vm0 =	vge.f32 v4, $0.0e+00  }
0x4c: {  	v5 =	vld [tilespmem:s3+$0xFFFFFFE0];
	v4 =	vsel vm0, v4, v6  }
0x4d: {  	v6 =	vld [tilespmem:s8+$0xFFFFFFA0];
	v4 =	vmul.f32 $1.442695020e+00, v4  }
0x4e: {  	v9 =	vld [tilespmem:s8+$0x40]  }
0x4f: {  	v10 =	vld [tilespmem:s3+$0x0];
	(erf) = vpow2.f32 v4;
	_ =	sdelay $0x1  }
0x50: {  	v4 =	vadd.f32 v8, v7  }
0x51: {  	v5 =	vadd.f32 v5, v6  }
0x52: {  	v6 =	vmul.f32 $2.000000030e-01, v4  }
0x53: {  	v7 =	vadd.f32 v10, v9;
	vm15 =	vge.f32 v4, $0.0e+00;
	v8 =	vmul.f32 $2.000000030e-01, v5  }
0x54: {  	vm1 =	vge.f32 v5, $0.0e+00;
	v4 =	vsel vm15, v4, v6  }
0x55: {  	v6 =	vmul.f32 $2.000000030e-01, v7;
	v4 =	vmul.f32 $1.442695020e+00, v4;
	v5 =	vsel vm1, v5, v8  }
0x56: {  	s17 =	simm.s32 $0x55E0;
	vm4 =	vge.f32 v7, $0.0e+00;
	v5 =	vmul.f32 $1.442695020e+00, v5  }
0x57: {  	s7 =	simm.s32 $0xB4A0;
	s15 =	simm.s32 $0xA460;
	v6 =	vsel vm4, v7, v6;
	(erf) = vpow2.f32 v4;
	v4 =	vld [tilespmem:s17+$0x90];
	v7 =	vpop (erf)  }
0x58: {  	(erf) = vpow2.f32 v5;
	v5 =	vld [tilespmem:s15+$0x10];
	[tilespmem:s7+$0x90] =	vst v7  }
0x59: {  	v6 =	vmul.f32 $1.442695020e+00, v6;
	v8 =	vld [tilespmem:s8+$0x50];
	_ =	sdelay $0x1  }
0x5a: {  	(erf) = vpow2.f32 v6  }
0x5b: {  	v11 =	vld [tilespmem:s15+$0xFFFFFFF0];
	v10 =	vperm.xlane v7, v0  }
0x5c: {  	v12 =	vld [tilespmem:s17+$0x40]  }
0x5d: {  	v9 =	vld [tilespmem:s17+$0xFFFFFFF0];
	v4 =	vadd.f32 v5, v4;
	v8 =	vmul.f32 v8, v10  }
0x5e: {  	v13 =	vld [tilespmem:s17+$0xFFFFFFA0]  }
0x5f: {  	v6 =	vld [tilespmem:s15+$0xFFFFFFE0];
	[tilespmem:s7+$0x50] =	vst v8;
	v8 =	vmul.f32 $2.000000030e-01, v4  }
0x60: {  	v5 =	vld [tilespmem:s15+$0x0];
	v10 =	vpop (erf);
	vm5 =	vge.f32 v4, $0.0e+00  }
0x61: {  	[tilespmem:s7+$0xFFFFFFF0] =	vst v10;
	v15 =	vld [tilespmem:s8+$0x60];
	v4 =	vsel vm5, v4, v8  }
0x62: {  	v9 =	vadd.f32 v11, v9;
	v14 =	vpop (erf);
	v11 =	vld [tilespmem:s8+$0xFFFFFFB0];
	v4 =	vmul.f32 $1.442695020e+00, v4  }
0x63: {  	v19 =	vperm.xlane v7, v1;
	v21 =	vperm.xlane v10, v2;
	[tilespmem:s7+$0xFFFFFFA0] =	vst v14;
	v16 =	vpop (erf)  }
0x64: {  	v6 =	vadd.f32 v6, v13;
	v18 =	vperm.xlane v14, v0;
	v17 =	vld [tilespmem:s8+$0xFFFFFF60];
	[tilespmem:s7+$0x40] =	vst v16;
	(erf) = vpow2.f32 v4  }
0x65: {  	v5 =	vadd.f32 v5, v12;
	v8 =	vperm.xlane v10, v0;
	v20 =	vperm.xlane v16, v0;
	v12 =	vld [tilespmem:s8+$0x0]  }
0x66: {  	vm6 =	vge.f32 v9, $0.0e+00;
	v4 =	vmul.f32 $2.000000030e-01, v9;
	v13 =	vmul.f32 v15, v19  }
0x67: {  	s24 =	simm.s32 $0xA4A0;
	vm2 =	vge.f32 v6, $0.0e+00;
	v8 =	vmul.f32 v11, v8;
	v15 =	vmul.f32 $2.000000030e-01, v5  }
0x68: {  	v24 =	vld [tilespmem:s24+$0xFFFFFFF0];
	v23 =	vperm.xlane v16, v2;
	vm7 =	vge.f32 v5, $0.0e+00;
	v19 =	vmul.f32 $2.000000030e-01, v6;
	[tilespmem:s7+$0x60] =	vst v13  }
0x69: {  	v17 =	vmul.f32 v17, v18;
	v4 =	vsel vm6, v9, v4;
	[tilespmem:s7+$0xFFFFFFB0] =	vst v8;
	v5 =	vsel vm7, v5, v15;
	v9 =	vld [tilespmem:s8+$0x70]  }
0x6a: {  	s12 =	simm.s32 $0x5720;
	v6 =	vsel vm2, v6, v19;
	v4 =	vmul.f32 $1.442695020e+00, v4;
	v11 =	vmul.f32 v12, v20;
	v8 =	vld [tilespmem:s8+$0xFFFFFFC0]  }
0x6b: {  	v13 =	vld [tilespmem:s12+$0x90];
	[tilespmem:s7+$0xFFFFFF60] =	vst v17;
	v5 =	vmul.f32 $1.442695020e+00, v5;
	v6 =	vmul.f32 $1.442695020e+00, v6  }
0x6c: {  	v12 =	vld [tilespmem:s8+$0xFFFFFF70];
	(erf) = vpow2.f32 v4;
	[tilespmem:s7+$0x0] =	vst v11;
	v4 =	vperm.xlane v7, v2  }
0x6d: {  	s11 =	simm.s32 $0xB5E0;
	v18 =	vperm.xlane v16, v1;
	(erf) = vpow2.f32 v6;
	v11 =	vld [tilespmem:s8+$0x10];
	v15 =	vpop (erf)  }
0x6e: {  	(erf) = vpow2.f32 v5;
	v4 =	vmul.f32 v9, v4;
	v9 =	vld [tilespmem:s24+$0x10];
	[tilespmem:s11+$0x90] =	vst v15  }
0x6f: {  	v20 =	vperm.xlane v14, v2;
	v5 =	vperm.xlane v14, v1;
	v19 =	vld [tilespmem:s17+$0x50]  }
0x70: {  	v28 =	vld [tilespmem:s12+$0xFFFFFFA0];
	v17 =	vperm.xlane v10, v1;
	v6 =	vperm.xlane v14, v3  }
0x71: {  	v14 =	vld [tilespmem:s24+$0xFFFFFFE0];
	v12 =	vmul.f32 v12, v5;
	v5 =	vperm.xlane v10, v3  }
0x72: {  	v10 =	vld [tilespmem:s12+$0xFFFFFFF0];
	[tilespmem:s7+$0x70] =	vst v4;
	v4 =	vperm.xlane v16, v3;
	v16 =	vperm.xlane v15, v0  }
0x73: {  	v8 =	vmul.f32 v8, v17;
	v11 =	vmul.f32 v11, v18;
	v18 =	vld [tilespmem:s12+$0x40]  }
0x74: {  	v22 =	vld [tilespmem:s8+$0x80];
	[tilespmem:s7+$0xFFFFFF70] =	vst v12;
	v9 =	vadd.f32 v9, v13;
	v16 =	vmul.f32 v19, v16  }
0x75: {  	v7 =	vperm.xlane v7, v3;
	[tilespmem:s7+$0xFFFFFFC0] =	vst v8;
	v8 =	vld [tilespmem:s8+$0xFFFFFF80];
	v17 =	vpop (erf)  }
0x76: {  	v14 =	vadd.f32 v14, v28;
	v28 =	vperm.xlane v15, v1;
	v26 =	vpop (erf);
	v19 =	vld [tilespmem:s24+$0x0];
	[tilespmem:s11+$0x50] =	vst v16;
	v16 =	vmul.f32 $2.000000030e-01, v9  }
0x77: {  	v25 =	vperm.xlane v17, v0;
	v30 =	vperm.xlane v17, v1;
	v27 =	vpop (erf);
	[tilespmem:s11+$0xFFFFFFA0] =	vst v26;
	vm8 =	vge.f32 v9, $0.0e+00  }
0x78: {  	v13 =	vperm.xlane v26, v0;
	v29 =	vperm.xlane v27, v0;
	v31 =	vld [tilespmem:s17+$0xFFFFFF60];
	v9 =	vsel vm8, v9, v16  }
0x79: {  	v22 =	vmul.f32 v22, v7;
	v7 =	vadd.f32 v24, v10;
	[tilespmem:s11+$0x40] =	vst v27;
	v10 =	vld [tilespmem:s17+$0x60];
	v9 =	vmul.f32 $1.442695020e+00, v9  }
0x7a: {  	s15 =	simm.s32 $0x5860;
	[tilespmem:s11+$0xFFFFFFF0] =	vst v17;
	v24 =	vperm.xlane v26, v1;
	v32 =	vld [tilespmem:s17+$0x0];
	v20 =	vmul.f32 v8, v20  }
0x7b: {  	s9 =	simm.s32 $0xA4E0;
	[tilespmem:s7+$0x80] =	vst v22;
	v22 =	vld [tilespmem:s15+$0x40];
	v16 =	vmul.f32 $2.000000030e-01, v7;
	v18 =	vadd.f32 v19, v18;
	(erf) = vpow2.f32 v9  }
0x7c: {  	v59 =	vperm.xlane v27, v2;
	v8 =	vperm.xlane v17, v3;
	vm9 =	vge.f32 v7, $0.0e+00;
	[tilespmem:s7+$0xFFFFFF80] =	vst v20;
	v20 =	vld [tilespmem:s9+$0x0]  }
0x7d: {  	v19 =	vld [tilespmem:s17+$0xFFFFFFB0];
	v7 =	vsel vm9, v7, v16;
	v33 =	vmul.f32 $2.000000030e-01, v18;
	v9 =	vmul.f32 $2.000000030e-01, v14  }
0x7e: {  	vm11 =	vge.f32 v14, $0.0e+00;
	v16 =	vld [tilespmem:s8+$0xFFFFFFD0];
	v7 =	vmul.f32 $1.442695020e+00, v7;
	v10 =	vmul.f32 v10, v28  }
0x7f: {  	[tilespmem:s7+$0x10] =	vst v11;
	v13 =	vmul.f32 v31, v13;
	vm10 =	vge.f32 v18, $0.0e+00;
	v28 =	vld [tilespmem:s15+$0x90];
	v9 =	vsel vm11, v14, v9  }
0x80: {  	v12 =	vsel vm10, v18, v33;
	v18 =	vld [tilespmem:s8+$0x20];
	(erf) = vpow2.f32 v7;
	[tilespmem:s11+$0x60] =	vst v10;
	v9 =	vmul.f32 $1.442695020e+00, v9  }
0x81: {  	[tilespmem:s11+$0xFFFFFF60] =	vst v13;
	v7 =	vmul.f32 v32, v29;
	v12 =	vmul.f32 $1.442695020e+00, v12;
	v11 =	vld [tilespmem:s17+$0x70]  }
0x82: {  	v10 =	vmul.f32 v19, v25;
	v19 =	vld [tilespmem:s17+$0xFFFFFF70];
	(erf) = vpow2.f32 v9  }
0x83: {  	v31 =	vperm.xlane v17, v2;
	[tilespmem:s11+$0x0] =	vst v7;
	v21 =	vmul.f32 v16, v21;
	v16 =	vld [tilespmem:s9+$0x10]  }
0x84: {  	s10 =	simm.s32 $0xB720;
	v7 =	vperm.xlane v15, v2;
	[tilespmem:s11+$0xFFFFFFB0] =	vst v10;
	(erf) = vpow2.f32 v12;
	v12 =	vld [tilespmem:s17+$0x10];
	v14 =	vpop (erf)  }
0x85: {  	v13 =	vperm.xlane v27, v1;
	v25 =	vperm.xlane v26, v2;
	v10 =	vld [tilespmem:s17+$0xFFFFFFC0];
	[tilespmem:s10+$0x90] =	vst v14  }
0x86: {  	v15 =	vperm.xlane v15, v3;
	v7 =	vmul.f32 v11, v7;
	v11 =	vld [tilespmem:s12+$0x50]  }
0x87: {  	v37 =	vld [tilespmem:s15+$0xFFFFFFA0];
	v9 =	vperm.xlane v26, v3;
	v23 =	vmul.f32 v18, v23  }
0x88: {  	v24 =	vmul.f32 v19, v24;
	v16 =	vadd.f32 v16, v28;
	[tilespmem:s11+$0x70] =	vst v7;
	v7 =	vperm.xlane v27, v3;
	v27 =	vld [tilespmem:s9+$0xFFFFFFE0]  }
0x89: {  	v20 =	vadd.f32 v20, v22;
	v18 =	vperm.xlane v14, v0;
	v29 =	vmul.f32 v12, v13;
	v13 =	vld [tilespmem:s15+$0xFFFFFFF0]  }
0x8a: {  	[tilespmem:s7+$0x20] =	vst v23;
	v26 =	vmul.f32 v10, v30;
	v10 =	vpop (erf);
	v61 =	vmul.f32 $2.000000030e-01, v16;
	v17 =	vld [tilespmem:s17+$0x80]  }
0x8b: {  	vm14 =	vge.f32 v20, $0.0e+00;
	v30 =	vld [tilespmem:s9+$0xFFFFFFF0];
	[tilespmem:s11+$0x10] =	vst v29;
	v29 =	vmul.f32 $2.000000030e-01, v20;
	v12 =	vpop (erf);
	v35 =	vmul.f32 v11, v18  }
0x8c: {  	vm12 =	vge.f32 v16, $0.0e+00;
	v60 =	vperm.xlane v10, v0;
	[tilespmem:s11+$0xFFFFFFC0] =	vst v26;
	v34 =	vperm.xlane v12, v0  }
0x8d: {  	v23 =	vld [tilespmem:s8+$0x30];
	v19 =	vperm.xlane v12, v1;
	v20 =	vsel vm14, v20, v29;
	v18 =	vperm.xlane v10, v1;
	[tilespmem:s10+$0x50] =	vst v35  }
0x8e: {  	[tilespmem:s10+$0xFFFFFFA0] =	vst v12;
	v11 =	vpop (erf);
	v26 =	vadd.f32 v27, v37;
	v27 =	vperm.xlane v14, v1;
	v20 =	vmul.f32 $1.442695020e+00, v20;
	v39 =	vld [tilespmem:s12+$0x60]  }
0x8f: {  	[tilespmem:s11+$0xFFFFFF70] =	vst v24;
	v38 =	vld [tilespmem:s12+$0xFFFFFF60];
	v36 =	vperm.xlane v11, v0;
	v28 =	vmul.f32 v17, v15;
	v35 =	vsel vm12, v16, v61  }
0x90: {  	v63 =	vld [tilespmem:s17+$0xFFFFFF80];
	[tilespmem:s10+$0xFFFFFFF0] =	vst v10;
	v30 =	vadd.f32 v30, v13;
	v17 =	vperm.xlane v11, v1;
	v22 =	vmul.f32 $1.442695020e+00, v35  }
0x91: {  	v40 =	vld [tilespmem:s12+$0xFFFFFFB0];
	v15 =	vperm.xlane v12, v2;
	[tilespmem:s10+$0x40] =	vst v11;
	v13 =	vperm.xlane v11, v2  }
0x92: {  	v24 =	vmul.f32 $2.000000030e-01, v30;
	v62 =	vld [tilespmem:s12+$0x0];
	(erf) = vpow2.f32 v22  }
0x93: {  	[tilespmem:s7+$0xFFFFFFD0] =	vst v21;
	v41 =	vld [tilespmem:s17+$0xFFFFFFD0];
	vm13 =	vge.f32 v30, $0.0e+00;
	v21 =	vmul.f32 v39, v27;
	v27 =	vmul.f32 $2.000000030e-01, v26  }
0x94: {  	vm15 =	vge.f32 v26, $0.0e+00;
	[tilespmem:s11+$0x80] =	vst v28;
	v24 =	vsel vm13, v30, v24;
	v30 =	vld [tilespmem:s17+$0x20];
	v28 =	vmul.f32 v38, v34  }
0x95: {  	v16 =	vperm.xlane v10, v2;
	v22 =	vld [tilespmem:s8+$0xFFFFFF90];
	v24 =	vmul.f32 $1.442695020e+00, v24;
	v26 =	vsel vm15, v26, v27;
	[tilespmem:s10+$0x60] =	vst v21  }
0x96: {  	v29 =	vmul.f32 v40, v60;
	[tilespmem:s10+$0xFFFFFF60] =	vst v28;
	v26 =	vmul.f32 $1.442695020e+00, v26;
	v27 =	vld [tilespmem:s12+$0x70]  }
0x97: {  	(erf) = vpow2.f32 v24;
	v24 =	vmul.f32 v62, v36;
	v28 =	vld [tilespmem:s12+$0xFFFFFF70]  }
0x98: {  	[tilespmem:s10+$0xFFFFFFB0] =	vst v29;
	v21 =	vld [tilespmem:s8+$0xFFFFFFE0];
	(erf) = vpow2.f32 v26;
	v26 =	vmul.f32 v63, v25  }
0x99: {  	v29 =	vperm.xlane v14, v2;
	[tilespmem:s10+$0x0] =	vst v24;
	v25 =	vld [tilespmem:s12+$0xFFFFFFC0];
	(erf) = vpow2.f32 v20  }
0x9a: {  	s13 =	simm.s32 $0xC;
	s6 =	simm.s32 $0x59A0;
	v24 =	vld [tilespmem:s12+$0x10];
	s8 =	simm.s32 $0xB720;
	v20 =	vmul.f32 v30, v59;
	[tilespmem:s11+$0xFFFFFF80] =	vst v26;
	v26 =	vmul.f32 v41, v31  }
.LBB2_3:
0x9b: {  	v30 =	vld [tilespmem:s6+$0x90];
	s9 =	sadd.s32 $0x40, s9;
	v31 =	vpop (erf);
	v12 =	vperm.xlane v12, v3;
	v27 =	vmul.f32 v27, v29;
	s10 =	sadd.s32 $0x140, s10  }
0x9c: {  	v10 =	vperm.xlane v10, v3;
	v29 =	vld [tilespmem:s9+$0x10];
	[tilespmem:s10+$0x90] =	vst v31;
	v19 =	vmul.f32 v28, v19  }
0x9d: {  	v11 =	vperm.xlane v11, v3;
	v22 =	vmul.f32 v22, v6;
	v6 =	vmovc v9;
	v28 =	vld [tilespmem:s15+$0x50];
	[tilespmem:s8+$0x70] =	vst v27;
	v9 =	vmov v12  }
0x9e: {  	v21 =	vmul.f32 v21, v5;
	v5 =	vmovc v8;
	v8 =	vmov v10;
	[tilespmem:s8+$0xFFFFFF70] =	vst v19;
	v19 =	vmul.f32 v25, v18;
	v18 =	vld [tilespmem:s12+$0x80]  }
0x9f: {  	s13 =	sadd.s32 $0x4, s13;
	v23 =	vmul.f32 v23, v4;
	v4 =	vmovc v7;
	v7 =	vmov v11;
	v25 =	vld [tilespmem:s9+$0xFFFFFFE0];
	v24 =	vmul.f32 v24, v17;
	[tilespmem:s11+$0xFFFFFFD0] =	vst v26  }
0xa0: {  	p0 =	slt.u32 s13, $0x7C;
	v34 =	vperm.xlane v31, v0;
	v26 =	vld [tilespmem:s6+$0xFFFFFFF0];
	v10 =	vpop (erf);
	[tilespmem:s8+$0xFFFFFFC0] =	vst v19  }
0xa1: {  	v17 =	vperm.xlane v14, v3;
	v14 =	vmov v31;
	v27 =	vld [tilespmem:s9+$0xFFFFFFF0];
	[tilespmem:s10+$0xFFFFFFF0] =	vst v10;
	v32 =	vperm.xlane v10, v0;
	v12 =	vpop (erf)  }
0xa2: {  	v31 =	vld [tilespmem:s6+$0x40];
	[tilespmem:s10+$0xFFFFFFA0] =	vst v12;
	v33 =	vperm.xlane v12, v0;
	v28 =	vmul.f32 v28, v34;
	v11 =	vpop (erf)  }
0xa3: {  	v29 =	vadd.f32 v29, v30;
	v34 =	vld [tilespmem:s9+$0x0];
	[tilespmem:s10+$0x40] =	vst v11;
	v30 =	vperm.xlane v11, v0;
	v35 =	vmul.f32 v18, v17  }
0xa4: {  	v19 =	vperm.xlane v12, v1;
	v18 =	vperm.xlane v10, v1;
	v36 =	vld [tilespmem:s6+$0xFFFFFFA0];
	[tilespmem:s10+$0x50] =	vst v28  }
0xa5: {  	v17 =	vperm.xlane v11, v1;
	v28 =	vmul.f32 $2.000000030e-01, v29;
	v37 =	vld [tilespmem:s15+$0xFFFFFF60];
	[tilespmem:s8+$0x80] =	vst v35  }
0xa6: {  	vm0 =	vge.f32 v29, $0.0e+00;
	v35 =	vperm.xlane v12, v2;
	v26 =	vadd.f32 v27, v26;
	v27 =	vld [tilespmem:s15+$0x60];
	[tilespmem:s8+$0x10] =	vst v24  }
0xa7: {  	v38 =	vperm.xlane v10, v2;
	v39 =	vperm.xlane v11, v2;
	v24 =	vsel vm0, v29, v28;
	v28 =	vld [tilespmem:s15+$0xFFFFFFB0];
	[tilespmem:s11+$0x20] =	vst v20  }
0xa8: {  	v24 =	vmul.f32 $1.442695020e+00, v24;
	v20 =	vmul.f32 $2.000000030e-01, v26;
	v29 =	vadd.f32 v34, v31;
	v31 =	vld [tilespmem:s15+$0x0];
	[tilespmem:s7+$0xFFFFFF90] =	vst v22  }
0xa9: {  	vm0 =	vge.f32 v26, $0.0e+00;
	v22 =	vperm.xlane v14, v1;
	v25 =	vadd.f32 v25, v36;
	v34 =	vld [tilespmem:s12+$0xFFFFFF80];
	[tilespmem:s7+$0xFFFFFFE0] =	vst v21  }
0xaa: {  	vm1 =	vge.f32 v29, $0.0e+00;
	v21 =	vmul.f32 $2.000000030e-01, v29;
	(erf) = vpow2.f32 v24;
	v36 =	vld [tilespmem:s12+$0xFFFFFFD0];
	[tilespmem:s7+$0x30] =	vst v23;
	s7 =	smov.u32 s11;
	s11 =	smov.u32 s8;
	s8 =	smov.u32 s10  }
0xab: {  	vm2 =	vge.f32 v25, $0.0e+00;
	v23 =	vmul.f32 $2.000000030e-01, v25;
	v24 =	vmul.f32 v27, v22;
	v40 =	vld [tilespmem:s12+$0x20]  }
0xac: {  	v20 =	vsel vm0, v26, v20;
	v26 =	vmul.f32 v37, v33;
	v21 =	vsel vm1, v29, v21;
	v22 =	vld [tilespmem:s17+$0xFFFFFF90]  }
0xad: {  	v20 =	vmul.f32 $1.442695020e+00, v20;
	v23 =	vsel vm2, v25, v23;
	v25 =	vmul.f32 $1.442695020e+00, v21;
	[tilespmem:s10+$0x60] =	vst v24;
	v21 =	vld [tilespmem:s17+$0xFFFFFFE0]  }
.Ltmp0:
0xae: {  	v24 =	vmul.f32 v28, v32;
	v23 =	vmul.f32 $1.442695020e+00, v23;
	[tilespmem:s10+$0xFFFFFF60] =	vst v26;
	v27 =	vld [tilespmem:s15+$0x70];
	(pc) =	sbr.rel @p0 .LBB2_3-.Ltmp0, $4  }
0xaf: {  	(erf) = vpow2.f32 v20;
	v28 =	vld [tilespmem:s15+$0xFFFFFF70];
	v20 =	vmul.f32 v31, v30  }
0xb0: {  	v26 =	vmul.f32 v34, v15;
	v15 =	vmov v35;
	(erf) = vpow2.f32 v23;
	[tilespmem:s10+$0xFFFFFFB0] =	vst v24;
	v23 =	vld [tilespmem:s17+$0x30];
	s17 =	smov.u32 s12;
	s12 =	smov.u32 s15;
	s15 =	smov.u32 s6  }
0xb1: {  	v29 =	vperm.xlane v14, v2;
	(erf) = vpow2.f32 v25;
	v25 =	vld [tilespmem:s12+$0xFFFFFFC0];
	[tilespmem:s10+$0x0] =	vst v20  }
0xb2: {  	s6 =	sadd.s32 $0x140, s6;
	v20 =	vmul.f32 v40, v13;
	v13 =	vmovc v39;
	v24 =	vld [tilespmem:s12+$0x10];
	[tilespmem:s11+$0xFFFFFF80] =	vst v26;
	v26 =	vmul.f32 v36, v16;
	v16 =	vmov v38  }
0xb3: {  	v30 =	vpop (erf);
	s3 =	sadd.s32 $0x140, s10  }
0xb4: {  	[tilespmem:s3+$0x90] =	vst v30  }
0xb5: {  	v31 =	vld [tilespmem:s15+$0x50];
	_ =	sdelay $0x2  }
0xb6: {  	v32 =	vperm.xlane v30, v0  }
0xb7: {  	v27 =	vmul.f32 v27, v29  }
0xb8: {  	v31 =	vmul.f32 v31, v32  }
0xb9: {  	[tilespmem:s11+$0xFFFFFFD0] =	vst v26  }
0xba: {  	v19 =	vmul.f32 v28, v19;
	[tilespmem:s3+$0x50] =	vst v31  }
0xbb: {  	[tilespmem:s8+$0x70] =	vst v27;
	v27 =	vpop (erf);
	v28 =	vld [tilespmem:s15+$0x60]  }
0xbc: {  	[tilespmem:s8+$0xFFFFFF70] =	vst v19;
	v19 =	vld [tilespmem:s12+$0x80];
	v29 =	vpop (erf)  }
0xbd: {  	[tilespmem:s3+$0xFFFFFFA0] =	vst v29  }
0xbe: {  	v6 =	vmul.f32 v22, v6;
	v33 =	vperm.xlane v30, v1;
	[tilespmem:s3+$0xFFFFFFF0] =	vst v27;
	v56 =	vld [tilespmem:s15+$0xFFFFFF60];
	v31 =	vpop (erf)  }
0xbf: {  	v14 =	vperm.xlane v14, v3;
	v18 =	vmul.f32 v25, v18;
	v25 =	vld [tilespmem:s15+$0xFFFFFFB0];
	[tilespmem:s3+$0x40] =	vst v31  }
0xc0: {  	[tilespmem:s7+$0xFFFFFF90] =	vst v6;
	v26 =	vld [tilespmem:s15+$0x0];
	v28 =	vmul.f32 v28, v33  }
0xc1: {  	[tilespmem:s8+$0xFFFFFFC0] =	vst v18;
	v18 =	vperm.xlane v29, v0;
	v14 =	vmul.f32 v19, v14  }
0xc2: {  	v17 =	vmul.f32 v24, v17;
	v19 =	vperm.xlane v27, v0;
	[tilespmem:s3+$0x60] =	vst v28  }
0xc3: {  	[tilespmem:s8+$0x80] =	vst v14;
	v24 =	vperm.xlane v31, v0;
	v14 =	vmul.f32 v56, v18;
	v18 =	vld [tilespmem:s15+$0x70]  }
0xc4: {  	[tilespmem:s8+$0x10] =	vst v17;
	v17 =	vmul.f32 v25, v19  }
0xc5: {  	v6 =	vld [tilespmem:s12+$0xFFFFFF80];
	[tilespmem:s3+$0xFFFFFF60] =	vst v14;
	v14 =	vmul.f32 v26, v24  }
0xc6: {  	[tilespmem:s3+$0xFFFFFFB0] =	vst v17;
	v17 =	vperm.xlane v30, v2;
	v19 =	vld [tilespmem:s15+$0xFFFFFF70]  }
0xc7: {  	v4 =	vmul.f32 v23, v4;
	v22 =	vld [tilespmem:s15+$0xFFFFFFC0];
	[tilespmem:s3+$0x0] =	vst v14  }
0xc8: {  	[tilespmem:s11+$0x20] =	vst v20;
	v14 =	vld [tilespmem:s15+$0x10];
	v17 =	vmul.f32 v18, v17  }
0xc9: {  	v5 =	vmul.f32 v21, v5;
	[tilespmem:s7+$0x30] =	vst v4;
	v21 =	vld [tilespmem:s12+$0xFFFFFFD0];
	v18 =	vperm.xlane v29, v1  }
0xca: {  	v20 =	vperm.xlane v27, v1;
	v4 =	vld [tilespmem:s12+$0x20];
	[tilespmem:s3+$0x70] =	vst v17  }
0xcb: {  	[tilespmem:s7+$0xFFFFFFE0] =	vst v5;
	v17 =	vperm.xlane v31, v1;
	v5 =	vmul.f32 v19, v18;
	v18 =	vld [tilespmem:s15+$0x80]  }
0xcc: {  	v19 =	vmul.f32 v22, v20  }
0xcd: {  	v20 =	vld [tilespmem:s17+$0xFFFFFF90];
	[tilespmem:s3+$0xFFFFFF70] =	vst v5;
	v5 =	vmul.f32 v14, v17  }
0xce: {  	v6 =	vmul.f32 v6, v15;
	[tilespmem:s3+$0xFFFFFFC0] =	vst v19;
	v14 =	vperm.xlane v30, v3;
	v15 =	vld [tilespmem:s15+$0xFFFFFF80]  }
0xcf: {  	v16 =	vmul.f32 v21, v16;
	[tilespmem:s3+$0x10] =	vst v5;
	v5 =	vld [tilespmem:s15+$0xFFFFFFD0]  }
0xd0: {  	[tilespmem:s8+$0xFFFFFF80] =	vst v6;
	v4 =	vmul.f32 v4, v13;
	v6 =	vmul.f32 v18, v14;
	v14 =	vld [tilespmem:s15+$0x20]  }
0xd1: {  	[tilespmem:s8+$0xFFFFFFD0] =	vst v16;
	v17 =	vperm.xlane v29, v2;
	v18 =	vld [tilespmem:s17+$0xFFFFFFE0]  }
0xd2: {  	v13 =	vperm.xlane v27, v2;
	v16 =	vld [tilespmem:s17+$0x30];
	[tilespmem:s8+$0x20] =	vst v4;
	v9 =	vmul.f32 v20, v9  }
0xd3: {  	v4 =	vld [tilespmem:s12+$0xFFFFFF90];
	[tilespmem:s3+$0x80] =	vst v6;
	v6 =	vperm.xlane v31, v2;
	v15 =	vmul.f32 v15, v17  }
0xd4: {  	[tilespmem:s11+$0xFFFFFF90] =	vst v9;
	v9 =	vld [tilespmem:s12+$0xFFFFFFE0];
	v5 =	vmul.f32 v5, v13  }
0xd5: {  	v13 =	vld [tilespmem:s12+$0x30];
	[tilespmem:s3+$0xFFFFFF80] =	vst v15;
	v6 =	vmul.f32 v14, v6  }
0xd6: {  	v12 =	vperm.xlane v12, v3;
	v8 =	vmul.f32 v18, v8;
	[tilespmem:s3+$0xFFFFFFD0] =	vst v5;
	v5 =	vld [tilespmem:s15+$0xFFFFFF90]  }
0xd7: {  	v10 =	vperm.xlane v10, v3;
	v7 =	vmul.f32 v16, v7;
	[tilespmem:s3+$0x20] =	vst v6;
	v6 =	vld [tilespmem:s15+$0xFFFFFFE0]  }
0xd8: {  	v11 =	vperm.xlane v11, v3;
	v4 =	vmul.f32 v4, v12;
	[tilespmem:s11+$0xFFFFFFE0] =	vst v8;
	v8 =	vld [tilespmem:s15+$0x30]  }
0xd9: {  	v12 =	vperm.xlane v29, v3;
	[tilespmem:s11+$0x30] =	vst v7;
	v7 =	vmul.f32 v9, v10  }
0xda: {  	[tilespmem:s8+$0xFFFFFF90] =	vst v4;
	v9 =	vperm.xlane v27, v3;
	v10 =	vmul.f32 v13, v11  }
0xdb: {  	v4 =	vperm.xlane v31, v3;
	[tilespmem:s8+$0xFFFFFFE0] =	vst v7;
	v5 =	vmul.f32 v5, v12  }
0xdc: {  	[tilespmem:s8+$0x30] =	vst v10;
	v6 =	vmul.f32 v6, v9  }
0xdd: {  	[tilespmem:s3+$0xFFFFFF90] =	vst v5;
	v4 =	vmul.f32 v8, v4  }
0xde: {  	s17 =	sshll.u32 s16, $0x8;
	[tilespmem:s3+$0xFFFFFFE0] =	vst v6  }
0xdf: {  	s8 =	sadd.s32 $0x100, s17;
	[tilespmem:s3+$0x30] =	vst v4  }
0xe0: {  	[tilespmem:s21], [sflag:$0x1] =	stream.indirect.gather [hbm4b:s4+s20], $0x50, s8, s20, $0xb8;
	[tilespmem:$0x1CC00] =	vst v63  }
0xe1: {  	s9 =	sadd.s32 $0x2B00, s17;
	s24 =	sand.u32 $0x3FFFFF00, s17  }
0xe2: {  	[tilespmem:s22], [sflag:$0x3] =	stream.indirect.gather [hbm4b:s5+s20], $0x10, s9, s20, $0xb8;
	[tilespmem:$0x1CC00] =	vst v63  }
0xe3: {  	s10 =	sadd.s32 $0x2A00, s24  }
0xe4: {  	[spmem:s2] =	stream.indirect.scatter.add.f32 [tilespmem:s18], [sflag:$0x5], $0x50, s10, s20, $0xb8;
	[tilespmem:$0x1CC00] =	vst v63  }
0xe5: {  	_ =	swait.ge [sflag:s30], $0x2800  }
0xe6: {  	[sflag:s30] =	ssyncset.done $0x0  }
0xe7: {  	[sflag:s30] =	ssyncadd.s32 $0xFFFFD800  }
0xe8: {  	_ =	swait.ge [sflag:s31], $0x800  }
0xe9: {  	[sflag:s31] =	ssyncset.done $0x0  }
0xea: {  	[sflag:s31] =	ssyncadd.s32 $0xFFFFF800  }
0xeb: {  	_ =	swait.ge [sflag:s0], $0x2800  }
0xec: {  	[sflag:s0] =	ssyncset.done $0x0  }
0xed: {  	s9 =	simm.s32 $0x7D30;
	[sflag:s0] =	ssyncadd.s32 $0xFFFFD800  }
0xee: {  	s11 =	simm.s32 $0xAC30;
	v4 =	vld [tilespmem:s9+$0x0]  }
0xef: {  	v5 =	vld [tilespmem:s11+$0x0];
	_ =	sdelay $0x4  }
0xf0: {  	v4 =	vadd.f32 v5, v4;
	_ =	sdelay $0x1  }
0xf1: {  	v7 =	vld [tilespmem:s9+$0xFFFFFF60];
	v6 =	vmul.f32 $2.000000030e-01, v4  }
0xf2: {  	v8 =	vld [tilespmem:s11+$0xFFFFFFE0];
	vm0 =	vge.f32 v4, $0.0e+00  }
0xf3: {  	v5 =	vld [tilespmem:s11+$0xFFFFFFD0];
	v4 =	vsel vm0, v4, v6  }
0xf4: {  	v6 =	vld [tilespmem:s9+$0xFFFFFF10];
	v4 =	vmul.f32 $1.442695020e+00, v4  }
0xf5: {  	v9 =	vld [tilespmem:s9+$0xFFFFFFB0]  }
0xf6: {  	v10 =	vld [tilespmem:s11+$0xFFFFFFF0];
	(erf) = vpow2.f32 v4;
	_ =	sdelay $0x1  }
0xf7: {  	v4 =	vadd.f32 v8, v7  }
0xf8: {  	v5 =	vadd.f32 v5, v6  }
0xf9: {  	v6 =	vmul.f32 $2.000000030e-01, v4  }
0xfa: {  	v7 =	vadd.f32 v10, v9;
	vm15 =	vge.f32 v4, $0.0e+00;
	v8 =	vmul.f32 $2.000000030e-01, v5  }
0xfb: {  	vm1 =	vge.f32 v5, $0.0e+00;
	v4 =	vsel vm15, v4, v6  }
0xfc: {  	v6 =	vmul.f32 $2.000000030e-01, v7;
	v4 =	vmul.f32 $1.442695020e+00, v4;
	v5 =	vsel vm1, v5, v8  }
0xfd: {  	s7 =	simm.s32 $0x7E70;
	vm4 =	vge.f32 v7, $0.0e+00;
	v5 =	vmul.f32 $1.442695020e+00, v5  }
0xfe: {  	s12 =	simm.s32 $0xAC70;
	s11 =	simm.s32 $0xDD30;
	v6 =	vsel vm4, v7, v6;
	(erf) = vpow2.f32 v4;
	v4 =	vld [tilespmem:s7+$0x0];
	v7 =	vpop (erf)  }
0xff: {  	(erf) = vpow2.f32 v5;
	v5 =	vld [tilespmem:s12+$0x0];
	[tilespmem:s11+$0x0] =	vst v7  }
0x100: {  	v6 =	vmul.f32 $1.442695020e+00, v6;
	v8 =	vld [tilespmem:s9+$0xFFFFFFC0];
	_ =	sdelay $0x1  }
0x101: {  	(erf) = vpow2.f32 v6  }
0x102: {  	v11 =	vld [tilespmem:s12+$0xFFFFFFE0];
	v10 =	vperm.xlane v7, v0  }
0x103: {  	v12 =	vld [tilespmem:s7+$0xFFFFFFB0]  }
0x104: {  	v9 =	vld [tilespmem:s7+$0xFFFFFF60];
	v4 =	vadd.f32 v5, v4;
	v8 =	vmul.f32 v8, v10  }
0x105: {  	v13 =	vld [tilespmem:s7+$0xFFFFFF10]  }
0x106: {  	v6 =	vld [tilespmem:s12+$0xFFFFFFD0];
	[tilespmem:s11+$0xFFFFFFC0] =	vst v8;
	v8 =	vmul.f32 $2.000000030e-01, v4  }
0x107: {  	v5 =	vld [tilespmem:s12+$0xFFFFFFF0];
	v10 =	vpop (erf);
	vm5 =	vge.f32 v4, $0.0e+00  }
0x108: {  	[tilespmem:s11+$0xFFFFFF60] =	vst v10;
	v15 =	vld [tilespmem:s9+$0xFFFFFFD0];
	v4 =	vsel vm5, v4, v8  }
0x109: {  	v9 =	vadd.f32 v11, v9;
	v14 =	vpop (erf);
	v11 =	vld [tilespmem:s9+$0xFFFFFF20];
	v4 =	vmul.f32 $1.442695020e+00, v4  }
0x10a: {  	v19 =	vperm.xlane v7, v1;
	v21 =	vperm.xlane v10, v2;
	[tilespmem:s11+$0xFFFFFF10] =	vst v14;
	v16 =	vpop (erf)  }
0x10b: {  	v6 =	vadd.f32 v6, v13;
	v18 =	vperm.xlane v14, v0;
	v17 =	vld [tilespmem:s9+$0xFFFFFED0];
	[tilespmem:s11+$0xFFFFFFB0] =	vst v16;
	(erf) = vpow2.f32 v4  }
0x10c: {  	v5 =	vadd.f32 v5, v12;
	v8 =	vperm.xlane v10, v0;
	v20 =	vperm.xlane v16, v0;
	v12 =	vld [tilespmem:s9+$0xFFFFFF70]  }
0x10d: {  	vm6 =	vge.f32 v9, $0.0e+00;
	v4 =	vmul.f32 $2.000000030e-01, v9;
	v13 =	vmul.f32 v15, v19  }
0x10e: {  	s13 =	simm.s32 $0xACB0;
	vm2 =	vge.f32 v6, $0.0e+00;
	v8 =	vmul.f32 v11, v8;
	v15 =	vmul.f32 $2.000000030e-01, v5  }
0x10f: {  	v24 =	vld [tilespmem:s13+$0xFFFFFFE0];
	v23 =	vperm.xlane v16, v2;
	vm7 =	vge.f32 v5, $0.0e+00;
	v19 =	vmul.f32 $2.000000030e-01, v6;
	[tilespmem:s11+$0xFFFFFFD0] =	vst v13  }
0x110: {  	v17 =	vmul.f32 v17, v18;
	v4 =	vsel vm6, v9, v4;
	[tilespmem:s11+$0xFFFFFF20] =	vst v8;
	v5 =	vsel vm7, v5, v15;
	v9 =	vld [tilespmem:s9+$0xFFFFFFE0]  }
0x111: {  	s15 =	simm.s32 $0x7FB0;
	v6 =	vsel vm2, v6, v19;
	v4 =	vmul.f32 $1.442695020e+00, v4;
	v11 =	vmul.f32 v12, v20;
	v8 =	vld [tilespmem:s9+$0xFFFFFF30]  }
0x112: {  	v13 =	vld [tilespmem:s15+$0x0];
	[tilespmem:s11+$0xFFFFFED0] =	vst v17;
	v5 =	vmul.f32 $1.442695020e+00, v5;
	v6 =	vmul.f32 $1.442695020e+00, v6  }
0x113: {  	v12 =	vld [tilespmem:s9+$0xFFFFFEE0];
	(erf) = vpow2.f32 v4;
	[tilespmem:s11+$0xFFFFFF70] =	vst v11;
	v4 =	vperm.xlane v7, v2  }
0x114: {  	s12 =	simm.s32 $0xDE70;
	v18 =	vperm.xlane v16, v1;
	(erf) = vpow2.f32 v6;
	v11 =	vld [tilespmem:s9+$0xFFFFFF80];
	v15 =	vpop (erf)  }
0x115: {  	(erf) = vpow2.f32 v5;
	v4 =	vmul.f32 v9, v4;
	v9 =	vld [tilespmem:s13+$0x0];
	[tilespmem:s12+$0x0] =	vst v15  }
0x116: {  	v20 =	vperm.xlane v14, v2;
	v5 =	vperm.xlane v14, v1;
	v19 =	vld [tilespmem:s7+$0xFFFFFFC0]  }
0x117: {  	v28 =	vld [tilespmem:s15+$0xFFFFFF10];
	v17 =	vperm.xlane v10, v1;
	v6 =	vperm.xlane v14, v3  }
0x118: {  	v14 =	vld [tilespmem:s13+$0xFFFFFFD0];
	v12 =	vmul.f32 v12, v5;
	v5 =	vperm.xlane v10, v3  }
0x119: {  	v10 =	vld [tilespmem:s15+$0xFFFFFF60];
	[tilespmem:s11+$0xFFFFFFE0] =	vst v4;
	v4 =	vperm.xlane v16, v3;
	v16 =	vperm.xlane v15, v0  }
0x11a: {  	v8 =	vmul.f32 v8, v17;
	v11 =	vmul.f32 v11, v18;
	v18 =	vld [tilespmem:s15+$0xFFFFFFB0]  }
0x11b: {  	v22 =	vld [tilespmem:s9+$0xFFFFFFF0];
	[tilespmem:s11+$0xFFFFFEE0] =	vst v12;
	v9 =	vadd.f32 v9, v13;
	v16 =	vmul.f32 v19, v16  }
0x11c: {  	v7 =	vperm.xlane v7, v3;
	[tilespmem:s11+$0xFFFFFF30] =	vst v8;
	v8 =	vld [tilespmem:s9+$0xFFFFFEF0];
	v17 =	vpop (erf)  }
0x11d: {  	v14 =	vadd.f32 v14, v28;
	v28 =	vperm.xlane v15, v1;
	v26 =	vpop (erf);
	v19 =	vld [tilespmem:s13+$0xFFFFFFF0];
	[tilespmem:s12+$0xFFFFFFC0] =	vst v16;
	v16 =	vmul.f32 $2.000000030e-01, v9  }
0x11e: {  	v25 =	vperm.xlane v17, v0;
	v30 =	vperm.xlane v17, v1;
	v27 =	vpop (erf);
	[tilespmem:s12+$0xFFFFFF10] =	vst v26;
	vm8 =	vge.f32 v9, $0.0e+00  }
0x11f: {  	v13 =	vperm.xlane v26, v0;
	v29 =	vperm.xlane v27, v0;
	v31 =	vld [tilespmem:s7+$0xFFFFFED0];
	v9 =	vsel vm8, v9, v16  }
0x120: {  	v22 =	vmul.f32 v22, v7;
	v7 =	vadd.f32 v24, v10;
	[tilespmem:s12+$0xFFFFFFB0] =	vst v27;
	v10 =	vld [tilespmem:s7+$0xFFFFFFD0];
	v9 =	vmul.f32 $1.442695020e+00, v9  }
0x121: {  	s8 =	simm.s32 $0x80F0;
	[tilespmem:s12+$0xFFFFFF60] =	vst v17;
	v24 =	vperm.xlane v26, v1;
	v57 =	vld [tilespmem:s7+$0xFFFFFF70];
	v20 =	vmul.f32 v8, v20  }
0x122: {  	s10 =	simm.s32 $0xACF0;
	[tilespmem:s11+$0xFFFFFFF0] =	vst v22;
	v22 =	vld [tilespmem:s8+$0xFFFFFFB0];
	v16 =	vmul.f32 $2.000000030e-01, v7;
	v18 =	vadd.f32 v19, v18;
	(erf) = vpow2.f32 v9  }
0x123: {  	v59 =	vperm.xlane v27, v2;
	v8 =	vperm.xlane v17, v3;
	vm9 =	vge.f32 v7, $0.0e+00;
	[tilespmem:s11+$0xFFFFFEF0] =	vst v20;
	v20 =	vld [tilespmem:s10+$0xFFFFFFF0]  }
0x124: {  	v19 =	vld [tilespmem:s7+$0xFFFFFF20];
	v7 =	vsel vm9, v7, v16;
	v58 =	vmul.f32 $2.000000030e-01, v18;
	v9 =	vmul.f32 $2.000000030e-01, v14  }
0x125: {  	vm11 =	vge.f32 v14, $0.0e+00;
	v16 =	vld [tilespmem:s9+$0xFFFFFF40];
	v7 =	vmul.f32 $1.442695020e+00, v7;
	v10 =	vmul.f32 v10, v28  }
0x126: {  	[tilespmem:s11+$0xFFFFFF80] =	vst v11;
	v13 =	vmul.f32 v31, v13;
	vm10 =	vge.f32 v18, $0.0e+00;
	v28 =	vld [tilespmem:s8+$0x0];
	v9 =	vsel vm11, v14, v9  }
0x127: {  	v12 =	vsel vm10, v18, v58;
	v18 =	vld [tilespmem:s9+$0xFFFFFF90];
	(erf) = vpow2.f32 v7;
	[tilespmem:s12+$0xFFFFFFD0] =	vst v10;
	v9 =	vmul.f32 $1.442695020e+00, v9  }
0x128: {  	[tilespmem:s12+$0xFFFFFED0] =	vst v13;
	v7 =	vmul.f32 v57, v29;
	v12 =	vmul.f32 $1.442695020e+00, v12;
	v11 =	vld [tilespmem:s7+$0xFFFFFFE0]  }
0x129: {  	v10 =	vmul.f32 v19, v25;
	v19 =	vld [tilespmem:s7+$0xFFFFFEE0];
	(erf) = vpow2.f32 v9  }
0x12a: {  	v31 =	vperm.xlane v17, v2;
	[tilespmem:s12+$0xFFFFFF70] =	vst v7;
	v21 =	vmul.f32 v16, v21;
	v16 =	vld [tilespmem:s10+$0x0]  }
0x12b: {  	s13 =	simm.s32 $0xDFB0;
	v7 =	vperm.xlane v15, v2;
	[tilespmem:s12+$0xFFFFFF20] =	vst v10;
	(erf) = vpow2.f32 v12;
	v12 =	vld [tilespmem:s7+$0xFFFFFF80];
	v14 =	vpop (erf)  }
0x12c: {  	v13 =	vperm.xlane v27, v1;
	v25 =	vperm.xlane v26, v2;
	v10 =	vld [tilespmem:s7+$0xFFFFFF30];
	[tilespmem:s13+$0x0] =	vst v14  }
0x12d: {  	v15 =	vperm.xlane v15, v3;
	v7 =	vmul.f32 v11, v7;
	v11 =	vld [tilespmem:s15+$0xFFFFFFC0]  }
0x12e: {  	v37 =	vld [tilespmem:s8+$0xFFFFFF10];
	v9 =	vperm.xlane v26, v3;
	v23 =	vmul.f32 v18, v23  }
0x12f: {  	v24 =	vmul.f32 v19, v24;
	v16 =	vadd.f32 v16, v28;
	[tilespmem:s12+$0xFFFFFFE0] =	vst v7;
	v7 =	vperm.xlane v27, v3;
	v27 =	vld [tilespmem:s10+$0xFFFFFFD0]  }
0x130: {  	v20 =	vadd.f32 v20, v22;
	v18 =	vperm.xlane v14, v0;
	v29 =	vmul.f32 v12, v13;
	v13 =	vld [tilespmem:s8+$0xFFFFFF60]  }
0x131: {  	[tilespmem:s11+$0xFFFFFF90] =	vst v23;
	v26 =	vmul.f32 v10, v30;
	v10 =	vpop (erf);
	v61 =	vmul.f32 $2.000000030e-01, v16;
	v17 =	vld [tilespmem:s7+$0xFFFFFFF0]  }
0x132: {  	vm14 =	vge.f32 v20, $0.0e+00;
	v30 =	vld [tilespmem:s10+$0xFFFFFFE0];
	[tilespmem:s12+$0xFFFFFF80] =	vst v29;
	v29 =	vmul.f32 $2.000000030e-01, v20;
	v12 =	vpop (erf);
	v35 =	vmul.f32 v11, v18  }
0x133: {  	vm12 =	vge.f32 v16, $0.0e+00;
	v60 =	vperm.xlane v10, v0;
	[tilespmem:s12+$0xFFFFFF30] =	vst v26;
	v34 =	vperm.xlane v12, v0  }
0x134: {  	v23 =	vld [tilespmem:s9+$0xFFFFFFA0];
	v19 =	vperm.xlane v12, v1;
	v20 =	vsel vm14, v20, v29;
	v18 =	vperm.xlane v10, v1;
	[tilespmem:s13+$0xFFFFFFC0] =	vst v35  }
0x135: {  	[tilespmem:s13+$0xFFFFFF10] =	vst v12;
	v11 =	vpop (erf);
	v26 =	vadd.f32 v27, v37;
	v27 =	vperm.xlane v14, v1;
	v20 =	vmul.f32 $1.442695020e+00, v20;
	v39 =	vld [tilespmem:s15+$0xFFFFFFD0]  }
0x136: {  	[tilespmem:s12+$0xFFFFFEE0] =	vst v24;
	v38 =	vld [tilespmem:s15+$0xFFFFFED0];
	v36 =	vperm.xlane v11, v0;
	v28 =	vmul.f32 v17, v15;
	v35 =	vsel vm12, v16, v61  }
0x137: {  	v63 =	vld [tilespmem:s7+$0xFFFFFEF0];
	[tilespmem:s13+$0xFFFFFF60] =	vst v10;
	v30 =	vadd.f32 v30, v13;
	v17 =	vperm.xlane v11, v1;
	v22 =	vmul.f32 $1.442695020e+00, v35  }
0x138: {  	v40 =	vld [tilespmem:s15+$0xFFFFFF20];
	v15 =	vperm.xlane v12, v2;
	[tilespmem:s13+$0xFFFFFFB0] =	vst v11;
	v13 =	vperm.xlane v11, v2  }
0x139: {  	v24 =	vmul.f32 $2.000000030e-01, v30;
	v62 =	vld [tilespmem:s15+$0xFFFFFF70];
	(erf) = vpow2.f32 v22  }
0x13a: {  	[tilespmem:s11+$0xFFFFFF40] =	vst v21;
	v41 =	vld [tilespmem:s7+$0xFFFFFF40];
	vm13 =	vge.f32 v30, $0.0e+00;
	v21 =	vmul.f32 v39, v27;
	v27 =	vmul.f32 $2.000000030e-01, v26  }
0x13b: {  	vm15 =	vge.f32 v26, $0.0e+00;
	[tilespmem:s12+$0xFFFFFFF0] =	vst v28;
	v24 =	vsel vm13, v30, v24;
	v30 =	vld [tilespmem:s7+$0xFFFFFF90];
	v28 =	vmul.f32 v38, v34  }
0x13c: {  	v16 =	vperm.xlane v10, v2;
	v22 =	vld [tilespmem:s9+$0xFFFFFF00];
	v24 =	vmul.f32 $1.442695020e+00, v24;
	v26 =	vsel vm15, v26, v27;
	[tilespmem:s13+$0xFFFFFFD0] =	vst v21  }
0x13d: {  	v29 =	vmul.f32 v40, v60;
	[tilespmem:s13+$0xFFFFFED0] =	vst v28;
	v26 =	vmul.f32 $1.442695020e+00, v26;
	v27 =	vld [tilespmem:s15+$0xFFFFFFE0]  }
0x13e: {  	(erf) = vpow2.f32 v24;
	v24 =	vmul.f32 v62, v36;
	v28 =	vld [tilespmem:s15+$0xFFFFFEE0]  }
0x13f: {  	[tilespmem:s13+$0xFFFFFF20] =	vst v29;
	v21 =	vld [tilespmem:s9+$0xFFFFFF50];
	(erf) = vpow2.f32 v26;
	v26 =	vmul.f32 v63, v25  }
0x140: {  	v29 =	vperm.xlane v14, v2;
	[tilespmem:s13+$0xFFFFFF70] =	vst v24;
	v25 =	vld [tilespmem:s15+$0xFFFFFF30];
	(erf) = vpow2.f32 v20  }
0x141: {  	s6 =	simm.s32 $0xC;
	s3 =	simm.s32 $0x8230;
	v24 =	vld [tilespmem:s15+$0xFFFFFF80];
	s9 =	simm.s32 $0xDFB0;
	v20 =	vmul.f32 v30, v59;
	[tilespmem:s12+$0xFFFFFEF0] =	vst v26;
	v26 =	vmul.f32 v41, v31  }
.LBB2_5:
0x142: {  	v30 =	vld [tilespmem:s3+$0x0];
	s10 =	sadd.s32 $0x40, s10;
	v31 =	vpop (erf);
	v12 =	vperm.xlane v12, v3;
	v27 =	vmul.f32 v27, v29;
	s13 =	sadd.s32 $0x140, s13  }
0x143: {  	v10 =	vperm.xlane v10, v3;
	v29 =	vld [tilespmem:s10+$0x0];
	[tilespmem:s13+$0x0] =	vst v31;
	v19 =	vmul.f32 v28, v19  }
0x144: {  	v11 =	vperm.xlane v11, v3;
	v22 =	vmul.f32 v22, v6;
	v6 =	vmovc v9;
	v28 =	vld [tilespmem:s8+$0xFFFFFFC0];
	[tilespmem:s9+$0xFFFFFFE0] =	vst v27;
	v9 =	vmov v12  }
0x145: {  	v21 =	vmul.f32 v21, v5;
	v5 =	vmovc v8;
	v8 =	vmov v10;
	[tilespmem:s9+$0xFFFFFEE0] =	vst v19;
	v19 =	vmul.f32 v25, v18;
	v18 =	vld [tilespmem:s15+$0xFFFFFFF0]  }
0x146: {  	s6 =	sadd.s32 $0x4, s6;
	v23 =	vmul.f32 v23, v4;
	v4 =	vmovc v7;
	v7 =	vmov v11;
	v25 =	vld [tilespmem:s10+$0xFFFFFFD0];
	v24 =	vmul.f32 v24, v17;
	[tilespmem:s12+$0xFFFFFF40] =	vst v26  }
0x147: {  	p0 =	slt.u32 s6, $0x7C;
	v34 =	vperm.xlane v31, v0;
	v26 =	vld [tilespmem:s3+$0xFFFFFF60];
	v10 =	vpop (erf);
	[tilespmem:s9+$0xFFFFFF30] =	vst v19  }
0x148: {  	v17 =	vperm.xlane v14, v3;
	v14 =	vmov v31;
	v27 =	vld [tilespmem:s10+$0xFFFFFFE0];
	[tilespmem:s13+$0xFFFFFF60] =	vst v10;
	v32 =	vperm.xlane v10, v0;
	v12 =	vpop (erf)  }
0x149: {  	v31 =	vld [tilespmem:s3+$0xFFFFFFB0];
	[tilespmem:s13+$0xFFFFFF10] =	vst v12;
	v33 =	vperm.xlane v12, v0;
	v28 =	vmul.f32 v28, v34;
	v11 =	vpop (erf)  }
0x14a: {  	v29 =	vadd.f32 v29, v30;
	v34 =	vld [tilespmem:s10+$0xFFFFFFF0];
	[tilespmem:s13+$0xFFFFFFB0] =	vst v11;
	v30 =	vperm.xlane v11, v0;
	v35 =	vmul.f32 v18, v17  }
0x14b: {  	v19 =	vperm.xlane v12, v1;
	v18 =	vperm.xlane v10, v1;
	v36 =	vld [tilespmem:s3+$0xFFFFFF10];
	[tilespmem:s13+$0xFFFFFFC0] =	vst v28  }
0x14c: {  	v17 =	vperm.xlane v11, v1;
	v28 =	vmul.f32 $2.000000030e-01, v29;
	v37 =	vld [tilespmem:s8+$0xFFFFFED0];
	[tilespmem:s9+$0xFFFFFFF0] =	vst v35  }
0x14d: {  	vm0 =	vge.f32 v29, $0.0e+00;
	v35 =	vperm.xlane v12, v2;
	v26 =	vadd.f32 v27, v26;
	v27 =	vld [tilespmem:s8+$0xFFFFFFD0];
	[tilespmem:s9+$0xFFFFFF80] =	vst v24  }
0x14e: {  	v38 =	vperm.xlane v10, v2;
	v39 =	vperm.xlane v11, v2;
	v24 =	vsel vm0, v29, v28;
	v28 =	vld [tilespmem:s8+$0xFFFFFF20];
	[tilespmem:s12+$0xFFFFFF90] =	vst v20  }
0x14f: {  	v24 =	vmul.f32 $1.442695020e+00, v24;
	v20 =	vmul.f32 $2.000000030e-01, v26;
	v29 =	vadd.f32 v34, v31;
	v31 =	vld [tilespmem:s8+$0xFFFFFF70];
	[tilespmem:s11+$0xFFFFFF00] =	vst v22  }
0x150: {  	vm0 =	vge.f32 v26, $0.0e+00;
	v22 =	vperm.xlane v14, v1;
	v25 =	vadd.f32 v25, v36;
	v34 =	vld [tilespmem:s15+$0xFFFFFEF0];
	[tilespmem:s11+$0xFFFFFF50] =	vst v21  }
0x151: {  	vm1 =	vge.f32 v29, $0.0e+00;
	v21 =	vmul.f32 $2.000000030e-01, v29;
	(erf) = vpow2.f32 v24;
	v36 =	vld [tilespmem:s15+$0xFFFFFF40];
	[tilespmem:s11+$0xFFFFFFA0] =	vst v23;
	s11 =	smov.u32 s12;
	s12 =	smov.u32 s9;
	s9 =	smov.u32 s13  }
0x152: {  	vm2 =	vge.f32 v25, $0.0e+00;
	v23 =	vmul.f32 $2.000000030e-01, v25;
	v24 =	vmul.f32 v27, v22;
	v40 =	vld [tilespmem:s15+$0xFFFFFF90]  }
0x153: {  	v20 =	vsel vm0, v26, v20;
	v26 =	vmul.f32 v37, v33;
	v21 =	vsel vm1, v29, v21;
	v22 =	vld [tilespmem:s7+$0xFFFFFF00]  }
0x154: {  	v20 =	vmul.f32 $1.442695020e+00, v20;
	v23 =	vsel vm2, v25, v23;
	v25 =	vmul.f32 $1.442695020e+00, v21;
	[tilespmem:s13+$0xFFFFFFD0] =	vst v24;
	v21 =	vld [tilespmem:s7+$0xFFFFFF50]  }
.Ltmp1:
0x155: {  	v24 =	vmul.f32 v28, v32;
	v23 =	vmul.f32 $1.442695020e+00, v23;
	[tilespmem:s13+$0xFFFFFED0] =	vst v26;
	v27 =	vld [tilespmem:s8+$0xFFFFFFE0];
	(pc) =	sbr.rel @p0 .LBB2_5-.Ltmp1, $4  }
0x156: {  	(erf) = vpow2.f32 v20;
	v28 =	vld [tilespmem:s8+$0xFFFFFEE0];
	v20 =	vmul.f32 v31, v30  }
0x157: {  	v26 =	vmul.f32 v34, v15;
	v15 =	vmov v35;
	(erf) = vpow2.f32 v23;
	[tilespmem:s13+$0xFFFFFF20] =	vst v24;
	v23 =	vld [tilespmem:s7+$0xFFFFFFA0];
	s7 =	smov.u32 s15;
	s15 =	smov.u32 s8;
	s8 =	smov.u32 s3  }
0x158: {  	v29 =	vperm.xlane v14, v2;
	(erf) = vpow2.f32 v25;
	v25 =	vld [tilespmem:s15+$0xFFFFFF30];
	[tilespmem:s13+$0xFFFFFF70] =	vst v20  }
0x159: {  	s3 =	sadd.s32 $0x140, s3;
	v20 =	vmul.f32 v40, v13;
	v13 =	vmovc v39;
	v24 =	vld [tilespmem:s15+$0xFFFFFF80];
	[tilespmem:s12+$0xFFFFFEF0] =	vst v26;
	v26 =	vmul.f32 v36, v16;
	v16 =	vmov v38  }
0x15a: {  	v30 =	vpop (erf);
	s3 =	sadd.s32 $0x140, s13  }
0x15b: {  	[tilespmem:s3+$0x0] =	vst v30  }
0x15c: {  	v31 =	vld [tilespmem:s8+$0xFFFFFFC0];
	_ =	sdelay $0x2  }
0x15d: {  	v27 =	vmul.f32 v27, v29;
	v32 =	vperm.xlane v30, v0;
	_ =	sdelay $0x1  }
0x15e: {  	v31 =	vmul.f32 v31, v32  }
0x15f: {  	[tilespmem:s9+$0xFFFFFFE0] =	vst v27  }
0x160: {  	v27 =	vpop (erf);
	[tilespmem:s3+$0xFFFFFFC0] =	vst v31  }
0x161: {  	[tilespmem:s12+$0xFFFFFF40] =	vst v26;
	v29 =	vpop (erf);
	v57 =	vld [tilespmem:s8+$0xFFFFFFD0]  }
0x162: {  	[tilespmem:s3+$0xFFFFFF10] =	vst v29  }
0x163: {  	[tilespmem:s3+$0xFFFFFF60] =	vst v27;
	v59 =	vld [tilespmem:s8+$0xFFFFFED0];
	v31 =	vpop (erf)  }
0x164: {  	v6 =	vmul.f32 v22, v6;
	v33 =	vperm.xlane v30, v1;
	v60 =	vld [tilespmem:s8+$0xFFFFFF20];
	[tilespmem:s3+$0xFFFFFFB0] =	vst v31  }
0x165: {  	v5 =	vmul.f32 v21, v5;
	v19 =	vmul.f32 v28, v19;
	[tilespmem:s12+$0xFFFFFF90] =	vst v20;
	v61 =	vld [tilespmem:s8+$0xFFFFFF70]  }
0x166: {  	[tilespmem:s11+$0xFFFFFF00] =	vst v6;
	v58 =	vld [tilespmem:s15+$0xFFFFFFF0];
	v62 =	vperm.xlane v29, v0;
	v28 =	vmul.f32 v57, v33  }
0x167: {  	[tilespmem:s11+$0xFFFFFF50] =	vst v5;
	v63 =	vperm.xlane v27, v0  }
0x168: {  	v32 =	vmul.f32 v59, v62;
	[tilespmem:s3+$0xFFFFFFD0] =	vst v28;
	v28 =	vperm.xlane v31, v0  }
0x169: {  	v14 =	vperm.xlane v14, v3;
	[tilespmem:s9+$0xFFFFFEE0] =	vst v19;
	v34 =	vmul.f32 v60, v63  }
0x16a: {  	v46 =	vld [tilespmem:s7+$0xFFFFFF00];
	[tilespmem:s3+$0xFFFFFED0] =	vst v32;
	v35 =	vmul.f32 v61, v28  }
0x16b: {  	v14 =	vmul.f32 v58, v14;
	[tilespmem:s3+$0xFFFFFF20] =	vst v34;
	v36 =	vld [tilespmem:s8+$0xFFFFFEE0]  }
0x16c: {  	v18 =	vmul.f32 v25, v18;
	v38 =	vld [tilespmem:s8+$0xFFFFFF30];
	[tilespmem:s3+$0xFFFFFF70] =	vst v35  }
0x16d: {  	v17 =	vmul.f32 v24, v17;
	[tilespmem:s9+$0xFFFFFFF0] =	vst v14;
	v14 =	vld [tilespmem:s8+$0xFFFFFF80]  }
0x16e: {  	v4 =	vmul.f32 v23, v4;
	v40 =	vld [tilespmem:s15+$0xFFFFFEF0];
	[tilespmem:s9+$0xFFFFFF30] =	vst v18;
	v39 =	vperm.xlane v29, v1  }
0x16f: {  	v9 =	vmul.f32 v46, v9;
	[tilespmem:s9+$0xFFFFFF80] =	vst v17;
	v41 =	vperm.xlane v27, v1;
	v42 =	vld [tilespmem:s15+$0xFFFFFF40]  }
0x170: {  	[tilespmem:s11+$0xFFFFFFA0] =	vst v4;
	v4 =	vld [tilespmem:s15+$0xFFFFFF90];
	v43 =	vperm.xlane v31, v1;
	v5 =	vmul.f32 v36, v39  }
0x171: {  	v52 =	vld [tilespmem:s7+$0xFFFFFF50];
	[tilespmem:s12+$0xFFFFFF00] =	vst v9;
	v45 =	vmul.f32 v38, v41  }
0x172: {  	v33 =	vld [tilespmem:s8+$0xFFFFFFE0];
	[tilespmem:s3+$0xFFFFFEE0] =	vst v5;
	v5 =	vmul.f32 v14, v43  }
0x173: {  	v6 =	vmul.f32 v40, v15;
	[tilespmem:s3+$0xFFFFFF30] =	vst v45;
	v48 =	vld [tilespmem:s8+$0xFFFFFEF0]  }
0x174: {  	v16 =	vmul.f32 v42, v16;
	[tilespmem:s3+$0xFFFFFF80] =	vst v5;
	v5 =	vld [tilespmem:s8+$0xFFFFFF40]  }
0x175: {  	v37 =	vperm.xlane v30, v2;
	[tilespmem:s9+$0xFFFFFEF0] =	vst v6;
	v4 =	vmul.f32 v4, v13;
	v50 =	vld [tilespmem:s8+$0xFFFFFF90]  }
0x176: {  	v54 =	vld [tilespmem:s7+$0xFFFFFFA0];
	v51 =	vperm.xlane v29, v2;
	v8 =	vmul.f32 v52, v8;
	[tilespmem:s9+$0xFFFFFF40] =	vst v16  }
0x177: {  	v53 =	vperm.xlane v27, v2;
	[tilespmem:s9+$0xFFFFFF90] =	vst v4;
	v4 =	vld [tilespmem:s15+$0xFFFFFF00];
	v17 =	vmul.f32 v33, v37  }
0x178: {  	[tilespmem:s12+$0xFFFFFF50] =	vst v8;
	v55 =	vperm.xlane v31, v2;
	v56 =	vld [tilespmem:s15+$0xFFFFFF50];
	v15 =	vmul.f32 v48, v51  }
0x179: {  	v57 =	vld [tilespmem:s15+$0xFFFFFFA0];
	[tilespmem:s3+$0xFFFFFFE0] =	vst v17;
	v5 =	vmul.f32 v5, v53  }
0x17a: {  	v12 =	vperm.xlane v12, v3;
	v44 =	vld [tilespmem:s8+$0xFFFFFFF0];
	[tilespmem:s3+$0xFFFFFEF0] =	vst v15;
	v6 =	vmul.f32 v50, v55  }
0x17b: {  	v10 =	vperm.xlane v10, v3;
	v7 =	vmul.f32 v54, v7;
	[tilespmem:s3+$0xFFFFFF40] =	vst v5;
	v5 =	vld [tilespmem:s8+$0xFFFFFF00]  }
0x17c: {  	v11 =	vperm.xlane v11, v3;
	v4 =	vmul.f32 v4, v12;
	[tilespmem:s3+$0xFFFFFF90] =	vst v6;
	v58 =	vld [tilespmem:s8+$0xFFFFFF50]  }
0x17d: {  	v47 =	vperm.xlane v30, v3;
	[tilespmem:s12+$0xFFFFFFA0] =	vst v7;
	v61 =	vmul.f32 v56, v10;
	v59 =	vld [tilespmem:s8+$0xFFFFFFA0]  }
0x17e: {  	v60 =	vperm.xlane v29, v3;
	v63 =	vmul.f32 v57, v11;
	[tilespmem:s9+$0xFFFFFF00] =	vst v4  }
0x17f: {  	v62 =	vperm.xlane v27, v3;
	[tilespmem:s9+$0xFFFFFF50] =	vst v61;
	v49 =	vmul.f32 v44, v47  }
0x180: {  	v4 =	vperm.xlane v31, v3;
	[tilespmem:s9+$0xFFFFFFA0] =	vst v63;
	v5 =	vmul.f32 v5, v60  }
0x181: {  	[tilespmem:s3+$0xFFFFFFF0] =	vst v49;
	v6 =	vmul.f32 v58, v62  }
0x182: {  	v4 =	vmul.f32 v59, v4;
	[tilespmem:s3+$0xFFFFFF00] =	vst v5  }
0x183: {  	s16 =	sadd.s32 $0x1, s16;
	[tilespmem:s3+$0xFFFFFF50] =	vst v6  }
0x184: {  	p0 =	sne.s32 s16, $0x29;
	s15 =	sadd.s32 $0x180, s17;
	[tilespmem:s3+$0xFFFFFFA0] =	vst v4  }
0x185: {  	[tilespmem:s23], [sflag:$0x2] =	stream.indirect.gather [hbm4b:s4+s20], $0x50, s15, s20, $0xb8;
	[tilespmem:$0x1CC00] =	vst v63  }
.Ltmp2:
0x186: {  	_ = 	snop;
	(pc) =	sbr.rel @p0 .LBB2_2-.Ltmp2, $4  }
0x187: {  	s17 =	sadd.s32 $0x2B80, s17  }
0x188: {  	[tilespmem:s25], [sflag:$0x4] =	stream.indirect.gather [hbm4b:s5+s20], $0x10, s17, s20, $0xb8;
	[tilespmem:$0x1CC00] =	vst v63  }
0x189: {  	s24 =	sadd.s32 $0x2A80, s24  }
0x18a: {  	[spmem:s2] =	stream.indirect.scatter.add.f32 [tilespmem:s19], [sflag:$0x6], $0x50, s24, s20, $0xb8;
	[tilespmem:$0x1CC00] =	vst v63  }
0x18b: {  	_ =	swait.ge [sflag:s26], $0x2800  }
0x18c: {  	[sflag:s26] =	ssyncset.done $0x0  }
0x18d: {  	[sflag:s26] =	ssyncadd.s32 $0xFFFFD800  }
0x18e: {  	_ =	swait.ge [sflag:s28], $0x800  }
0x18f: {  	[sflag:s28] =	ssyncset.done $0x0  }
0x190: {  	[sflag:s28] =	ssyncadd.s32 $0xFFFFF800  }
0x191: {  	_ =	swait.ge [sflag:s30], $0x2800  }
0x192: {  	[sflag:s30] =	ssyncset.done $0x0  }
0x193: {  	[sflag:s30] =	ssyncadd.s32 $0xFFFFD800  }
0x194: {  	_ =	swait.ge [sflag:s31], $0x800  }
0x195: {  	[sflag:s31] =	ssyncset.done $0x0  }
0x196: {  	[sflag:s31] =	ssyncadd.s32 $0xFFFFF800  }
0x197: {  	_ =	swait.ge [sflag:s29], $0x2800  }
0x198: {  	[sflag:s29] =	ssyncset.done $0x0  }
0x199: {  	[sflag:s29] =	ssyncadd.s32 $0xFFFFD800  }
0x19a: {  	_ =	swait.ge [sflag:s0], $0x2800  }
0x19b: {  	[sflag:s0] =	ssyncset.done $0x0  }
0x19c: {  	[sflag:s0] =	ssyncadd.s32 $0xFFFFD800  }
0x19d: {  	[bflag:$0x0] =	sbarrier.arrive $0xFFFF  }
0x19e: {  	s7 =	rddreg [dreg:$0x5]  }
0x19f: {  	s3 =	rddreg [dreg:$0x8]  }
0x1a0: {  	s6 =	rddreg [dreg:$0xa]  }
0x1a1: {  	[hbm:s3], [sflag:s7] =	dma.local [spmem:s6], $0x1900  }
0x1a2: {  	_ =	swait.ge [sflag:s14], $0x1900  }
0x1a3: {  	s1 =	sadd.s32 $0x1, s1;
	s24 =	rddreg [dreg:$0x9]  }
0x1a4: {  	p0 =	sne.s32 s1, s24  }
.Ltmp3:
0x1a5: {  	_ = 	snop;
	(pc) =	sbr.rel @p0 .LBB2_1-.Ltmp3, $3  }
0x1a6: {  	_ =	sdelay $0x1  }
0x1a7: {  	[sflag:s14] =	ssyncset.done $0x0  }
0x1a8: {  	[sflag:s14] =	ssyncadd.s32 $0xFFFFE700  }
0x1a9: {  	_ =	sfence.sel $0x180000  }
0x1aa: {  	[bflag:$0x0] =	sbarrier.arrive $0xFFFF  }
0x1ab: {  	_ =	strace $0x90000047  }
0x1ac: {  	s0 =	stileid.u32;
	[bflag:$0x2] =	sbarrier.arrive $0xFFFF  }
0x1ad: {  	p0 =	sne.s32 s0, $0x0;
	s0 =	rddreg [dreg:$0x2]  }
0x1ae: {  	s0 =	sadd.s32 @!p0 $0x100000, s0  }
0x1af: {  	[sflag:s0] =	ssyncadd.tile.s32 @!p0 $0x1;
	_ =	shalt  }
.Lfunc_end2:
_tile_overlayer_lowered:
.L_overlay_start_2:
0x1b0: {  	(tag) =	ssettag $0x2  }
0x1b1: {  	s0 =	rddreg [dreg:$0x0];
	s2 =	stileid.u32  }
0x1b2: {  	s1 =	rddreg [dreg:$0x1];
	p0 =	sne.s32 s2, $0x0  }
0x1b3: {  	s3 =	rddreg [dreg:$0x2];
	[bflag:$0x3] =	sbarrier.arrive $0xFFFF;
	s2 =	simm.s32 @!p0 $0x1C07  }
0x1b4: {  	[timem:s3], [sflag:s2] =	dma.local @!p0 [hbm:s0], s1  }
0x1b5: {  	s0 =	simm.s32 @!p0 $0x7  }
0x1b6: {  	_ =	swait.ge @!p0 [sflag:s0], s1  }
0x1b7: {  	s1 =	ssub.s32 @!p0 $0x0, s1;
	[sflag:s0] =	ssyncset.done @!p0 $0x0  }
0x1b8: {  	[sflag:s0] =	ssyncadd.s32 @!p0 s1  }
0x1b9: {  	[bflag:$0x3] =	sbarrier.arrive $0xFFFF  }
0x1ba: {  	_ =	shalt  }

</sc_bundles>
